<compile_context>
chip_gen: v7x
topology: tpu7x:2x2x1
jax: 0.10.2.dev20260603
libtpu: 0.0.44.dev20260713+nightly
codegen_flags: <defaults>
</compile_context>

<pallas_src>
import dataclasses
import functools

import jax
import jax.numpy as jnp
from jax import lax
from jax.experimental import pallas as pl
from jax.experimental.pallas import tpu as pltpu
from jax.experimental.pallas import tpu_sc as plsc

N = 10000
NPAD = 10240
E = 320000
F = 128

NC = 2
NS = 16
NW = NC * NS
CHUNK = 128
NCHUNK = E // CHUNK
CPW = -(-NCHUNK // NW)
ROWS_PER_SUB = NPAD // NS
E2 = 327680
NCHUNK2 = E2 // CHUNK
CPW2 = NCHUNK2 // NW
NBUF = 5
EPW = E2 // NW
DEGBLK = 1024

_mesh = plsc.VectorSubcoreMesh(core_axis_name="c", subcore_axis_name="s")


_cp = pltpu.CompilerParams()
if "needs_layout_passes" in pltpu.CompilerParams.__dataclass_fields__:
    _cp = dataclasses.replace(_cp, needs_layout_passes=False)


@functools.partial(
    pl.kernel,
    mesh=_mesh,
    out_type=jax.ShapeDtypeStruct((NW, NPAD), jnp.float32),
    compiler_params=_cp,
    scratch_types=[
        pltpu.VMEM((DEGBLK,), jnp.int32),
        pltpu.VMEM((NPAD,), jnp.float32),
    ],
)
def _deg_kernel(ei1_hbm, zeros_hbm, out_hbm, idx_v, deg_v):
    cid = lax.axis_index("c")
    sid = lax.axis_index("s")
    w = sid * NC + cid
    pltpu.sync_copy(zeros_hbm, deg_v)
    ones = jnp.ones((16,), jnp.float32)
    base = E2 + w * EPW

    @pl.loop(0, EPW // DEGBLK)
    def _(k):
        pltpu.sync_copy(ei1_hbm.at[pl.ds(base + k * DEGBLK, DEGBLK)], idx_v)

        @pl.loop(0, DEGBLK, step=16)
        def _(j):
            plsc.addupdate_scatter(deg_v, [idx_v[pl.ds(j, 16)]], ones)

    pltpu.sync_copy(deg_v, out_hbm.at[w])


IDXBLK = 8
HCHUNK = CHUNK // 2
NBLK = CPW2 // IDXBLK


@functools.partial(
    pl.kernel,
    mesh=_mesh,
    out_type=jax.ShapeDtypeStruct((NC, NPAD, F), jnp.float32),
    scratch_types=[
        pltpu.VMEM((IDXBLK, CHUNK), jnp.int32),
        pltpu.VMEM((IDXBLK, CHUNK), jnp.int32),
        pltpu.VMEM((IDXBLK, CHUNK), jnp.int32),
        pltpu.VMEM((IDXBLK, CHUNK), jnp.int32),
        pltpu.VMEM((CHUNK, F), jnp.float32),
        pltpu.VMEM((CHUNK, F), jnp.float32),
        pltpu.VMEM((HCHUNK,), jnp.int32),
        pltpu.VMEM((HCHUNK,), jnp.int32),
        pltpu.VMEM((HCHUNK,), jnp.int32),
        pltpu.VMEM((HCHUNK,), jnp.int32),
        pltpu.VMEM((CHUNK,), jnp.int32),
        pltpu.VMEM((CHUNK,), jnp.int32),
        pltpu.VMEM_SHARED((NPAD, F), jnp.float32),
        pltpu.SemaphoreType.DMA,
        pltpu.SemaphoreType.DMA,
        pltpu.SemaphoreType.DMA,
        pltpu.SemaphoreType.DMA,
    ],
)
def _agg_kernel(y_hbm, ei2_hbm, out_hbm,
                si_a, si_b, di_a, di_b, rows0, rows1,
                dh0a, dh0b, dh1a, dh1b, sc0, sc1,
                acc_sh, gs0, gs1, ss_a, ss_b):
    cid = lax.axis_index("c")
    sid = lax.axis_index("s")
    rr0 = sid * ROWS_PER_SUB

    @pl.loop(0, CHUNK)
    def _(r):
        for c in range(0, F, 16):
            rows0[r, pl.ds(c, 16)] = jnp.zeros((16,), jnp.float32)

    @pl.loop(0, ROWS_PER_SUB, step=CHUNK)
    def _(rr):
        pltpu.sync_copy(rows0, acc_sh.at[pl.ds(rr0 + rr, CHUNK)])

    w = sid * NC + cid
    row0 = w * CPW2

    def load_blk(b, si, di):
        pltpu.sync_copy(ei2_hbm.at[pl.ds(row0 + b * IDXBLK, IDXBLK)], si)
        pltpu.sync_copy(
            ei2_hbm.at[pl.ds(NCHUNK2 + row0 + b * IDXBLK, IDXBLK)], di)

    def gather(si, m, rbuf, sem, sc):
        for t in range(0, CHUNK, 16):
            sc[pl.ds(t, 16)] = si[m, pl.ds(t, 16)]
        pltpu.async_copy(y_hbm.at[sc], rbuf, sem)

    def wait_g(rbuf, sem):
        pltpu.make_async_copy(y_hbm.at[pl.ds(0, CHUNK)], rbuf, sem).wait()

    def scatter(di, m, rbuf, dca, dcb):
        for t in range(0, HCHUNK, 16):
            dca[pl.ds(t, 16)] = di[m, pl.ds(t, 16)]
            dcb[pl.ds(t, 16)] = di[m, pl.ds(HCHUNK + t, 16)]
        pltpu.async_copy(rbuf.at[pl.ds(0, HCHUNK)], acc_sh.at[dca], ss_a,
                         add=True)
        pltpu.async_copy(rbuf.at[pl.ds(HCHUNK, HCHUNK)], acc_sh.at[dcb], ss_b,
                         add=True)
        pltpu.make_async_copy(y_hbm.at[pl.ds(0, HCHUNK)],
                              rbuf.at[pl.ds(0, HCHUNK)], ss_a).wait()
        pltpu.make_async_copy(y_hbm.at[pl.ds(0, HCHUNK)],
                              rbuf.at[pl.ds(HCHUNK, HCHUNK)], ss_b).wait()

    def process(si, di, nsi, next_guard):
        @pl.loop(0, (IDXBLK - 2) // 2)
        def _(mm):
            m0 = 2 * mm
            wait_g(rows0, gs0)
            scatter(di, m0, rows0, dh0a, dh0b)
            gather(si, m0 + 2, rows0, gs0, sc0)
            wait_g(rows1, gs1)
            scatter(di, m0 + 1, rows1, dh1a, dh1b)
            gather(si, m0 + 3, rows1, gs1, sc1)

        wait_g(rows0, gs0)
        scatter(di, IDXBLK - 2, rows0, dh0a, dh0b)
        if next_guard is None:
            gather(nsi, 0, rows0, gs0, sc0)
        else:
            @pl.when(next_guard)
            def _():
                gather(nsi, 0, rows0, gs0, sc0)
        wait_g(rows1, gs1)
        scatter(di, IDXBLK - 1, rows1, dh1a, dh1b)
        if next_guard is None:
            gather(nsi, 1, rows1, gs1, sc1)
        else:
            @pl.when(next_guard)
            def _():
                gather(nsi, 1, rows1, gs1, sc1)

    plsc.subcore_barrier()

    load_blk(0, si_a, di_a)
    gather(si_a, 0, rows0, gs0, sc0)
    gather(si_a, 1, rows1, gs1, sc1)

    @pl.loop(0, NBLK // 2)
    def _(j):
        b_a = 2 * j
        load_blk(b_a + 1, si_b, di_b)
        process(si_a, di_a, si_b, None)

        @pl.when(j < NBLK // 2 - 1)
        def _():
            load_blk(b_a + 2, si_a, di_a)

        process(si_b, di_b, si_a, j < NBLK // 2 - 1)

    plsc.subcore_barrier()
    pltpu.sync_copy(acc_sh.at[pl.ds(rr0, ROWS_PER_SUB)],
                    out_hbm.at[cid].at[pl.ds(rr0, ROWS_PER_SUB)])


_MM_BLK = 1024


def _mm_body(x_ref, w_ref, b_ref, h_ref):
    h_ref[...] = (
        jnp.dot(x_ref[...], w_ref[...], preferred_element_type=jnp.float32)
        + b_ref[...]
    )


def _matmul(x, W, b2):
    return pl.pallas_call(
        _mm_body,
        grid=(NPAD // _MM_BLK,),
        in_specs=[
            pl.BlockSpec((_MM_BLK, F), lambda i: (i, 0)),
            pl.BlockSpec((F, F), lambda i: (0, 0)),
            pl.BlockSpec((1, F), lambda i: (0, 0)),
        ],
        out_specs=pl.BlockSpec((_MM_BLK, F), lambda i: (i, 0)),
        out_shape=jax.ShapeDtypeStruct((NPAD, F), jnp.float32),
    )(x, W, b2)


def _dis_from_parts(dp):
    deg = jnp.sum(dp, axis=0)[:, None]
    return lax.rsqrt(jnp.maximum(deg, 1.0))


def _scale_body(h_ref, dp_ref, y_ref):
    y_ref[...] = h_ref[...] * _dis_from_parts(dp_ref[...])


def _scale(h, deg_parts):
    return pl.pallas_call(
        _scale_body,
        grid=(NPAD // _MM_BLK,),
        in_specs=[
            pl.BlockSpec((_MM_BLK, F), lambda i: (i, 0)),
            pl.BlockSpec((NW, _MM_BLK), lambda i: (0, i)),
        ],
        out_specs=pl.BlockSpec((_MM_BLK, F), lambda i: (i, 0)),
        out_shape=jax.ShapeDtypeStruct((NPAD, F), jnp.float32),
    )(h, deg_parts)


def _final_body(acc_ref, dp_ref, o_ref):
    z = (acc_ref[0] + acc_ref[1]) * _dis_from_parts(dp_ref[...])
    m = jnp.max(z, axis=1, keepdims=True)
    lse = jnp.log(jnp.sum(jnp.exp(z - m), axis=1, keepdims=True)) + m
    o_ref[...] = z - lse


def _final(acc, deg_parts):
    return pl.pallas_call(
        _final_body,
        grid=(NPAD // _MM_BLK,),
        in_specs=[
            pl.BlockSpec((NC, _MM_BLK, F), lambda i: (0, i, 0)),
            pl.BlockSpec((NW, _MM_BLK), lambda i: (0, i)),
        ],
        out_specs=pl.BlockSpec((_MM_BLK, F), lambda i: (i, 0)),
        out_shape=jax.ShapeDtypeStruct((N, F), jnp.float32),
    )(acc, deg_parts)


def kernel(inputs, edge_index, epoch, W, b):
    del epoch
    pad = E2 - E
    pad_iota = jnp.arange(pad, dtype=jnp.int32)
    pad2 = jnp.stack([pad_iota % N, N + pad_iota % (NPAD - N)])
    ei2 = jnp.concatenate([edge_index.astype(jnp.int32), pad2],
                          axis=1).reshape(2 * NCHUNK2, CHUNK)
    zeros1 = jnp.zeros((NPAD,), jnp.float32)
    b2 = b.reshape(1, F)

    deg_parts = _deg_kernel(ei2.reshape(2 * E2), zeros1)
    h = _matmul(inputs, W, b2)
    y = _scale(h, deg_parts)
    acc = _agg_kernel(y, ei2)
    return _final(acc, deg_parts)

# --- scband reference (transcript-rebuilt; emitter-appended) ---
"""Pipeline reference for scband-ladies-25769803776282 (READ-ONLY COPY).

The authoritative reference and input builder live on the scoring server;
editing this copy changes nothing except your own understanding.
"""

import jax, jax.numpy as jnp
import numpy as np

N_NODES = 10000
IN_FEATS = 128
N_CLASSES = 128
N_EDGES = 320000


def setup_inputs(seed: int = 0) -> dict:
    key = jax.random.key(seed)
    k1, k2, k3, k4 = jax.random.split(key, 4)
    inputs = jax.random.normal(k1, (N_NODES, IN_FEATS), dtype=jnp.float32)
    edge_index = jax.random.randint(k2, (2, N_EDGES), 0, N_NODES, dtype=jnp.int64)
    epoch = 0
    # GCNConv learned parameters: weight [in_feats, n_classes] and bias [n_classes]
    W = jax.random.normal(k3, (IN_FEATS, N_CLASSES), dtype=jnp.float32) * (1.0 / np.sqrt(IN_FEATS))
    b = jnp.zeros((N_CLASSES,), dtype=jnp.float32)
    return {"inputs": inputs, "edge_index": edge_index, "epoch": epoch, "W": W, "b": b}


def gcn_layer(x, edge_index, W, b):
    # GCNConv: linear transform, symmetric-normalized sparse aggregation (SpMM)
    n = x.shape[0]
    src = edge_index[0]
    dst = edge_index[1]
    # degree of destination / source nodes for symmetric normalization
    deg = jnp.zeros((n,), dtype=jnp.float32).at[dst].add(1.0)
    deg = jnp.maximum(deg, 1.0)
    deg_inv_sqrt = 1.0 / jnp.sqrt(deg)
    norm = deg_inv_sqrt[src] * deg_inv_sqrt[dst]
    # GEMM on node features (gemm_i / gemm_w in original timings)
    h = x @ W + b
    # gather messages from source nodes, scale, scatter-add to destinations (spmm)
    msg = h[src] * norm[:, None]
    out = jax.ops.segment_sum(msg, dst, num_segments=n)
    return out


def reference(inputs, edge_index, epoch, W, b):
    # LADIES.forward: single GCNConv layer (n_layers list holds one layer),
    # no ReLU on the last (only) layer, then log_softmax over classes.
    h = inputs
    h = gcn_layer(h, edge_index, W, b)
    h = jax.nn.log_softmax(h, axis=1)
    return h

if __name__ == "__main__":
    import jax
    _d = setup_inputs()
    print(jax.jit(kernel)(*tuple(_d.values())))

</pallas_src>

<mosaic_0001>
#map = affine_map<(d0, d1) -> (0)>
#map1 = affine_map<(d0, d1) -> (0, 0)>
module attributes {stable_mosaic.version = 14 : i64} {
  func.func @_deg_kernel(%arg0: i32, %arg1: i32, %arg2: memref<655360xi32, #tpu.memory_space<hbm>>, %arg3: memref<10240xf32, #tpu.memory_space<hbm>>, %arg4: memref<32x10240xf32, #tpu.memory_space<hbm>>, %arg5: memref<1024xi32, #tpu.memory_space<vmem>>, %arg6: memref<10240xf32, #tpu.memory_space<vmem>>) attributes {dimension_semantics = [#tpu.dimension_semantics<core_parallel>, #tpu.dimension_semantics<subcore_parallel>], iteration_bounds = array<i64: 2, 16>, scalar_prefetch = 0 : i64, scratch_operands = 2 : i64, tpu.core_type = #tpu.core_type<sc_vector_subcore>, window_params = [{transform_indices = #map}, {transform_indices = #map}, {transform_indices = #map1}]} {
    %mul3A = arith.constant 2 : i32
    %mul3A_0 = arith.muli %arg1, %mul3A : i32
    %add3A = arith.addi %mul3A_0, %arg0 : i32
    "tpu.region"() ({
      %run_scoped3A = tpu.sem_alloc : memref<!tpu.dma_semaphore, #tpu.memory_space<semaphore_mem>>
      tpu.enqueue_dma source(%arg3 : memref<10240xf32, #tpu.memory_space<hbm>>) target(%arg6 : memref<10240xf32, #tpu.memory_space<vmem>>) target_semaphore(%run_scoped3A : memref<!tpu.dma_semaphore, #tpu.memory_space<semaphore_mem>>)
      tpu.wait_dma2 semaphore(%run_scoped3A : memref<!tpu.dma_semaphore, #tpu.memory_space<semaphore_mem>>) src(%arg3 : memref<10240xf32, #tpu.memory_space<hbm>>) dst(%arg6 : memref<10240xf32, #tpu.memory_space<vmem>>)
      tpu.yield
    }) : () -> ()
    %broadcast_in_dim3A = arith.constant 1.000000e+00 : f32
    %broadcast_in_dim3A_1 = vector.broadcast %broadcast_in_dim3A : f32 to vector<16xf32>
    %mul3A_2 = arith.constant 10240 : i32
    %mul3A_3 = arith.muli %add3A, %mul3A_2 : i32
    %add3A_4 = arith.constant 327680 : i32
    %add3A_5 = arith.addi %add3A_4, %mul3A_3 : i32
    %scan3A = arith.constant 0 : i32
    %scan3A_6 = arith.constant 10 : i32
    %scan3A_7 = arith.addi %scan3A, %scan3A_6 : i32
    %scan3A_8 = arith.constant 1 : i32
    scf.for %scan3A_10 = %scan3A to %scan3A_7 step %scan3A_8  : i32 {
      %mul3A_11 = arith.constant 1 : i32
      %mul3A_12 = arith.muli %scan3A_10, %mul3A_11 : i32
      %add3A_13 = arith.constant 0 : i32
      %add3A_14 = arith.addi %add3A_13, %mul3A_12 : i32
      %mul3A_15 = arith.constant 1024 : i32
      %mul3A_16 = arith.muli %add3A_14, %mul3A_15 : i32
      %add3A_17 = arith.addi %add3A_5, %mul3A_16 : i32
      "tpu.region"() ({
        %run_scoped3A = tpu.sem_alloc : memref<!tpu.dma_semaphore, #tpu.memory_space<semaphore_mem>>
        %dma_start3A = tpu.memref_slice %arg2[%add3A_17] : memref<655360xi32, #tpu.memory_space<hbm>> -> memref<1024xi32, #tpu.memory_space<hbm>>
        %dma_start3A_23 = tpu.memref_slice %arg2[%add3A_17] : memref<655360xi32, #tpu.memory_space<hbm>> -> memref<1024xi32, #tpu.memory_space<hbm>>
        tpu.enqueue_dma source(%dma_start3A_23 : memref<1024xi32, #tpu.memory_space<hbm>>) target(%arg5 : memref<1024xi32, #tpu.memory_space<vmem>>) target_semaphore(%run_scoped3A : memref<!tpu.dma_semaphore, #tpu.memory_space<semaphore_mem>>)
        %dma_wait3A = tpu.memref_slice %arg2[%add3A_17] : memref<655360xi32, #tpu.memory_space<hbm>> -> memref<1024xi32, #tpu.memory_space<hbm>>
        %dma_wait3A_24 = tpu.memref_slice %arg2[%add3A_17] : memref<655360xi32, #tpu.memory_space<hbm>> -> memref<1024xi32, #tpu.memory_space<hbm>>
        tpu.wait_dma2 semaphore(%run_scoped3A : memref<!tpu.dma_semaphore, #tpu.memory_space<semaphore_mem>>) src(%dma_wait3A_24 : memref<1024xi32, #tpu.memory_space<hbm>>) dst(%arg5 : memref<1024xi32, #tpu.memory_space<vmem>>)
        tpu.yield
      }) : () -> ()
      %scan3A_18 = arith.constant 0 : i32
      %scan3A_19 = arith.constant 64 : i32
      %scan3A_20 = arith.addi %scan3A_18, %scan3A_19 : i32
      %scan3A_21 = arith.constant 1 : i32
      scf.for %scan3A_23 = %scan3A_18 to %scan3A_20 step %scan3A_21  : i32 {
        %mul3A_24 = arith.constant 16 : i32
        %mul3A_25 = arith.muli %scan3A_23, %mul3A_24 : i32
        %add3A_26 = arith.constant 0 : i32
        %add3A_27 = arith.addi %add3A_26, %mul3A_25 : i32
        %get3A = arith.index_cast %add3A_27 : i32 to index
        %get3A_28 = tpu.vector_load %arg5[%get3A] {strides = array<i32>} : memref<1024xi32, #tpu.memory_space<vmem>>, vector<16xi32>,
        tpu.vector_store_idx %arg6[%get3A_28], %broadcast_in_dim3A_1 {add = true} : memref<10240xf32, #tpu.memory_space<vmem>>[vector<16xi32>], vector<16xf32>,
      }
      %scan3A_22 = arith.constant 64 : i32
    }
    %scan3A_9 = arith.constant 10 : i32
    "tpu.region"() ({
      %run_scoped3A = tpu.sem_alloc : memref<!tpu.dma_semaphore, #tpu.memory_space<semaphore_mem>>
      %dma_start3A = arith.constant 0 : i32
      %dma_start3A_10 = tpu.memref_slice %arg4[%add3A, %dma_start3A] : memref<32x10240xf32, #tpu.memory_space<hbm>> -> memref<1x10240xf32, #tpu.memory_space<hbm>>
      %dma_start3A_11 = tpu.memref_squeeze %dma_start3A_10 : memref<1x10240xf32, #tpu.memory_space<hbm>> -> memref<10240xf32, #tpu.memory_space<hbm>>
      %dma_start3A_12 = arith.constant 0 : i32
      %dma_start3A_13 = tpu.memref_slice %arg4[%add3A, %dma_start3A_12] : memref<32x10240xf32, #tpu.memory_space<hbm>> -> memref<1x10240xf32, #tpu.memory_space<hbm>>
      %dma_start3A_14 = tpu.memref_squeeze %dma_start3A_13 : memref<1x10240xf32, #tpu.memory_space<hbm>> -> memref<10240xf32, #tpu.memory_space<hbm>>
      tpu.enqueue_dma source(%arg6 : memref<10240xf32, #tpu.memory_space<vmem>>) target(%dma_start3A_14 : memref<10240xf32, #tpu.memory_space<hbm>>) target_semaphore(%run_scoped3A : memref<!tpu.dma_semaphore, #tpu.memory_space<semaphore_mem>>)
      %dma_wait3A = arith.constant 0 : i32
      %dma_wait3A_15 = tpu.memref_slice %arg4[%add3A, %dma_wait3A] : memref<32x10240xf32, #tpu.memory_space<hbm>> -> memref<1x10240xf32, #tpu.memory_space<hbm>>
      %dma_wait3A_16 = tpu.memref_squeeze %dma_wait3A_15 : memref<1x10240xf32, #tpu.memory_space<hbm>> -> memref<10240xf32, #tpu.memory_space<hbm>>
      %dma_wait3A_17 = arith.constant 0 : i32
      %dma_wait3A_18 = tpu.memref_slice %arg4[%add3A, %dma_wait3A_17] : memref<32x10240xf32, #tpu.memory_space<hbm>> -> memref<1x10240xf32, #tpu.memory_space<hbm>>
      %dma_wait3A_19 = tpu.memref_squeeze %dma_wait3A_18 : memref<1x10240xf32, #tpu.memory_space<hbm>> -> memref<10240xf32, #tpu.memory_space<hbm>>
      tpu.wait_dma2 semaphore(%run_scoped3A : memref<!tpu.dma_semaphore, #tpu.memory_space<semaphore_mem>>) src(%arg6 : memref<10240xf32, #tpu.memory_space<vmem>>) dst(%dma_wait3A_19 : memref<10240xf32, #tpu.memory_space<hbm>>)
      tpu.yield
    }) : () -> ()
    return
  }
}

#map = affine_map<(d0, d1) -> (0, 0)>
#map1 = affine_map<(d0, d1) -> (0, 0, 0)>
module attributes {stable_mosaic.version = 14 : i64} {
  func.func @_agg_kernel(%arg0: i32, %arg1: i32, %arg2: memref<10240x128xf32, #tpu.memory_space<hbm>>, %arg3: memref<5120x128xi32, #tpu.memory_space<hbm>>, %arg4: memref<2x10240x128xf32, #tpu.memory_space<hbm>>, %arg5: memref<8x128xi32, #tpu.memory_space<vmem>>, %arg6: memref<8x128xi32, #tpu.memory_space<vmem>>, %arg7: memref<8x128xi32, #tpu.memory_space<vmem>>, %arg8: memref<8x128xi32, #tpu.memory_space<vmem>>, %arg9: memref<128x128xf32, #tpu.memory_space<vmem>>, %arg10: memref<128x128xf32, #tpu.memory_space<vmem>>, %arg11: memref<64xi32, #tpu.memory_space<vmem>>, %arg12: memref<64xi32, #tpu.memory_space<vmem>>, %arg13: memref<64xi32, #tpu.memory_space<vmem>>, %arg14: memref<64xi32, #tpu.memory_space<vmem>>, %arg15: memref<128xi32, #tpu.memory_space<vmem>>, %arg16: memref<128xi32, #tpu.memory_space<vmem>>, %arg17: memref<10240x128xf32, #tpu.memory_space<vmem_shared>>, %arg18: memref<!tpu.dma_semaphore, #tpu.memory_space<semaphore_mem>>, %arg19: memref<!tpu.dma_semaphore, #tpu.memory_space<semaphore_mem>>, %arg20: memref<!tpu.dma_semaphore, #tpu.memory_space<semaphore_mem>>, %arg21: memref<!tpu.dma_semaphore, #tpu.memory_space<semaphore_mem>>) attributes {dimension_semantics = [#tpu.dimension_semantics<core_parallel>, #tpu.dimension_semantics<subcore_parallel>], iteration_bounds = array<i64: 2, 16>, scalar_prefetch = 0 : i64, scratch_operands = 17 : i64, tpu.core_type = #tpu.core_type<sc_vector_subcore>, window_params = [{transform_indices = #map}, {transform_indices = #map}, {transform_indices = #map1}]} {
    %mul3A = arith.constant 640 : i32
    %mul3A_0 = arith.muli %arg1, %mul3A : i32
    %scan3A = arith.constant 0 : i32
    %scan3A_1 = arith.constant 128 : i32
    %scan3A_2 = arith.addi %scan3A, %scan3A_1 : i32
    %scan3A_3 = arith.constant 1 : i32
    scf.for %scan3A_173 = %scan3A to %scan3A_2 step %scan3A_3  : i32 {
      %mul3A_174 = arith.constant 1 : i32
      %mul3A_175 = arith.muli %scan3A_173, %mul3A_174 : i32
      %add3A_176 = arith.constant 0 : i32
      %add3A_177 = arith.addi %add3A_176, %mul3A_175 : i32
      %broadcast_in_dim3A = arith.constant 0.000000e+00 : f32
      %broadcast_in_dim3A_178 = vector.broadcast %broadcast_in_dim3A : f32 to vector<16xf32>
      %swap3A_179 = arith.index_cast %add3A_177 : i32 to index
      %swap3A_180 = arith.constant 0 : index
      %swap3A_181 = tpu.vector_load %arg9[%swap3A_179, %swap3A_180] {strides = array<i32>} : memref<128x128xf32, #tpu.memory_space<vmem>>, vector<1x16xf32>,
      %swap3A_182 = vector.shape_cast %swap3A_181 : vector<1x16xf32> to vector<16xf32>
      %swap3A_183 = vector.shape_cast %broadcast_in_dim3A_178 : vector<16xf32> to vector<1x16xf32>
      tpu.vector_store %arg9[%swap3A_179, %swap3A_180], %swap3A_183 {strides = array<i32>} : memref<128x128xf32, #tpu.memory_space<vmem>>, vector<1x16xf32>,
      %broadcast_in_dim3A_184 = arith.constant 0.000000e+00 : f32
      %broadcast_in_dim3A_185 = vector.broadcast %broadcast_in_dim3A_184 : f32 to vector<16xf32>
      %swap3A_186 = arith.index_cast %add3A_177 : i32 to index
      %swap3A_187 = arith.constant 16 : index
      %swap3A_188 = tpu.vector_load %arg9[%swap3A_186, %swap3A_187] {strides = array<i32>} : memref<128x128xf32, #tpu.memory_space<vmem>>, vector<1x16xf32>,
      %swap3A_189 = vector.shape_cast %swap3A_188 : vector<1x16xf32> to vector<16xf32>
      %swap3A_190 = vector.shape_cast %broadcast_in_dim3A_185 : vector<16xf32> to vector<1x16xf32>
      tpu.vector_store %arg9[%swap3A_186, %swap3A_187], %swap3A_190 {strides = array<i32>} : memref<128x128xf32, #tpu.memory_space<vmem>>, vector<1x16xf32>,
      %broadcast_in_dim3A_191 = arith.constant 0.000000e+00 : f32
      %broadcast_in_dim3A_192 = vector.broadcast %broadcast_in_dim3A_191 : f32 to vector<16xf32>
      %swap3A_193 = arith.index_cast %add3A_177 : i32 to index
      %swap3A_194 = arith.constant 32 : index
      %swap3A_195 = tpu.vector_load %arg9[%swap3A_193, %swap3A_194] {strides = array<i32>} : memref<128x128xf32, #tpu.memory_space<vmem>>, vector<1x16xf32>,
      %swap3A_196 = vector.shape_cast %swap3A_195 : vector<1x16xf32> to vector<16xf32>
      %swap3A_197 = vector.shape_cast %broadcast_in_dim3A_192 : vector<16xf32> to vector<1x16xf32>
      tpu.vector_store %arg9[%swap3A_193, %swap3A_194], %swap3A_197 {strides = array<i32>} : memref<128x128xf32, #tpu.memory_space<vmem>>, vector<1x16xf32>,
      %broadcast_in_dim3A_198 = arith.constant 0.000000e+00 : f32
      %broadcast_in_dim3A_199 = vector.broadcast %broadcast_in_dim3A_198 : f32 to vector<16xf32>
      %swap3A_200 = arith.index_cast %add3A_177 : i32 to index
      %swap3A_201 = arith.constant 48 : index
      %swap3A_202 = tpu.vector_load %arg9[%swap3A_200, %swap3A_201] {strides = array<i32>} : memref<128x128xf32, #tpu.memory_space<vmem>>, vector<1x16xf32>,
      %swap3A_203 = vector.shape_cast %swap3A_202 : vector<1x16xf32> to vector<16xf32>
      %swap3A_204 = vector.shape_cast %broadcast_in_dim3A_199 : vector<16xf32> to vector<1x16xf32>
      tpu.vector_store %arg9[%swap3A_200, %swap3A_201], %swap3A_204 {strides = array<i32>} : memref<128x128xf32, #tpu.memory_space<vmem>>, vector<1x16xf32>,
      %broadcast_in_dim3A_205 = arith.constant 0.000000e+00 : f32
      %broadcast_in_dim3A_206 = vector.broadcast %broadcast_in_dim3A_205 : f32 to vector<16xf32>
      %swap3A_207 = arith.index_cast %add3A_177 : i32 to index
      %swap3A_208 = arith.constant 64 : index
      %swap3A_209 = tpu.vector_load %arg9[%swap3A_207, %swap3A_208] {strides = array<i32>} : memref<128x128xf32, #tpu.memory_space<vmem>>, vector<1x16xf32>,
      %swap3A_210 = vector.shape_cast %swap3A_209 : vector<1x16xf32> to vector<16xf32>
      %swap3A_211 = vector.shape_cast %broadcast_in_dim3A_206 : vector<16xf32> to vector<1x16xf32>
      tpu.vector_store %arg9[%swap3A_207, %swap3A_208], %swap3A_211 {strides = array<i32>} : memref<128x128xf32, #tpu.memory_space<vmem>>, vector<1x16xf32>,
      %broadcast_in_dim3A_212 = arith.constant 0.000000e+00 : f32
      %broadcast_in_dim3A_213 = vector.broadcast %broadcast_in_dim3A_212 : f32 to vector<16xf32>
      %swap3A_214 = arith.index_cast %add3A_177 : i32 to index
      %swap3A_215 = arith.constant 80 : index
      %swap3A_216 = tpu.vector_load %arg9[%swap3A_214, %swap3A_215] {strides = array<i32>} : memref<128x128xf32, #tpu.memory_space<vmem>>, vector<1x16xf32>,
      %swap3A_217 = vector.shape_cast %swap3A_216 : vector<1x16xf32> to vector<16xf32>
      %swap3A_218 = vector.shape_cast %broadcast_in_dim3A_213 : vector<16xf32> to vector<1x16xf32>
      tpu.vector_store %arg9[%swap3A_214, %swap3A_215], %swap3A_218 {strides = array<i32>} : memref<128x128xf32, #tpu.memory_space<vmem>>, vector<1x16xf32>,
      %broadcast_in_dim3A_219 = arith.constant 0.000000e+00 : f32
      %broadcast_in_dim3A_220 = vector.broadcast %broadcast_in_dim3A_219 : f32 to vector<16xf32>
      %swap3A_221 = arith.index_cast %add3A_177 : i32 to index
      %swap3A_222 = arith.constant 96 : index
      %swap3A_223 = tpu.vector_load %arg9[%swap3A_221, %swap3A_222] {strides = array<i32>} : memref<128x128xf32, #tpu.memory_space<vmem>>, vector<1x16xf32>,
      %swap3A_224 = vector.shape_cast %swap3A_223 : vector<1x16xf32> to vector<16xf32>
      %swap3A_225 = vector.shape_cast %broadcast_in_dim3A_220 : vector<16xf32> to vector<1x16xf32>
      tpu.vector_store %arg9[%swap3A_221, %swap3A_222], %swap3A_225 {strides = array<i32>} : memref<128x128xf32, #tpu.memory_space<vmem>>, vector<1x16xf32>,
      %broadcast_in_dim3A_226 = arith.constant 0.000000e+00 : f32
      %broadcast_in_dim3A_227 = vector.broadcast %broadcast_in_dim3A_226 : f32 to vector<16xf32>
      %swap3A_228 = arith.index_cast %add3A_177 : i32 to index
      %swap3A_229 = arith.constant 112 : index
      %swap3A_230 = tpu.vector_load %arg9[%swap3A_228, %swap3A_229] {strides = array<i32>} : memref<128x128xf32, #tpu.memory_space<vmem>>, vector<1x16xf32>,
      %swap3A_231 = vector.shape_cast %swap3A_230 : vector<1x16xf32> to vector<16xf32>
      %swap3A_232 = vector.shape_cast %broadcast_in_dim3A_227 : vector<16xf32> to vector<1x16xf32>
      tpu.vector_store %arg9[%swap3A_228, %swap3A_229], %swap3A_232 {strides = array<i32>} : memref<128x128xf32, #tpu.memory_space<vmem>>, vector<1x16xf32>,
    }
    %scan3A_4 = arith.constant 128 : i32
    %scan3A_5 = arith.constant 0 : i32
    %scan3A_6 = arith.constant 5 : i32
    %scan3A_7 = arith.addi %scan3A_5, %scan3A_6 : i32
    %scan3A_8 = arith.constant 1 : i32
    scf.for %scan3A_173 = %scan3A_5 to %scan3A_7 step %scan3A_8  : i32 {
      %mul3A_174 = arith.constant 128 : i32
      %mul3A_175 = arith.muli %scan3A_173, %mul3A_174 : i32
      %add3A_176 = arith.constant 0 : i32
      %add3A_177 = arith.addi %add3A_176, %mul3A_175 : i32
      %add3A_178 = arith.addi %mul3A_0, %add3A_177 : i32
      "tpu.region"() ({
        %run_scoped3A = tpu.sem_alloc : memref<!tpu.dma_semaphore, #tpu.memory_space<semaphore_mem>>
        %dma_start3A_179 = arith.constant 0 : i32
        %dma_start3A_180 = tpu.memref_slice %arg17[%add3A_178, %dma_start3A_179] : memref<10240x128xf32, #tpu.memory_space<vmem_shared>> -> memref<128x128xf32, #tpu.memory_space<vmem_shared>>
        %dma_start3A_181 = arith.constant 0 : i32
        %dma_start3A_182 = tpu.memref_slice %arg17[%add3A_178, %dma_start3A_181] : memref<10240x128xf32, #tpu.memory_space<vmem_shared>> -> memref<128x128xf32, #tpu.memory_space<vmem_shared>>
        tpu.enqueue_dma source(%arg9 : memref<128x128xf32, #tpu.memory_space<vmem>>) target(%dma_start3A_182 : memref<128x128xf32, #tpu.memory_space<vmem_shared>>) target_semaphore(%run_scoped3A : memref<!tpu.dma_semaphore, #tpu.memory_space<semaphore_mem>>)
        %dma_wait3A = arith.constant 0 : i32
        %dma_wait3A_183 = tpu.memref_slice %arg17[%add3A_178, %dma_wait3A] : memref<10240x128xf32, #tpu.memory_space<vmem_shared>> -> memref<128x128xf32, #tpu.memory_space<vmem_shared>>
        %dma_wait3A_184 = arith.constant 0 : i32
        %dma_wait3A_185 = tpu.memref_slice %arg17[%add3A_178, %dma_wait3A_184] : memref<10240x128xf32, #tpu.memory_space<vmem_shared>> -> memref<128x128xf32, #tpu.memory_space<vmem_shared>>
        tpu.wait_dma2 semaphore(%run_scoped3A : memref<!tpu.dma_semaphore, #tpu.memory_space<semaphore_mem>>) src(%arg9 : memref<128x128xf32, #tpu.memory_space<vmem>>) dst(%dma_wait3A_185 : memref<128x128xf32, #tpu.memory_space<vmem_shared>>)
        tpu.yield
      }) : () -> ()
    }
    %scan3A_9 = arith.constant 5 : i32
    %mul3A_10 = arith.constant 2 : i32
    %mul3A_11 = arith.muli %arg1, %mul3A_10 : i32
    %add3A = arith.addi %mul3A_11, %arg0 : i32
    %mul3A_12 = arith.constant 80 : i32
    %mul3A_13 = arith.muli %add3A, %mul3A_12 : i32
    %barrier3A = arith.constant 0 : index
    tpu.barrier barrier_id(%barrier3A)
    %add3A_14 = arith.constant 0 : i32
    %add3A_15 = arith.addi %mul3A_13, %add3A_14 : i32
    "tpu.region"() ({
      %run_scoped3A = tpu.sem_alloc : memref<!tpu.dma_semaphore, #tpu.memory_space<semaphore_mem>>
      %dma_start3A_173 = arith.constant 0 : i32
      %dma_start3A_174 = tpu.memref_slice %arg3[%add3A_15, %dma_start3A_173] : memref<5120x128xi32, #tpu.memory_space<hbm>> -> memref<8x128xi32, #tpu.memory_space<hbm>>
      %dma_start3A_175 = arith.constant 0 : i32
      %dma_start3A_176 = tpu.memref_slice %arg3[%add3A_15, %dma_start3A_175] : memref<5120x128xi32, #tpu.memory_space<hbm>> -> memref<8x128xi32, #tpu.memory_space<hbm>>
      tpu.enqueue_dma source(%dma_start3A_176 : memref<8x128xi32, #tpu.memory_space<hbm>>) target(%arg5 : memref<8x128xi32, #tpu.memory_space<vmem>>) target_semaphore(%run_scoped3A : memref<!tpu.dma_semaphore, #tpu.memory_space<semaphore_mem>>)
      %dma_wait3A = arith.constant 0 : i32
      %dma_wait3A_177 = tpu.memref_slice %arg3[%add3A_15, %dma_wait3A] : memref<5120x128xi32, #tpu.memory_space<hbm>> -> memref<8x128xi32, #tpu.memory_space<hbm>>
      %dma_wait3A_178 = arith.constant 0 : i32
      %dma_wait3A_179 = tpu.memref_slice %arg3[%add3A_15, %dma_wait3A_178] : memref<5120x128xi32, #tpu.memory_space<hbm>> -> memref<8x128xi32, #tpu.memory_space<hbm>>
      tpu.wait_dma2 semaphore(%run_scoped3A : memref<!tpu.dma_semaphore, #tpu.memory_space<semaphore_mem>>) src(%dma_wait3A_179 : memref<8x128xi32, #tpu.memory_space<hbm>>) dst(%arg5 : memref<8x128xi32, #tpu.memory_space<vmem>>)
      tpu.yield
    }) : () -> ()
    %add3A_16 = arith.constant 2560 : i32
    %add3A_17 = arith.addi %add3A_16, %mul3A_13 : i32
    %add3A_18 = arith.constant 0 : i32
    %add3A_19 = arith.addi %add3A_17, %add3A_18 : i32
    "tpu.region"() ({
      %run_scoped3A = tpu.sem_alloc : memref<!tpu.dma_semaphore, #tpu.memory_space<semaphore_mem>>
      %dma_start3A_173 = arith.constant 0 : i32
      %dma_start3A_174 = tpu.memref_slice %arg3[%add3A_19, %dma_start3A_173] : memref<5120x128xi32, #tpu.memory_space<hbm>> -> memref<8x128xi32, #tpu.memory_space<hbm>>
      %dma_start3A_175 = arith.constant 0 : i32
      %dma_start3A_176 = tpu.memref_slice %arg3[%add3A_19, %dma_start3A_175] : memref<5120x128xi32, #tpu.memory_space<hbm>> -> memref<8x128xi32, #tpu.memory_space<hbm>>
      tpu.enqueue_dma source(%dma_start3A_176 : memref<8x128xi32, #tpu.memory_space<hbm>>) target(%arg7 : memref<8x128xi32, #tpu.memory_space<vmem>>) target_semaphore(%run_scoped3A : memref<!tpu.dma_semaphore, #tpu.memory_space<semaphore_mem>>)
      %dma_wait3A = arith.constant 0 : i32
      %dma_wait3A_177 = tpu.memref_slice %arg3[%add3A_19, %dma_wait3A] : memref<5120x128xi32, #tpu.memory_space<hbm>> -> memref<8x128xi32, #tpu.memory_space<hbm>>
      %dma_wait3A_178 = arith.constant 0 : i32
      %dma_wait3A_179 = tpu.memref_slice %arg3[%add3A_19, %dma_wait3A_178] : memref<5120x128xi32, #tpu.memory_space<hbm>> -> memref<8x128xi32, #tpu.memory_space<hbm>>
      tpu.wait_dma2 semaphore(%run_scoped3A : memref<!tpu.dma_semaphore, #tpu.memory_space<semaphore_mem>>) src(%dma_wait3A_179 : memref<8x128xi32, #tpu.memory_space<hbm>>) dst(%arg7 : memref<8x128xi32, #tpu.memory_space<vmem>>)
      tpu.yield
    }) : () -> ()
    %get3A = arith.constant 0 : i32
    %get3A_20 = arith.index_cast %get3A : i32 to index
    %get3A_21 = arith.constant 0 : index
    %get3A_22 = tpu.vector_load %arg5[%get3A_20, %get3A_21] {strides = array<i32>} : memref<8x128xi32, #tpu.memory_space<vmem>>, vector<1x16xi32>,
    %get3A_23 = vector.shape_cast %get3A_22 : vector<1x16xi32> to vector<16xi32>
    %swap3A = arith.constant 0 : index
    %swap3A_24 = tpu.vector_load %arg15[%swap3A] {strides = array<i32>} : memref<128xi32, #tpu.memory_space<vmem>>, vector<16xi32>,
    %swap3A_25 = vector.shape_cast %swap3A_24 : vector<16xi32> to vector<16xi32>
    %swap3A_26 = vector.shape_cast %get3A_23 : vector<16xi32> to vector<16xi32>
    tpu.vector_store %arg15[%swap3A], %swap3A_26 {strides = array<i32>} : memref<128xi32, #tpu.memory_space<vmem>>, vector<16xi32>,
    %get3A_27 = arith.constant 0 : i32
    %get3A_28 = arith.index_cast %get3A_27 : i32 to index
    %get3A_29 = arith.constant 16 : index
    %get3A_30 = tpu.vector_load %arg5[%get3A_28, %get3A_29] {strides = array<i32>} : memref<8x128xi32, #tpu.memory_space<vmem>>, vector<1x16xi32>,
    %get3A_31 = vector.shape_cast %get3A_30 : vector<1x16xi32> to vector<16xi32>
    %swap3A_32 = arith.constant 16 : index
    %swap3A_33 = tpu.vector_load %arg15[%swap3A_32] {strides = array<i32>} : memref<128xi32, #tpu.memory_space<vmem>>, vector<16xi32>,
    %swap3A_34 = vector.shape_cast %swap3A_33 : vector<16xi32> to vector<16xi32>
    %swap3A_35 = vector.shape_cast %get3A_31 : vector<16xi32> to vector<16xi32>
    tpu.vector_store %arg15[%swap3A_32], %swap3A_35 {strides = array<i32>} : memref<128xi32, #tpu.memory_space<vmem>>, vector<16xi32>,
    %get3A_36 = arith.constant 0 : i32
    %get3A_37 = arith.index_cast %get3A_36 : i32 to index
    %get3A_38 = arith.constant 32 : index
    %get3A_39 = tpu.vector_load %arg5[%get3A_37, %get3A_38] {strides = array<i32>} : memref<8x128xi32, #tpu.memory_space<vmem>>, vector<1x16xi32>,
    %get3A_40 = vector.shape_cast %get3A_39 : vector<1x16xi32> to vector<16xi32>
    %swap3A_41 = arith.constant 32 : index
    %swap3A_42 = tpu.vector_load %arg15[%swap3A_41] {strides = array<i32>} : memref<128xi32, #tpu.memory_space<vmem>>, vector<16xi32>,
    %swap3A_43 = vector.shape_cast %swap3A_42 : vector<16xi32> to vector<16xi32>
    %swap3A_44 = vector.shape_cast %get3A_40 : vector<16xi32> to vector<16xi32>
    tpu.vector_store %arg15[%swap3A_41], %swap3A_44 {strides = array<i32>} : memref<128xi32, #tpu.memory_space<vmem>>, vector<16xi32>,
    %get3A_45 = arith.constant 0 : i32
    %get3A_46 = arith.index_cast %get3A_45 : i32 to index
    %get3A_47 = arith.constant 48 : index
    %get3A_48 = tpu.vector_load %arg5[%get3A_46, %get3A_47] {strides = array<i32>} : memref<8x128xi32, #tpu.memory_space<vmem>>, vector<1x16xi32>,
    %get3A_49 = vector.shape_cast %get3A_48 : vector<1x16xi32> to vector<16xi32>
    %swap3A_50 = arith.constant 48 : index
    %swap3A_51 = tpu.vector_load %arg15[%swap3A_50] {strides = array<i32>} : memref<128xi32, #tpu.memory_space<vmem>>, vector<16xi32>,
    %swap3A_52 = vector.shape_cast %swap3A_51 : vector<16xi32> to vector<16xi32>
    %swap3A_53 = vector.shape_cast %get3A_49 : vector<16xi32> to vector<16xi32>
    tpu.vector_store %arg15[%swap3A_50], %swap3A_53 {strides = array<i32>} : memref<128xi32, #tpu.memory_space<vmem>>, vector<16xi32>,
    %get3A_54 = arith.constant 0 : i32
    %get3A_55 = arith.index_cast %get3A_54 : i32 to index
    %get3A_56 = arith.constant 64 : index
    %get3A_57 = tpu.vector_load %arg5[%get3A_55, %get3A_56] {strides = array<i32>} : memref<8x128xi32, #tpu.memory_space<vmem>>, vector<1x16xi32>,
    %get3A_58 = vector.shape_cast %get3A_57 : vector<1x16xi32> to vector<16xi32>
    %swap3A_59 = arith.constant 64 : index
    %swap3A_60 = tpu.vector_load %arg15[%swap3A_59] {strides = array<i32>} : memref<128xi32, #tpu.memory_space<vmem>>, vector<16xi32>,
    %swap3A_61 = vector.shape_cast %swap3A_60 : vector<16xi32> to vector<16xi32>
    %swap3A_62 = vector.shape_cast %get3A_58 : vector<16xi32> to vector<16xi32>
    tpu.vector_store %arg15[%swap3A_59], %swap3A_62 {strides = array<i32>} : memref<128xi32, #tpu.memory_space<vmem>>, vector<16xi32>,
    %get3A_63 = arith.constant 0 : i32
    %get3A_64 = arith.index_cast %get3A_63 : i32 to index
    %get3A_65 = arith.constant 80 : index
    %get3A_66 = tpu.vector_load %arg5[%get3A_64, %get3A_65] {strides = array<i32>} : memref<8x128xi32, #tpu.memory_space<vmem>>, vector<1x16xi32>,
    %get3A_67 = vector.shape_cast %get3A_66 : vector<1x16xi32> to vector<16xi32>
    %swap3A_68 = arith.constant 80 : index
    %swap3A_69 = tpu.vector_load %arg15[%swap3A_68] {strides = array<i32>} : memref<128xi32, #tpu.memory_space<vmem>>, vector<16xi32>,
    %swap3A_70 = vector.shape_cast %swap3A_69 : vector<16xi32> to vector<16xi32>
    %swap3A_71 = vector.shape_cast %get3A_67 : vector<16xi32> to vector<16xi32>
    tpu.vector_store %arg15[%swap3A_68], %swap3A_71 {strides = array<i32>} : memref<128xi32, #tpu.memory_space<vmem>>, vector<16xi32>,
    %get3A_72 = arith.constant 0 : i32
    %get3A_73 = arith.index_cast %get3A_72 : i32 to index
    %get3A_74 = arith.constant 96 : index
    %get3A_75 = tpu.vector_load %arg5[%get3A_73, %get3A_74] {strides = array<i32>} : memref<8x128xi32, #tpu.memory_space<vmem>>, vector<1x16xi32>,
    %get3A_76 = vector.shape_cast %get3A_75 : vector<1x16xi32> to vector<16xi32>
    %swap3A_77 = arith.constant 96 : index
    %swap3A_78 = tpu.vector_load %arg15[%swap3A_77] {strides = array<i32>} : memref<128xi32, #tpu.memory_space<vmem>>, vector<16xi32>,
    %swap3A_79 = vector.shape_cast %swap3A_78 : vector<16xi32> to vector<16xi32>
    %swap3A_80 = vector.shape_cast %get3A_76 : vector<16xi32> to vector<16xi32>
    tpu.vector_store %arg15[%swap3A_77], %swap3A_80 {strides = array<i32>} : memref<128xi32, #tpu.memory_space<vmem>>, vector<16xi32>,
    %get3A_81 = arith.constant 0 : i32
    %get3A_82 = arith.index_cast %get3A_81 : i32 to index
    %get3A_83 = arith.constant 112 : index
    %get3A_84 = tpu.vector_load %arg5[%get3A_82, %get3A_83] {strides = array<i32>} : memref<8x128xi32, #tpu.memory_space<vmem>>, vector<1x16xi32>,
    %get3A_85 = vector.shape_cast %get3A_84 : vector<1x16xi32> to vector<16xi32>
    %swap3A_86 = arith.constant 112 : index
    %swap3A_87 = tpu.vector_load %arg15[%swap3A_86] {strides = array<i32>} : memref<128xi32, #tpu.memory_space<vmem>>, vector<16xi32>,
    %swap3A_88 = vector.shape_cast %swap3A_87 : vector<16xi32> to vector<16xi32>
    %swap3A_89 = vector.shape_cast %get3A_85 : vector<16xi32> to vector<16xi32>
    tpu.vector_store %arg15[%swap3A_86], %swap3A_89 {strides = array<i32>} : memref<128xi32, #tpu.memory_space<vmem>>, vector<16xi32>,
    %dma_start3A = arith.constant 0 : i32
    %dma_start3A_90 = arith.constant 0 : i32
    %dma_start3A_91 = tpu.memref_slice %arg2[%dma_start3A, %dma_start3A_90] : memref<10240x128xf32, #tpu.memory_space<hbm>> -> memref<10240x128xf32, #tpu.memory_space<hbm>>
    tpu.enqueue_indirect_dma source(%dma_start3A_91 : memref<10240x128xf32, #tpu.memory_space<hbm>>) target(%arg9 : memref<128x128xf32, #tpu.memory_space<vmem>>) offsets(%arg15 : memref<128xi32, #tpu.memory_space<vmem>>) semaphore(%arg18 : memref<!tpu.dma_semaphore, #tpu.memory_space<semaphore_mem>>)
    %get3A_92 = arith.constant 1 : i32
    %get3A_93 = arith.index_cast %get3A_92 : i32 to index
    %get3A_94 = arith.constant 0 : index
    %get3A_95 = tpu.vector_load %arg5[%get3A_93, %get3A_94] {strides = array<i32>} : memref<8x128xi32, #tpu.memory_space<vmem>>, vector<1x16xi32>,
    %get3A_96 = vector.shape_cast %get3A_95 : vector<1x16xi32> to vector<16xi32>
    %swap3A_97 = arith.constant 0 : index
    %swap3A_98 = tpu.vector_load %arg16[%swap3A_97] {strides = array<i32>} : memref<128xi32, #tpu.memory_space<vmem>>, vector<16xi32>,
    %swap3A_99 = vector.shape_cast %swap3A_98 : vector<16xi32> to vector<16xi32>
    %swap3A_100 = vector.shape_cast %get3A_96 : vector<16xi32> to vector<16xi32>
    tpu.vector_store %arg16[%swap3A_97], %swap3A_100 {strides = array<i32>} : memref<128xi32, #tpu.memory_space<vmem>>, vector<16xi32>,
    %get3A_101 = arith.constant 1 : i32
    %get3A_102 = arith.index_cast %get3A_101 : i32 to index
    %get3A_103 = arith.constant 16 : index
    %get3A_104 = tpu.vector_load %arg5[%get3A_102, %get3A_103] {strides = array<i32>} : memref<8x128xi32, #tpu.memory_space<vmem>>, vector<1x16xi32>,
    %get3A_105 = vector.shape_cast %get3A_104 : vector<1x16xi32> to vector<16xi32>
    %swap3A_106 = arith.constant 16 : index
    %swap3A_107 = tpu.vector_load %arg16[%swap3A_106] {strides = array<i32>} : memref<128xi32, #tpu.memory_space<vmem>>, vector<16xi32>,
    %swap3A_108 = vector.shape_cast %swap3A_107 : vector<16xi32> to vector<16xi32>
    %swap3A_109 = vector.shape_cast %get3A_105 : vector<16xi32> to vector<16xi32>
    tpu.vector_store %arg16[%swap3A_106], %swap3A_109 {strides = array<i32>} : memref<128xi32, #tpu.memory_space<vmem>>, vector<16xi32>,
    %get3A_110 = arith.constant 1 : i32
    %get3A_111 = arith.index_cast %get3A_110 : i32 to index
    %get3A_112 = arith.constant 32 : index
    %get3A_113 = tpu.vector_load %arg5[%get3A_111, %get3A_112] {strides = array<i32>} : memref<8x128xi32, #tpu.memory_space<vmem>>, vector<1x16xi32>,
    %get3A_114 = vector.shape_cast %get3A_113 : vector<1x16xi32> to vector<16xi32>
    %swap3A_115 = arith.constant 32 : index
    %swap3A_116 = tpu.vector_load %arg16[%swap3A_115] {strides = array<i32>} : memref<128xi32, #tpu.memory_space<vmem>>, vector<16xi32>,
    %swap3A_117 = vector.shape_cast %swap3A_116 : vector<16xi32> to vector<16xi32>
    %swap3A_118 = vector.shape_cast %get3A_114 : vector<16xi32> to vector<16xi32>
    tpu.vector_store %arg16[%swap3A_115], %swap3A_118 {strides = array<i32>} : memref<128xi32, #tpu.memory_space<vmem>>, vector<16xi32>,
    %get3A_119 = arith.constant 1 : i32
    %get3A_120 = arith.index_cast %get3A_119 : i32 to index
    %get3A_121 = arith.constant 48 : index
    %get3A_122 = tpu.vector_load %arg5[%get3A_120, %get3A_121] {strides = array<i32>} : memref<8x128xi32, #tpu.memory_space<vmem>>, vector<1x16xi32>,
    %get3A_123 = vector.shape_cast %get3A_122 : vector<1x16xi32> to vector<16xi32>
    %swap3A_124 = arith.constant 48 : index
    %swap3A_125 = tpu.vector_load %arg16[%swap3A_124] {strides = array<i32>} : memref<128xi32, #tpu.memory_space<vmem>>, vector<16xi32>,
    %swap3A_126 = vector.shape_cast %swap3A_125 : vector<16xi32> to vector<16xi32>
    %swap3A_127 = vector.shape_cast %get3A_123 : vector<16xi32> to vector<16xi32>
    tpu.vector_store %arg16[%swap3A_124], %swap3A_127 {strides = array<i32>} : memref<128xi32, #tpu.memory_space<vmem>>, vector<16xi32>,
    %get3A_128 = arith.constant 1 : i32
    %get3A_129 = arith.index_cast %get3A_128 : i32 to index
    %get3A_130 = arith.constant 64 : index
    %get3A_131 = tpu.vector_load %arg5[%get3A_129, %get3A_130] {strides = array<i32>} : memref<8x128xi32, #tpu.memory_space<vmem>>, vector<1x16xi32>,
    %get3A_132 = vector.shape_cast %get3A_131 : vector<1x16xi32> to vector<16xi32>
    %swap3A_133 = arith.constant 64 : index
    %swap3A_134 = tpu.vector_load %arg16[%swap3A_133] {strides = array<i32>} : memref<128xi32, #tpu.memory_space<vmem>>, vector<16xi32>,
    %swap3A_135 = vector.shape_cast %swap3A_134 : vector<16xi32> to vector<16xi32>
    %swap3A_136 = vector.shape_cast %get3A_132 : vector<16xi32> to vector<16xi32>
    tpu.vector_store %arg16[%swap3A_133], %swap3A_136 {strides = array<i32>} : memref<128xi32, #tpu.memory_space<vmem>>, vector<16xi32>,
    %get3A_137 = arith.constant 1 : i32
    %get3A_138 = arith.index_cast %get3A_137 : i32 to index
    %get3A_139 = arith.constant 80 : index
    %get3A_140 = tpu.vector_load %arg5[%get3A_138, %get3A_139] {strides = array<i32>} : memref<8x128xi32, #tpu.memory_space<vmem>>, vector<1x16xi32>,
    %get3A_141 = vector.shape_cast %get3A_140 : vector<1x16xi32> to vector<16xi32>
    %swap3A_142 = arith.constant 80 : index
    %swap3A_143 = tpu.vector_load %arg16[%swap3A_142] {strides = array<i32>} : memref<128xi32, #tpu.memory_space<vmem>>, vector<16xi32>,
    %swap3A_144 = vector.shape_cast %swap3A_143 : vector<16xi32> to vector<16xi32>
    %swap3A_145 = vector.shape_cast %get3A_141 : vector<16xi32> to vector<16xi32>
    tpu.vector_store %arg16[%swap3A_142], %swap3A_145 {strides = array<i32>} : memref<128xi32, #tpu.memory_space<vmem>>, vector<16xi32>,
    %get3A_146 = arith.constant 1 : i32
    %get3A_147 = arith.index_cast %get3A_146 : i32 to index
    %get3A_148 = arith.constant 96 : index
    %get3A_149 = tpu.vector_load %arg5[%get3A_147, %get3A_148] {strides = array<i32>} : memref<8x128xi32, #tpu.memory_space<vmem>>, vector<1x16xi32>,
    %get3A_150 = vector.shape_cast %get3A_149 : vector<1x16xi32> to vector<16xi32>
    %swap3A_151 = arith.constant 96 : index
    %swap3A_152 = tpu.vector_load %arg16[%swap3A_151] {strides = array<i32>} : memref<128xi32, #tpu.memory_space<vmem>>, vector<16xi32>,
    %swap3A_153 = vector.shape_cast %swap3A_152 : vector<16xi32> to vector<16xi32>
    %swap3A_154 = vector.shape_cast %get3A_150 : vector<16xi32> to vector<16xi32>
    tpu.vector_store %arg16[%swap3A_151], %swap3A_154 {strides = array<i32>} : memref<128xi32, #tpu.memory_space<vmem>>, vector<16xi32>,
    %get3A_155 = arith.constant 1 : i32
    %get3A_156 = arith.index_cast %get3A_155 : i32 to index
    %get3A_157 = arith.constant 112 : index
    %get3A_158 = tpu.vector_load %arg5[%get3A_156, %get3A_157] {strides = array<i32>} : memref<8x128xi32, #tpu.memory_space<vmem>>, vector<1x16xi32>,
    %get3A_159 = vector.shape_cast %get3A_158 : vector<1x16xi32> to vector<16xi32>
    %swap3A_160 = arith.constant 112 : index
    %swap3A_161 = tpu.vector_load %arg16[%swap3A_160] {strides = array<i32>} : memref<128xi32, #tpu.memory_space<vmem>>, vector<16xi32>,
    %swap3A_162 = vector.shape_cast %swap3A_161 : vector<16xi32> to vector<16xi32>
    %swap3A_163 = vector.shape_cast %get3A_159 : vector<16xi32> to vector<16xi32>
    tpu.vector_store %arg16[%swap3A_160], %swap3A_163 {strides = array<i32>} : memref<128xi32, #tpu.memory_space<vmem>>, vector<16xi32>,
    %dma_start3A_164 = arith.constant 0 : i32
    %dma_start3A_165 = arith.constant 0 : i32
    %dma_start3A_166 = tpu.memref_slice %arg2[%dma_start3A_164, %dma_start3A_165] : memref<10240x128xf32, #tpu.memory_space<hbm>> -> memref<10240x128xf32, #tpu.memory_space<hbm>>
    tpu.enqueue_indirect_dma source(%dma_start3A_166 : memref<10240x128xf32, #tpu.memory_space<hbm>>) target(%arg10 : memref<128x128xf32, #tpu.memory_space<vmem>>) offsets(%arg16 : memref<128xi32, #tpu.memory_space<vmem>>) semaphore(%arg19 : memref<!tpu.dma_semaphore, #tpu.memory_space<semaphore_mem>>)
    %scan3A_167 = arith.constant 0 : i32
    %scan3A_168 = arith.constant 5 : i32
    %scan3A_169 = arith.addi %scan3A_167, %scan3A_168 : i32
    %scan3A_170 = arith.constant 1 : i32
    scf.for %scan3A_173 = %scan3A_167 to %scan3A_169 step %scan3A_170  : i32 {
      %mul3A_174 = arith.constant 1 : i32
      %mul3A_175 = arith.muli %scan3A_173, %mul3A_174 : i32
      %add3A_176 = arith.constant 0 : i32
      %add3A_177 = arith.addi %add3A_176, %mul3A_175 : i32
      %mul3A_178 = arith.constant 2 : i32
      %mul3A_179 = arith.muli %mul3A_178, %add3A_177 : i32
      %add3A_180 = arith.constant 1 : i32
      %add3A_181 = arith.addi %mul3A_179, %add3A_180 : i32
      %mul3A_182 = arith.constant 8 : i32
      %mul3A_183 = arith.muli %add3A_181, %mul3A_182 : i32
      %add3A_184 = arith.addi %mul3A_13, %mul3A_183 : i32
      "tpu.region"() ({
        %run_scoped3A = tpu.sem_alloc : memref<!tpu.dma_semaphore, #tpu.memory_space<semaphore_mem>>
        %dma_start3A_815 = arith.constant 0 : i32
        %dma_start3A_816 = tpu.memref_slice %arg3[%add3A_184, %dma_start3A_815] : memref<5120x128xi32, #tpu.memory_space<hbm>> -> memref<8x128xi32, #tpu.memory_space<hbm>>
        %dma_start3A_817 = arith.constant 0 : i32
        %dma_start3A_818 = tpu.memref_slice %arg3[%add3A_184, %dma_start3A_817] : memref<5120x128xi32, #tpu.memory_space<hbm>> -> memref<8x128xi32, #tpu.memory_space<hbm>>
        tpu.enqueue_dma source(%dma_start3A_818 : memref<8x128xi32, #tpu.memory_space<hbm>>) target(%arg6 : memref<8x128xi32, #tpu.memory_space<vmem>>) target_semaphore(%run_scoped3A : memref<!tpu.dma_semaphore, #tpu.memory_space<semaphore_mem>>)
        %dma_wait3A_819 = arith.constant 0 : i32
        %dma_wait3A_820 = tpu.memref_slice %arg3[%add3A_184, %dma_wait3A_819] : memref<5120x128xi32, #tpu.memory_space<hbm>> -> memref<8x128xi32, #tpu.memory_space<hbm>>
        %dma_wait3A_821 = arith.constant 0 : i32
        %dma_wait3A_822 = tpu.memref_slice %arg3[%add3A_184, %dma_wait3A_821] : memref<5120x128xi32, #tpu.memory_space<hbm>> -> memref<8x128xi32, #tpu.memory_space<hbm>>
        tpu.wait_dma2 semaphore(%run_scoped3A : memref<!tpu.dma_semaphore, #tpu.memory_space<semaphore_mem>>) src(%dma_wait3A_822 : memref<8x128xi32, #tpu.memory_space<hbm>>) dst(%arg6 : memref<8x128xi32, #tpu.memory_space<vmem>>)
        tpu.yield
      }) : () -> ()
      %add3A_185 = arith.constant 2560 : i32
      %add3A_186 = arith.addi %add3A_185, %mul3A_13 : i32
      %mul3A_187 = arith.constant 8 : i32
      %mul3A_188 = arith.muli %add3A_181, %mul3A_187 : i32
      %add3A_189 = arith.addi %add3A_186, %mul3A_188 : i32
      "tpu.region"() ({
        %run_scoped3A = tpu.sem_alloc : memref<!tpu.dma_semaphore, #tpu.memory_space<semaphore_mem>>
        %dma_start3A_815 = arith.constant 0 : i32
        %dma_start3A_816 = tpu.memref_slice %arg3[%add3A_189, %dma_start3A_815] : memref<5120x128xi32, #tpu.memory_space<hbm>> -> memref<8x128xi32, #tpu.memory_space<hbm>>
        %dma_start3A_817 = arith.constant 0 : i32
        %dma_start3A_818 = tpu.memref_slice %arg3[%add3A_189, %dma_start3A_817] : memref<5120x128xi32, #tpu.memory_space<hbm>> -> memref<8x128xi32, #tpu.memory_space<hbm>>
        tpu.enqueue_dma source(%dma_start3A_818 : memref<8x128xi32, #tpu.memory_space<hbm>>) target(%arg8 : memref<8x128xi32, #tpu.memory_space<vmem>>) target_semaphore(%run_scoped3A : memref<!tpu.dma_semaphore, #tpu.memory_space<semaphore_mem>>)
        %dma_wait3A_819 = arith.constant 0 : i32
        %dma_wait3A_820 = tpu.memref_slice %arg3[%add3A_189, %dma_wait3A_819] : memref<5120x128xi32, #tpu.memory_space<hbm>> -> memref<8x128xi32, #tpu.memory_space<hbm>>
        %dma_wait3A_821 = arith.constant 0 : i32
        %dma_wait3A_822 = tpu.memref_slice %arg3[%add3A_189, %dma_wait3A_821] : memref<5120x128xi32, #tpu.memory_space<hbm>> -> memref<8x128xi32, #tpu.memory_space<hbm>>
        tpu.wait_dma2 semaphore(%run_scoped3A : memref<!tpu.dma_semaphore, #tpu.memory_space<semaphore_mem>>) src(%dma_wait3A_822 : memref<8x128xi32, #tpu.memory_space<hbm>>) dst(%arg8 : memref<8x128xi32, #tpu.memory_space<vmem>>)
        tpu.yield
      }) : () -> ()
      %scan3A_190 = arith.constant 0 : i32
      %scan3A_191 = arith.constant 3 : i32
      %scan3A_192 = arith.addi %scan3A_190, %scan3A_191 : i32
      %scan3A_193 = arith.constant 1 : i32
      scf.for %scan3A_815 = %scan3A_190 to %scan3A_192 step %scan3A_193  : i32 {
        %mul3A_816 = arith.constant 1 : i32
        %mul3A_817 = arith.muli %scan3A_815, %mul3A_816 : i32
        %add3A_818 = arith.constant 0 : i32
        %add3A_819 = arith.addi %add3A_818, %mul3A_817 : i32
        %mul3A_820 = arith.constant 2 : i32
        %mul3A_821 = arith.muli %mul3A_820, %add3A_819 : i32
        %dma_wait3A_822 = arith.constant 0 : i32
        %dma_wait3A_823 = arith.constant 0 : i32
        %dma_wait3A_824 = tpu.memref_slice %arg2[%dma_wait3A_822, %dma_wait3A_823] : memref<10240x128xf32, #tpu.memory_space<hbm>> -> memref<128x128xf32, #tpu.memory_space<hbm>>
        %dma_wait3A_825 = arith.constant 0 : i32
        %dma_wait3A_826 = arith.constant 0 : i32
        %dma_wait3A_827 = tpu.memref_slice %arg2[%dma_wait3A_825, %dma_wait3A_826] : memref<10240x128xf32, #tpu.memory_space<hbm>> -> memref<128x128xf32, #tpu.memory_space<hbm>>
        tpu.wait_dma2 semaphore(%arg18 : memref<!tpu.dma_semaphore, #tpu.memory_space<semaphore_mem>>) src(%dma_wait3A_827 : memref<128x128xf32, #tpu.memory_space<hbm>>) dst(%arg9 : memref<128x128xf32, #tpu.memory_space<vmem>>)
        %get3A_828 = arith.index_cast %mul3A_821 : i32 to index
        %get3A_829 = arith.constant 0 : index
        %get3A_830 = tpu.vector_load %arg7[%get3A_828, %get3A_829] {strides = array<i32>} : memref<8x128xi32, #tpu.memory_space<vmem>>, vector<1x16xi32>,
        %get3A_831 = vector.shape_cast %get3A_830 : vector<1x16xi32> to vector<16xi32>
        %swap3A_832 = arith.constant 0 : index
        %swap3A_833 = tpu.vector_load %arg11[%swap3A_832] {strides = array<i32>} : memref<64xi32, #tpu.memory_space<vmem>>, vector<16xi32>,
        %swap3A_834 = vector.shape_cast %swap3A_833 : vector<16xi32> to vector<16xi32>
        %swap3A_835 = vector.shape_cast %get3A_831 : vector<16xi32> to vector<16xi32>
        tpu.vector_store %arg11[%swap3A_832], %swap3A_835 {strides = array<i32>} : memref<64xi32, #tpu.memory_space<vmem>>, vector<16xi32>,
        %get3A_836 = arith.index_cast %mul3A_821 : i32 to index
        %get3A_837 = arith.constant 64 : index
        %get3A_838 = tpu.vector_load %arg7[%get3A_836, %get3A_837] {strides = array<i32>} : memref<8x128xi32, #tpu.memory_space<vmem>>, vector<1x16xi32>,
        %get3A_839 = vector.shape_cast %get3A_838 : vector<1x16xi32> to vector<16xi32>
        %swap3A_840 = arith.constant 0 : index
        %swap3A_841 = tpu.vector_load %arg12[%swap3A_840] {strides = array<i32>} : memref<64xi32, #tpu.memory_space<vmem>>, vector<16xi32>,
        %swap3A_842 = vector.shape_cast %swap3A_841 : vector<16xi32> to vector<16xi32>
        %swap3A_843 = vector.shape_cast %get3A_839 : vector<16xi32> to vector<16xi32>
        tpu.vector_store %arg12[%swap3A_840], %swap3A_843 {strides = array<i32>} : memref<64xi32, #tpu.memory_space<vmem>>, vector<16xi32>,
        %get3A_844 = arith.index_cast %mul3A_821 : i32 to index
        %get3A_845 = arith.constant 16 : index
        %get3A_846 = tpu.vector_load %arg7[%get3A_844, %get3A_845] {strides = array<i32>} : memref<8x128xi32, #tpu.memory_space<vmem>>, vector<1x16xi32>,
        %get3A_847 = vector.shape_cast %get3A_846 : vector<1x16xi32> to vector<16xi32>
        %swap3A_848 = arith.constant 16 : index
        %swap3A_849 = tpu.vector_load %arg11[%swap3A_848] {strides = array<i32>} : memref<64xi32, #tpu.memory_space<vmem>>, vector<16xi32>,
        %swap3A_850 = vector.shape_cast %swap3A_849 : vector<16xi32> to vector<16xi32>
        %swap3A_851 = vector.shape_cast %get3A_847 : vector<16xi32> to vector<16xi32>
        tpu.vector_store %arg11[%swap3A_848], %swap3A_851 {strides = array<i32>} : memref<64xi32, #tpu.memory_space<vmem>>, vector<16xi32>,
        %get3A_852 = arith.index_cast %mul3A_821 : i32 to index
        %get3A_853 = arith.constant 80 : index
        %get3A_854 = tpu.vector_load %arg7[%get3A_852, %get3A_853] {strides = array<i32>} : memref<8x128xi32, #tpu.memory_space<vmem>>, vector<1x16xi32>,
        %get3A_855 = vector.shape_cast %get3A_854 : vector<1x16xi32> to vector<16xi32>
        %swap3A_856 = arith.constant 16 : index
        %swap3A_857 = tpu.vector_load %arg12[%swap3A_856] {strides = array<i32>} : memref<64xi32, #tpu.memory_space<vmem>>, vector<16xi32>,
        %swap3A_858 = vector.shape_cast %swap3A_857 : vector<16xi32> to vector<16xi32>
        %swap3A_859 = vector.shape_cast %get3A_855 : vector<16xi32> to vector<16xi32>
        tpu.vector_store %arg12[%swap3A_856], %swap3A_859 {strides = array<i32>} : memref<64xi32, #tpu.memory_space<vmem>>, vector<16xi32>,
        %get3A_860 = arith.index_cast %mul3A_821 : i32 to index
        %get3A_861 = arith.constant 32 : index
        %get3A_862 = tpu.vector_load %arg7[%get3A_860, %get3A_861] {strides = array<i32>} : memref<8x128xi32, #tpu.memory_space<vmem>>, vector<1x16xi32>,
        %get3A_863 = vector.shape_cast %get3A_862 : vector<1x16xi32> to vector<16xi32>
        %swap3A_864 = arith.constant 32 : index
        %swap3A_865 = tpu.vector_load %arg11[%swap3A_864] {strides = array<i32>} : memref<64xi32, #tpu.memory_space<vmem>>, vector<16xi32>,
        %swap3A_866 = vector.shape_cast %swap3A_865 : vector<16xi32> to vector<16xi32>
        %swap3A_867 = vector.shape_cast %get3A_863 : vector<16xi32> to vector<16xi32>
        tpu.vector_store %arg11[%swap3A_864], %swap3A_867 {strides = array<i32>} : memref<64xi32, #tpu.memory_space<vmem>>, vector<16xi32>,
        %get3A_868 = arith.index_cast %mul3A_821 : i32 to index
        %get3A_869 = arith.constant 96 : index
        %get3A_870 = tpu.vector_load %arg7[%get3A_868, %get3A_869] {strides = array<i32>} : memref<8x128xi32, #tpu.memory_space<vmem>>, vector<1x16xi32>,
        %get3A_871 = vector.shape_cast %get3A_870 : vector<1x16xi32> to vector<16xi32>
        %swap3A_872 = arith.constant 32 : index
        %swap3A_873 = tpu.vector_load %arg12[%swap3A_872] {strides = array<i32>} : memref<64xi32, #tpu.memory_space<vmem>>, vector<16xi32>,
        %swap3A_874 = vector.shape_cast %swap3A_873 : vector<16xi32> to vector<16xi32>
        %swap3A_875 = vector.shape_cast %get3A_871 : vector<16xi32> to vector<16xi32>
        tpu.vector_store %arg12[%swap3A_872], %swap3A_875 {strides = array<i32>} : memref<64xi32, #tpu.memory_space<vmem>>, vector<16xi32>,
        %get3A_876 = arith.index_cast %mul3A_821 : i32 to index
        %get3A_877 = arith.constant 48 : index
        %get3A_878 = tpu.vector_load %arg7[%get3A_876, %get3A_877] {strides = array<i32>} : memref<8x128xi32, #tpu.memory_space<vmem>>, vector<1x16xi32>,
        %get3A_879 = vector.shape_cast %get3A_878 : vector<1x16xi32> to vector<16xi32>
        %swap3A_880 = arith.constant 48 : index
        %swap3A_881 = tpu.vector_load %arg11[%swap3A_880] {strides = array<i32>} : memref<64xi32, #tpu.memory_space<vmem>>, vector<16xi32>,
        %swap3A_882 = vector.shape_cast %swap3A_881 : vector<16xi32> to vector<16xi32>
        %swap3A_883 = vector.shape_cast %get3A_879 : vector<16xi32> to vector<16xi32>
        tpu.vector_store %arg11[%swap3A_880], %swap3A_883 {strides = array<i32>} : memref<64xi32, #tpu.memory_space<vmem>>, vector<16xi32>,
        %get3A_884 = arith.index_cast %mul3A_821 : i32 to index
        %get3A_885 = arith.constant 112 : index
        %get3A_886 = tpu.vector_load %arg7[%get3A_884, %get3A_885] {strides = array<i32>} : memref<8x128xi32, #tpu.memory_space<vmem>>, vector<1x16xi32>,
        %get3A_887 = vector.shape_cast %get3A_886 : vector<1x16xi32> to vector<16xi32>
        %swap3A_888 = arith.constant 48 : index
        %swap3A_889 = tpu.vector_load %arg12[%swap3A_888] {strides = array<i32>} : memref<64xi32, #tpu.memory_space<vmem>>, vector<16xi32>,
        %swap3A_890 = vector.shape_cast %swap3A_889 : vector<16xi32> to vector<16xi32>
        %swap3A_891 = vector.shape_cast %get3A_887 : vector<16xi32> to vector<16xi32>
        tpu.vector_store %arg12[%swap3A_888], %swap3A_891 {strides = array<i32>} : memref<64xi32, #tpu.memory_space<vmem>>, vector<16xi32>,
        %dma_start3A_892 = arith.constant 0 : i32
        %dma_start3A_893 = arith.constant 0 : i32
        %dma_start3A_894 = tpu.memref_slice %arg9[%dma_start3A_892, %dma_start3A_893] : memref<128x128xf32, #tpu.memory_space<vmem>> -> memref<64x128xf32, #tpu.memory_space<vmem>>
        %dma_start3A_895 = arith.constant 0 : i32
        %dma_start3A_896 = arith.constant 0 : i32
        %dma_start3A_897 = tpu.memref_slice %arg17[%dma_start3A_895, %dma_start3A_896] : memref<10240x128xf32, #tpu.memory_space<vmem_shared>> -> memref<10240x128xf32, #tpu.memory_space<vmem_shared>>
        tpu.enqueue_indirect_dma source(%dma_start3A_894 : memref<64x128xf32, #tpu.memory_space<vmem>>) target(%dma_start3A_897 : memref<10240x128xf32, #tpu.memory_space<vmem_shared>>) offsets(%arg11 : memref<64xi32, #tpu.memory_space<vmem>>) semaphore(%arg20 : memref<!tpu.dma_semaphore, #tpu.memory_space<semaphore_mem>>) {add = true}
        %dma_start3A_898 = arith.constant 64 : i32
        %dma_start3A_899 = arith.constant 0 : i32
        %dma_start3A_900 = tpu.memref_slice %arg9[%dma_start3A_898, %dma_start3A_899] : memref<128x128xf32, #tpu.memory_space<vmem>> -> memref<64x128xf32, #tpu.memory_space<vmem>>
        %dma_start3A_901 = arith.constant 0 : i32
        %dma_start3A_902 = arith.constant 0 : i32
        %dma_start3A_903 = tpu.memref_slice %arg17[%dma_start3A_901, %dma_start3A_902] : memref<10240x128xf32, #tpu.memory_space<vmem_shared>> -> memref<10240x128xf32, #tpu.memory_space<vmem_shared>>
        tpu.enqueue_indirect_dma source(%dma_start3A_900 : memref<64x128xf32, #tpu.memory_space<vmem>>) target(%dma_start3A_903 : memref<10240x128xf32, #tpu.memory_space<vmem_shared>>) offsets(%arg12 : memref<64xi32, #tpu.memory_space<vmem>>) semaphore(%arg21 : memref<!tpu.dma_semaphore, #tpu.memory_space<semaphore_mem>>) {add = true}
        %dma_wait3A_904 = arith.constant 0 : i32
        %dma_wait3A_905 = arith.constant 0 : i32
        %dma_wait3A_906 = tpu.memref_slice %arg9[%dma_wait3A_904, %dma_wait3A_905] : memref<128x128xf32, #tpu.memory_space<vmem>> -> memref<64x128xf32, #tpu.memory_space<vmem>>
        %dma_wait3A_907 = arith.constant 0 : i32
        %dma_wait3A_908 = arith.constant 0 : i32
        %dma_wait3A_909 = tpu.memref_slice %arg2[%dma_wait3A_907, %dma_wait3A_908] : memref<10240x128xf32, #tpu.memory_space<hbm>> -> memref<64x128xf32, #tpu.memory_space<hbm>>
        %dma_wait3A_910 = arith.constant 0 : i32
        %dma_wait3A_911 = arith.constant 0 : i32
        %dma_wait3A_912 = tpu.memref_slice %arg9[%dma_wait3A_910, %dma_wait3A_911] : memref<128x128xf32, #tpu.memory_space<vmem>> -> memref<64x128xf32, #tpu.memory_space<vmem>>
        %dma_wait3A_913 = arith.constant 0 : i32
        %dma_wait3A_914 = arith.constant 0 : i32
        %dma_wait3A_915 = tpu.memref_slice %arg2[%dma_wait3A_913, %dma_wait3A_914] : memref<10240x128xf32, #tpu.memory_space<hbm>> -> memref<64x128xf32, #tpu.memory_space<hbm>>
        tpu.wait_dma2 semaphore(%arg20 : memref<!tpu.dma_semaphore, #tpu.memory_space<semaphore_mem>>) src(%dma_wait3A_915 : memref<64x128xf32, #tpu.memory_space<hbm>>) dst(%dma_wait3A_912 : memref<64x128xf32, #tpu.memory_space<vmem>>)
        %dma_wait3A_916 = arith.constant 64 : i32
        %dma_wait3A_917 = arith.constant 0 : i32
        %dma_wait3A_918 = tpu.memref_slice %arg9[%dma_wait3A_916, %dma_wait3A_917] : memref<128x128xf32, #tpu.memory_space<vmem>> -> memref<64x128xf32, #tpu.memory_space<vmem>>
        %dma_wait3A_919 = arith.constant 0 : i32
        %dma_wait3A_920 = arith.constant 0 : i32
        %dma_wait3A_921 = tpu.memref_slice %arg2[%dma_wait3A_919, %dma_wait3A_920] : memref<10240x128xf32, #tpu.memory_space<hbm>> -> memref<64x128xf32, #tpu.memory_space<hbm>>
        %dma_wait3A_922 = arith.constant 64 : i32
        %dma_wait3A_923 = arith.constant 0 : i32
        %dma_wait3A_924 = tpu.memref_slice %arg9[%dma_wait3A_922, %dma_wait3A_923] : memref<128x128xf32, #tpu.memory_space<vmem>> -> memref<64x128xf32, #tpu.memory_space<vmem>>
        %dma_wait3A_925 = arith.constant 0 : i32
        %dma_wait3A_926 = arith.constant 0 : i32
        %dma_wait3A_927 = tpu.memref_slice %arg2[%dma_wait3A_925, %dma_wait3A_926] : memref<10240x128xf32, #tpu.memory_space<hbm>> -> memref<64x128xf32, #tpu.memory_space<hbm>>
        tpu.wait_dma2 semaphore(%arg21 : memref<!tpu.dma_semaphore, #tpu.memory_space<semaphore_mem>>) src(%dma_wait3A_927 : memref<64x128xf32, #tpu.memory_space<hbm>>) dst(%dma_wait3A_924 : memref<64x128xf32, #tpu.memory_space<vmem>>)
        %add3A_928 = arith.constant 2 : i32
        %add3A_929 = arith.addi %mul3A_821, %add3A_928 : i32
        %get3A_930 = arith.index_cast %add3A_929 : i32 to index
        %get3A_931 = arith.constant 0 : index
        %get3A_932 = tpu.vector_load %arg5[%get3A_930, %get3A_931] {strides = array<i32>} : memref<8x128xi32, #tpu.memory_space<vmem>>, vector<1x16xi32>,
        %get3A_933 = vector.shape_cast %get3A_932 : vector<1x16xi32> to vector<16xi32>
        %swap3A_934 = arith.constant 0 : index
        %swap3A_935 = tpu.vector_load %arg15[%swap3A_934] {strides = array<i32>} : memref<128xi32, #tpu.memory_space<vmem>>, vector<16xi32>,
        %swap3A_936 = vector.shape_cast %swap3A_935 : vector<16xi32> to vector<16xi32>
        %swap3A_937 = vector.shape_cast %get3A_933 : vector<16xi32> to vector<16xi32>
        tpu.vector_store %arg15[%swap3A_934], %swap3A_937 {strides = array<i32>} : memref<128xi32, #tpu.memory_space<vmem>>, vector<16xi32>,
        %get3A_938 = arith.index_cast %add3A_929 : i32 to index
        %get3A_939 = arith.constant 16 : index
        %get3A_940 = tpu.vector_load %arg5[%get3A_938, %get3A_939] {strides = array<i32>} : memref<8x128xi32, #tpu.memory_space<vmem>>, vector<1x16xi32>,
        %get3A_941 = vector.shape_cast %get3A_940 : vector<1x16xi32> to vector<16xi32>
        %swap3A_942 = arith.constant 16 : index
        %swap3A_943 = tpu.vector_load %arg15[%swap3A_942] {strides = array<i32>} : memref<128xi32, #tpu.memory_space<vmem>>, vector<16xi32>,
        %swap3A_944 = vector.shape_cast %swap3A_943 : vector<16xi32> to vector<16xi32>
        %swap3A_945 = vector.shape_cast %get3A_941 : vector<16xi32> to vector<16xi32>
        tpu.vector_store %arg15[%swap3A_942], %swap3A_945 {strides = array<i32>} : memref<128xi32, #tpu.memory_space<vmem>>, vector<16xi32>,
        %get3A_946 = arith.index_cast %add3A_929 : i32 to index
        %get3A_947 = arith.constant 32 : index
        %get3A_948 = tpu.vector_load %arg5[%get3A_946, %get3A_947] {strides = array<i32>} : memref<8x128xi32, #tpu.memory_space<vmem>>, vector<1x16xi32>,
        %get3A_949 = vector.shape_cast %get3A_948 : vector<1x16xi32> to vector<16xi32>
        %swap3A_950 = arith.constant 32 : index
        %swap3A_951 = tpu.vector_load %arg15[%swap3A_950] {strides = array<i32>} : memref<128xi32, #tpu.memory_space<vmem>>, vector<16xi32>,
        %swap3A_952 = vector.shape_cast %swap3A_951 : vector<16xi32> to vector<16xi32>
        %swap3A_953 = vector.shape_cast %get3A_949 : vector<16xi32> to vector<16xi32>
        tpu.vector_store %arg15[%swap3A_950], %swap3A_953 {strides = array<i32>} : memref<128xi32, #tpu.memory_space<vmem>>, vector<16xi32>,
        %get3A_954 = arith.index_cast %add3A_929 : i32 to index
        %get3A_955 = arith.constant 48 : index
        %get3A_956 = tpu.vector_load %arg5[%get3A_954, %get3A_955] {strides = array<i32>} : memref<8x128xi32, #tpu.memory_space<vmem>>, vector<1x16xi32>,
        %get3A_957 = vector.shape_cast %get3A_956 : vector<1x16xi32> to vector<16xi32>
        %swap3A_958 = arith.constant 48 : index
        %swap3A_959 = tpu.vector_load %arg15[%swap3A_958] {strides = array<i32>} : memref<128xi32, #tpu.memory_space<vmem>>, vector<16xi32>,
        %swap3A_960 = vector.shape_cast %swap3A_959 : vector<16xi32> to vector<16xi32>
        %swap3A_961 = vector.shape_cast %get3A_957 : vector<16xi32> to vector<16xi32>
        tpu.vector_store %arg15[%swap3A_958], %swap3A_961 {strides = array<i32>} : memref<128xi32, #tpu.memory_space<vmem>>, vector<16xi32>,
        %get3A_962 = arith.index_cast %add3A_929 : i32 to index
        %get3A_963 = arith.constant 64 : index
        %get3A_964 = tpu.vector_load %arg5[%get3A_962, %get3A_963] {strides = array<i32>} : memref<8x128xi32, #tpu.memory_space<vmem>>, vector<1x16xi32>,
        %get3A_965 = vector.shape_cast %get3A_964 : vector<1x16xi32> to vector<16xi32>
        %swap3A_966 = arith.constant 64 : index
        %swap3A_967 = tpu.vector_load %arg15[%swap3A_966] {strides = array<i32>} : memref<128xi32, #tpu.memory_space<vmem>>, vector<16xi32>,
        %swap3A_968 = vector.shape_cast %swap3A_967 : vector<16xi32> to vector<16xi32>
        %swap3A_969 = vector.shape_cast %get3A_965 : vector<16xi32> to vector<16xi32>
        tpu.vector_store %arg15[%swap3A_966], %swap3A_969 {strides = array<i32>} : memref<128xi32, #tpu.memory_space<vmem>>, vector<16xi32>,
        %get3A_970 = arith.index_cast %add3A_929 : i32 to index
        %get3A_971 = arith.constant 80 : index
        %get3A_972 = tpu.vector_load %arg5[%get3A_970, %get3A_971] {strides = array<i32>} : memref<8x128xi32, #tpu.memory_space<vmem>>, vector<1x16xi32>,
        %get3A_973 = vector.shape_cast %get3A_972 : vector<1x16xi32> to vector<16xi32>
        %swap3A_974 = arith.constant 80 : index
        %swap3A_975 = tpu.vector_load %arg15[%swap3A_974] {strides = array<i32>} : memref<128xi32, #tpu.memory_space<vmem>>, vector<16xi32>,
        %swap3A_976 = vector.shape_cast %swap3A_975 : vector<16xi32> to vector<16xi32>
        %swap3A_977 = vector.shape_cast %get3A_973 : vector<16xi32> to vector<16xi32>
        tpu.vector_store %arg15[%swap3A_974], %swap3A_977 {strides = array<i32>} : memref<128xi32, #tpu.memory_space<vmem>>, vector<16xi32>,
        %get3A_978 = arith.index_cast %add3A_929 : i32 to index
        %get3A_979 = arith.constant 96 : index
        %get3A_980 = tpu.vector_load %arg5[%get3A_978, %get3A_979] {strides = array<i32>} : memref<8x128xi32, #tpu.memory_space<vmem>>, vector<1x16xi32>,
        %get3A_981 = vector.shape_cast %get3A_980 : vector<1x16xi32> to vector<16xi32>
        %swap3A_982 = arith.constant 96 : index
        %swap3A_983 = tpu.vector_load %arg15[%swap3A_982] {strides = array<i32>} : memref<128xi32, #tpu.memory_space<vmem>>, vector<16xi32>,
        %swap3A_984 = vector.shape_cast %swap3A_983 : vector<16xi32> to vector<16xi32>
        %swap3A_985 = vector.shape_cast %get3A_981 : vector<16xi32> to vector<16xi32>
        tpu.vector_store %arg15[%swap3A_982], %swap3A_985 {strides = array<i32>} : memref<128xi32, #tpu.memory_space<vmem>>, vector<16xi32>,
        %get3A_986 = arith.index_cast %add3A_929 : i32 to index
        %get3A_987 = arith.constant 112 : index
        %get3A_988 = tpu.vector_load %arg5[%get3A_986, %get3A_987] {strides = array<i32>} : memref<8x128xi32, #tpu.memory_space<vmem>>, vector<1x16xi32>,
        %get3A_989 = vector.shape_cast %get3A_988 : vector<1x16xi32> to vector<16xi32>
        %swap3A_990 = arith.constant 112 : index
        %swap3A_991 = tpu.vector_load %arg15[%swap3A_990] {strides = array<i32>} : memref<128xi32, #tpu.memory_space<vmem>>, vector<16xi32>,
        %swap3A_992 = vector.shape_cast %swap3A_991 : vector<16xi32> to vector<16xi32>
        %swap3A_993 = vector.shape_cast %get3A_989 : vector<16xi32> to vector<16xi32>
        tpu.vector_store %arg15[%swap3A_990], %swap3A_993 {strides = array<i32>} : memref<128xi32, #tpu.memory_space<vmem>>, vector<16xi32>,
        %dma_start3A_994 = arith.constant 0 : i32
        %dma_start3A_995 = arith.constant 0 : i32
        %dma_start3A_996 = tpu.memref_slice %arg2[%dma_start3A_994, %dma_start3A_995] : memref<10240x128xf32, #tpu.memory_space<hbm>> -> memref<10240x128xf32, #tpu.memory_space<hbm>>
        tpu.enqueue_indirect_dma source(%dma_start3A_996 : memref<10240x128xf32, #tpu.memory_space<hbm>>) target(%arg9 : memref<128x128xf32, #tpu.memory_space<vmem>>) offsets(%arg15 : memref<128xi32, #tpu.memory_space<vmem>>) semaphore(%arg18 : memref<!tpu.dma_semaphore, #tpu.memory_space<semaphore_mem>>)
        %dma_wait3A_997 = arith.constant 0 : i32
        %dma_wait3A_998 = arith.constant 0 : i32
        %dma_wait3A_999 = tpu.memref_slice %arg2[%dma_wait3A_997, %dma_wait3A_998] : memref<10240x128xf32, #tpu.memory_space<hbm>> -> memref<128x128xf32, #tpu.memory_space<hbm>>
        %dma_wait3A_1000 = arith.constant 0 : i32
        %dma_wait3A_1001 = arith.constant 0 : i32
        %dma_wait3A_1002 = tpu.memref_slice %arg2[%dma_wait3A_1000, %dma_wait3A_1001] : memref<10240x128xf32, #tpu.memory_space<hbm>> -> memref<128x128xf32, #tpu.memory_space<hbm>>
        tpu.wait_dma2 semaphore(%arg19 : memref<!tpu.dma_semaphore, #tpu.memory_space<semaphore_mem>>) src(%dma_wait3A_1002 : memref<128x128xf32, #tpu.memory_space<hbm>>) dst(%arg10 : memref<128x128xf32, #tpu.memory_space<vmem>>)
        %add3A_1003 = arith.constant 1 : i32
        %add3A_1004 = arith.addi %mul3A_821, %add3A_1003 : i32
        %get3A_1005 = arith.index_cast %add3A_1004 : i32 to index
        %get3A_1006 = arith.constant 0 : index
        %get3A_1007 = tpu.vector_load %arg7[%get3A_1005, %get3A_1006] {strides = array<i32>} : memref<8x128xi32, #tpu.memory_space<vmem>>, vector<1x16xi32>,
        %get3A_1008 = vector.shape_cast %get3A_1007 : vector<1x16xi32> to vector<16xi32>
        %swap3A_1009 = arith.constant 0 : index
        %swap3A_1010 = tpu.vector_load %arg13[%swap3A_1009] {strides = array<i32>} : memref<64xi32, #tpu.memory_space<vmem>>, vector<16xi32>,
        %swap3A_1011 = vector.shape_cast %swap3A_1010 : vector<16xi32> to vector<16xi32>
        %swap3A_1012 = vector.shape_cast %get3A_1008 : vector<16xi32> to vector<16xi32>
        tpu.vector_store %arg13[%swap3A_1009], %swap3A_1012 {strides = array<i32>} : memref<64xi32, #tpu.memory_space<vmem>>, vector<16xi32>,
        %get3A_1013 = arith.index_cast %add3A_1004 : i32 to index
        %get3A_1014 = arith.constant 64 : index
        %get3A_1015 = tpu.vector_load %arg7[%get3A_1013, %get3A_1014] {strides = array<i32>} : memref<8x128xi32, #tpu.memory_space<vmem>>, vector<1x16xi32>,
        %get3A_1016 = vector.shape_cast %get3A_1015 : vector<1x16xi32> to vector<16xi32>
        %swap3A_1017 = arith.constant 0 : index
        %swap3A_1018 = tpu.vector_load %arg14[%swap3A_1017] {strides = array<i32>} : memref<64xi32, #tpu.memory_space<vmem>>, vector<16xi32>,
        %swap3A_1019 = vector.shape_cast %swap3A_1018 : vector<16xi32> to vector<16xi32>
        %swap3A_1020 = vector.shape_cast %get3A_1016 : vector<16xi32> to vector<16xi32>
        tpu.vector_store %arg14[%swap3A_1017], %swap3A_1020 {strides = array<i32>} : memref<64xi32, #tpu.memory_space<vmem>>, vector<16xi32>,
        %get3A_1021 = arith.index_cast %add3A_1004 : i32 to index
        %get3A_1022 = arith.constant 16 : index
        %get3A_1023 = tpu.vector_load %arg7[%get3A_1021, %get3A_1022] {strides = array<i32>} : memref<8x128xi32, #tpu.memory_space<vmem>>, vector<1x16xi32>,
        %get3A_1024 = vector.shape_cast %get3A_1023 : vector<1x16xi32> to vector<16xi32>
        %swap3A_1025 = arith.constant 16 : index
        %swap3A_1026 = tpu.vector_load %arg13[%swap3A_1025] {strides = array<i32>} : memref<64xi32, #tpu.memory_space<vmem>>, vector<16xi32>,
        %swap3A_1027 = vector.shape_cast %swap3A_1026 : vector<16xi32> to vector<16xi32>
        %swap3A_1028 = vector.shape_cast %get3A_1024 : vector<16xi32> to vector<16xi32>
        tpu.vector_store %arg13[%swap3A_1025], %swap3A_1028 {strides = array<i32>} : memref<64xi32, #tpu.memory_space<vmem>>, vector<16xi32>,
        %get3A_1029 = arith.index_cast %add3A_1004 : i32 to index
        %get3A_1030 = arith.constant 80 : index
        %get3A_1031 = tpu.vector_load %arg7[%get3A_1029, %get3A_1030] {strides = array<i32>} : memref<8x128xi32, #tpu.memory_space<vmem>>, vector<1x16xi32>,
        %get3A_1032 = vector.shape_cast %get3A_1031 : vector<1x16xi32> to vector<16xi32>
        %swap3A_1033 = arith.constant 16 : index
        %swap3A_1034 = tpu.vector_load %arg14[%swap3A_1033] {strides = array<i32>} : memref<64xi32, #tpu.memory_space<vmem>>, vector<16xi32>,
        %swap3A_1035 = vector.shape_cast %swap3A_1034 : vector<16xi32> to vector<16xi32>
        %swap3A_1036 = vector.shape_cast %get3A_1032 : vector<16xi32> to vector<16xi32>
        tpu.vector_store %arg14[%swap3A_1033], %swap3A_1036 {strides = array<i32>} : memref<64xi32, #tpu.memory_space<vmem>>, vector<16xi32>,
        %get3A_1037 = arith.index_cast %add3A_1004 : i32 to index
        %get3A_1038 = arith.constant 32 : index
        %get3A_1039 = tpu.vector_load %arg7[%get3A_1037, %get3A_1038] {strides = array<i32>} : memref<8x128xi32, #tpu.memory_space<vmem>>, vector<1x16xi32>,
        %get3A_1040 = vector.shape_cast %get3A_1039 : vector<1x16xi32> to vector<16xi32>
        %swap3A_1041 = arith.constant 32 : index
        %swap3A_1042 = tpu.vector_load %arg13[%swap3A_1041] {strides = array<i32>} : memref<64xi32, #tpu.memory_space<vmem>>, vector<16xi32>,
        %swap3A_1043 = vector.shape_cast %swap3A_1042 : vector<16xi32> to vector<16xi32>
        %swap3A_1044 = vector.shape_cast %get3A_1040 : vector<16xi32> to vector<16xi32>
        tpu.vector_store %arg13[%swap3A_1041], %swap3A_1044 {strides = array<i32>} : memref<64xi32, #tpu.memory_space<vmem>>, vector<16xi32>,
        %get3A_1045 = arith.index_cast %add3A_1004 : i32 to index
        %get3A_1046 = arith.constant 96 : index
        %get3A_1047 = tpu.vector_load %arg7[%get3A_1045, %get3A_1046] {strides = array<i32>} : memref<8x128xi32, #tpu.memory_space<vmem>>, vector<1x16xi32>,
        %get3A_1048 = vector.shape_cast %get3A_1047 : vector<1x16xi32> to vector<16xi32>
        %swap3A_1049 = arith.constant 32 : index
        %swap3A_1050 = tpu.vector_load %arg14[%swap3A_1049] {strides = array<i32>} : memref<64xi32, #tpu.memory_space<vmem>>, vector<16xi32>,
        %swap3A_1051 = vector.shape_cast %swap3A_1050 : vector<16xi32> to vector<16xi32>
        %swap3A_1052 = vector.shape_cast %get3A_1048 : vector<16xi32> to vector<16xi32>
        tpu.vector_store %arg14[%swap3A_1049], %swap3A_1052 {strides = array<i32>} : memref<64xi32, #tpu.memory_space<vmem>>, vector<16xi32>,
        %get3A_1053 = arith.index_cast %add3A_1004 : i32 to index
        %get3A_1054 = arith.constant 48 : index
        %get3A_1055 = tpu.vector_load %arg7[%get3A_1053, %get3A_1054] {strides = array<i32>} : memref<8x128xi32, #tpu.memory_space<vmem>>, vector<1x16xi32>,
        %get3A_1056 = vector.shape_cast %get3A_1055 : vector<1x16xi32> to vector<16xi32>
        %swap3A_1057 = arith.constant 48 : index
        %swap3A_1058 = tpu.vector_load %arg13[%swap3A_1057] {strides = array<i32>} : memref<64xi32, #tpu.memory_space<vmem>>, vector<16xi32>,
        %swap3A_1059 = vector.shape_cast %swap3A_1058 : vector<16xi32> to vector<16xi32>
        %swap3A_1060 = vector.shape_cast %get3A_1056 : vector<16xi32> to vector<16xi32>
        tpu.vector_store %arg13[%swap3A_1057], %swap3A_1060 {strides = array<i32>} : memref<64xi32, #tpu.memory_space<vmem>>, vector<16xi32>,
        %get3A_1061 = arith.index_cast %add3A_1004 : i32 to index
        %get3A_1062 = arith.constant 112 : index
        %get3A_1063 = tpu.vector_load %arg7[%get3A_1061, %get3A_1062] {strides = array<i32>} : memref<8x128xi32, #tpu.memory_space<vmem>>, vector<1x16xi32>,
        %get3A_1064 = vector.shape_cast %get3A_1063 : vector<1x16xi32> to vector<16xi32>
        %swap3A_1065 = arith.constant 48 : index
        %swap3A_1066 = tpu.vector_load %arg14[%swap3A_1065] {strides = array<i32>} : memref<64xi32, #tpu.memory_space<vmem>>, vector<16xi32>,
        %swap3A_1067 = vector.shape_cast %swap3A_1066 : vector<16xi32> to vector<16xi32>
        %swap3A_1068 = vector.shape_cast %get3A_1064 : vector<16xi32> to vector<16xi32>
        tpu.vector_store %arg14[%swap3A_1065], %swap3A_1068 {strides = array<i32>} : memref<64xi32, #tpu.memory_space<vmem>>, vector<16xi32>,
        %dma_start3A_1069 = arith.constant 0 : i32
        %dma_start3A_1070 = arith.constant 0 : i32
        %dma_start3A_1071 = tpu.memref_slice %arg10[%dma_start3A_1069, %dma_start3A_1070] : memref<128x128xf32, #tpu.memory_space<vmem>> -> memref<64x128xf32, #tpu.memory_space<vmem>>
        %dma_start3A_1072 = arith.constant 0 : i32
        %dma_start3A_1073 = arith.constant 0 : i32
        %dma_start3A_1074 = tpu.memref_slice %arg17[%dma_start3A_1072, %dma_start3A_1073] : memref<10240x128xf32, #tpu.memory_space<vmem_shared>> -> memref<10240x128xf32, #tpu.memory_space<vmem_shared>>
        tpu.enqueue_indirect_dma source(%dma_start3A_1071 : memref<64x128xf32, #tpu.memory_space<vmem>>) target(%dma_start3A_1074 : memref<10240x128xf32, #tpu.memory_space<vmem_shared>>) offsets(%arg13 : memref<64xi32, #tpu.memory_space<vmem>>) semaphore(%arg20 : memref<!tpu.dma_semaphore, #tpu.memory_space<semaphore_mem>>) {add = true}
        %dma_start3A_1075 = arith.constant 64 : i32
        %dma_start3A_1076 = arith.constant 0 : i32
        %dma_start3A_1077 = tpu.memref_slice %arg10[%dma_start3A_1075, %dma_start3A_1076] : memref<128x128xf32, #tpu.memory_space<vmem>> -> memref<64x128xf32, #tpu.memory_space<vmem>>
        %dma_start3A_1078 = arith.constant 0 : i32
        %dma_start3A_1079 = arith.constant 0 : i32
        %dma_start3A_1080 = tpu.memref_slice %arg17[%dma_start3A_1078, %dma_start3A_1079] : memref<10240x128xf32, #tpu.memory_space<vmem_shared>> -> memref<10240x128xf32, #tpu.memory_space<vmem_shared>>
        tpu.enqueue_indirect_dma source(%dma_start3A_1077 : memref<64x128xf32, #tpu.memory_space<vmem>>) target(%dma_start3A_1080 : memref<10240x128xf32, #tpu.memory_space<vmem_shared>>) offsets(%arg14 : memref<64xi32, #tpu.memory_space<vmem>>) semaphore(%arg21 : memref<!tpu.dma_semaphore, #tpu.memory_space<semaphore_mem>>) {add = true}
        %dma_wait3A_1081 = arith.constant 0 : i32
        %dma_wait3A_1082 = arith.constant 0 : i32
        %dma_wait3A_1083 = tpu.memref_slice %arg10[%dma_wait3A_1081, %dma_wait3A_1082] : memref<128x128xf32, #tpu.memory_space<vmem>> -> memref<64x128xf32, #tpu.memory_space<vmem>>
        %dma_wait3A_1084 = arith.constant 0 : i32
        %dma_wait3A_1085 = arith.constant 0 : i32
        %dma_wait3A_1086 = tpu.memref_slice %arg2[%dma_wait3A_1084, %dma_wait3A_1085] : memref<10240x128xf32, #tpu.memory_space<hbm>> -> memref<64x128xf32, #tpu.memory_space<hbm>>
        %dma_wait3A_1087 = arith.constant 0 : i32
        %dma_wait3A_1088 = arith.constant 0 : i32
        %dma_wait3A_1089 = tpu.memref_slice %arg10[%dma_wait3A_1087, %dma_wait3A_1088] : memref<128x128xf32, #tpu.memory_space<vmem>> -> memref<64x128xf32, #tpu.memory_space<vmem>>
        %dma_wait3A_1090 = arith.constant 0 : i32
        %dma_wait3A_1091 = arith.constant 0 : i32
        %dma_wait3A_1092 = tpu.memref_slice %arg2[%dma_wait3A_1090, %dma_wait3A_1091] : memref<10240x128xf32, #tpu.memory_space<hbm>> -> memref<64x128xf32, #tpu.memory_space<hbm>>
        tpu.wait_dma2 semaphore(%arg20 : memref<!tpu.dma_semaphore, #tpu.memory_space<semaphore_mem>>) src(%dma_wait3A_1092 : memref<64x128xf32, #tpu.memory_space<hbm>>) dst(%dma_wait3A_1089 : memref<64x128xf32, #tpu.memory_space<vmem>>)
        %dma_wait3A_1093 = arith.constant 64 : i32
        %dma_wait3A_1094 = arith.constant 0 : i32
        %dma_wait3A_1095 = tpu.memref_slice %arg10[%dma_wait3A_1093, %dma_wait3A_1094] : memref<128x128xf32, #tpu.memory_space<vmem>> -> memref<64x128xf32, #tpu.memory_space<vmem>>
        %dma_wait3A_1096 = arith.constant 0 : i32
        %dma_wait3A_1097 = arith.constant 0 : i32
        %dma_wait3A_1098 = tpu.memref_slice %arg2[%dma_wait3A_1096, %dma_wait3A_1097] : memref<10240x128xf32, #tpu.memory_space<hbm>> -> memref<64x128xf32, #tpu.memory_space<hbm>>
        %dma_wait3A_1099 = arith.constant 64 : i32
        %dma_wait3A_1100 = arith.constant 0 : i32
        %dma_wait3A_1101 = tpu.memref_slice %arg10[%dma_wait3A_1099, %dma_wait3A_1100] : memref<128x128xf32, #tpu.memory_space<vmem>> -> memref<64x128xf32, #tpu.memory_space<vmem>>
        %dma_wait3A_1102 = arith.constant 0 : i32
        %dma_wait3A_1103 = arith.constant 0 : i32
        %dma_wait3A_1104 = tpu.memref_slice %arg2[%dma_wait3A_1102, %dma_wait3A_1103] : memref<10240x128xf32, #tpu.memory_space<hbm>> -> memref<64x128xf32, #tpu.memory_space<hbm>>
        tpu.wait_dma2 semaphore(%arg21 : memref<!tpu.dma_semaphore, #tpu.memory_space<semaphore_mem>>) src(%dma_wait3A_1104 : memref<64x128xf32, #tpu.memory_space<hbm>>) dst(%dma_wait3A_1101 : memref<64x128xf32, #tpu.memory_space<vmem>>)
        %add3A_1105 = arith.constant 3 : i32
        %add3A_1106 = arith.addi %mul3A_821, %add3A_1105 : i32
        %get3A_1107 = arith.index_cast %add3A_1106 : i32 to index
        %get3A_1108 = arith.constant 0 : index
        %get3A_1109 = tpu.vector_load %arg5[%get3A_1107, %get3A_1108] {strides = array<i32>} : memref<8x128xi32, #tpu.memory_space<vmem>>, vector<1x16xi32>,
        %get3A_1110 = vector.shape_cast %get3A_1109 : vector<1x16xi32> to vector<16xi32>
        %swap3A_1111 = arith.constant 0 : index
        %swap3A_1112 = tpu.vector_load %arg16[%swap3A_1111] {strides = array<i32>} : memref<128xi32, #tpu.memory_space<vmem>>, vector<16xi32>,
        %swap3A_1113 = vector.shape_cast %swap3A_1112 : vector<16xi32> to vector<16xi32>
        %swap3A_1114 = vector.shape_cast %get3A_1110 : vector<16xi32> to vector<16xi32>
        tpu.vector_store %arg16[%swap3A_1111], %swap3A_1114 {strides = array<i32>} : memref<128xi32, #tpu.memory_space<vmem>>, vector<16xi32>,
        %get3A_1115 = arith.index_cast %add3A_1106 : i32 to index
        %get3A_1116 = arith.constant 16 : index
        %get3A_1117 = tpu.vector_load %arg5[%get3A_1115, %get3A_1116] {strides = array<i32>} : memref<8x128xi32, #tpu.memory_space<vmem>>, vector<1x16xi32>,
        %get3A_1118 = vector.shape_cast %get3A_1117 : vector<1x16xi32> to vector<16xi32>
        %swap3A_1119 = arith.constant 16 : index
        %swap3A_1120 = tpu.vector_load %arg16[%swap3A_1119] {strides = array<i32>} : memref<128xi32, #tpu.memory_space<vmem>>, vector<16xi32>,
        %swap3A_1121 = vector.shape_cast %swap3A_1120 : vector<16xi32> to vector<16xi32>
        %swap3A_1122 = vector.shape_cast %get3A_1118 : vector<16xi32> to vector<16xi32>
        tpu.vector_store %arg16[%swap3A_1119], %swap3A_1122 {strides = array<i32>} : memref<128xi32, #tpu.memory_space<vmem>>, vector<16xi32>,
        %get3A_1123 = arith.index_cast %add3A_1106 : i32 to index
        %get3A_1124 = arith.constant 32 : index
        %get3A_1125 = tpu.vector_load %arg5[%get3A_1123, %get3A_1124] {strides = array<i32>} : memref<8x128xi32, #tpu.memory_space<vmem>>, vector<1x16xi32>,
        %get3A_1126 = vector.shape_cast %get3A_1125 : vector<1x16xi32> to vector<16xi32>
        %swap3A_1127 = arith.constant 32 : index
        %swap3A_1128 = tpu.vector_load %arg16[%swap3A_1127] {strides = array<i32>} : memref<128xi32, #tpu.memory_space<vmem>>, vector<16xi32>,
        %swap3A_1129 = vector.shape_cast %swap3A_1128 : vector<16xi32> to vector<16xi32>
        %swap3A_1130 = vector.shape_cast %get3A_1126 : vector<16xi32> to vector<16xi32>
        tpu.vector_store %arg16[%swap3A_1127], %swap3A_1130 {strides = array<i32>} : memref<128xi32, #tpu.memory_space<vmem>>, vector<16xi32>,
        %get3A_1131 = arith.index_cast %add3A_1106 : i32 to index
        %get3A_1132 = arith.constant 48 : index
        %get3A_1133 = tpu.vector_load %arg5[%get3A_1131, %get3A_1132] {strides = array<i32>} : memref<8x128xi32, #tpu.memory_space<vmem>>, vector<1x16xi32>,
        %get3A_1134 = vector.shape_cast %get3A_1133 : vector<1x16xi32> to vector<16xi32>
        %swap3A_1135 = arith.constant 48 : index
        %swap3A_1136 = tpu.vector_load %arg16[%swap3A_1135] {strides = array<i32>} : memref<128xi32, #tpu.memory_space<vmem>>, vector<16xi32>,
        %swap3A_1137 = vector.shape_cast %swap3A_1136 : vector<16xi32> to vector<16xi32>
        %swap3A_1138 = vector.shape_cast %get3A_1134 : vector<16xi32> to vector<16xi32>
        tpu.vector_store %arg16[%swap3A_1135], %swap3A_1138 {strides = array<i32>} : memref<128xi32, #tpu.memory_space<vmem>>, vector<16xi32>,
        %get3A_1139 = arith.index_cast %add3A_1106 : i32 to index
        %get3A_1140 = arith.constant 64 : index
        %get3A_1141 = tpu.vector_load %arg5[%get3A_1139, %get3A_1140] {strides = array<i32>} : memref<8x128xi32, #tpu.memory_space<vmem>>, vector<1x16xi32>,
        %get3A_1142 = vector.shape_cast %get3A_1141 : vector<1x16xi32> to vector<16xi32>
        %swap3A_1143 = arith.constant 64 : index
        %swap3A_1144 = tpu.vector_load %arg16[%swap3A_1143] {strides = array<i32>} : memref<128xi32, #tpu.memory_space<vmem>>, vector<16xi32>,
        %swap3A_1145 = vector.shape_cast %swap3A_1144 : vector<16xi32> to vector<16xi32>
        %swap3A_1146 = vector.shape_cast %get3A_1142 : vector<16xi32> to vector<16xi32>
        tpu.vector_store %arg16[%swap3A_1143], %swap3A_1146 {strides = array<i32>} : memref<128xi32, #tpu.memory_space<vmem>>, vector<16xi32>,
        %get3A_1147 = arith.index_cast %add3A_1106 : i32 to index
        %get3A_1148 = arith.constant 80 : index
        %get3A_1149 = tpu.vector_load %arg5[%get3A_1147, %get3A_1148] {strides = array<i32>} : memref<8x128xi32, #tpu.memory_space<vmem>>, vector<1x16xi32>,
        %get3A_1150 = vector.shape_cast %get3A_1149 : vector<1x16xi32> to vector<16xi32>
        %swap3A_1151 = arith.constant 80 : index
        %swap3A_1152 = tpu.vector_load %arg16[%swap3A_1151] {strides = array<i32>} : memref<128xi32, #tpu.memory_space<vmem>>, vector<16xi32>,
        %swap3A_1153 = vector.shape_cast %swap3A_1152 : vector<16xi32> to vector<16xi32>
        %swap3A_1154 = vector.shape_cast %get3A_1150 : vector<16xi32> to vector<16xi32>
        tpu.vector_store %arg16[%swap3A_1151], %swap3A_1154 {strides = array<i32>} : memref<128xi32, #tpu.memory_space<vmem>>, vector<16xi32>,
        %get3A_1155 = arith.index_cast %add3A_1106 : i32 to index
        %get3A_1156 = arith.constant 96 : index
        %get3A_1157 = tpu.vector_load %arg5[%get3A_1155, %get3A_1156] {strides = array<i32>} : memref<8x128xi32, #tpu.memory_space<vmem>>, vector<1x16xi32>,
        %get3A_1158 = vector.shape_cast %get3A_1157 : vector<1x16xi32> to vector<16xi32>
        %swap3A_1159 = arith.constant 96 : index
        %swap3A_1160 = tpu.vector_load %arg16[%swap3A_1159] {strides = array<i32>} : memref<128xi32, #tpu.memory_space<vmem>>, vector<16xi32>,
        %swap3A_1161 = vector.shape_cast %swap3A_1160 : vector<16xi32> to vector<16xi32>
        %swap3A_1162 = vector.shape_cast %get3A_1158 : vector<16xi32> to vector<16xi32>
        tpu.vector_store %arg16[%swap3A_1159], %swap3A_1162 {strides = array<i32>} : memref<128xi32, #tpu.memory_space<vmem>>, vector<16xi32>,
        %get3A_1163 = arith.index_cast %add3A_1106 : i32 to index
        %get3A_1164 = arith.constant 112 : index
        %get3A_1165 = tpu.vector_load %arg5[%get3A_1163, %get3A_1164] {strides = array<i32>} : memref<8x128xi32, #tpu.memory_space<vmem>>, vector<1x16xi32>,
        %get3A_1166 = vector.shape_cast %get3A_1165 : vector<1x16xi32> to vector<16xi32>
        %swap3A_1167 = arith.constant 112 : index
        %swap3A_1168 = tpu.vector_load %arg16[%swap3A_1167] {strides = array<i32>} : memref<128xi32, #tpu.memory_space<vmem>>, vector<16xi32>,
        %swap3A_1169 = vector.shape_cast %swap3A_1168 : vector<16xi32> to vector<16xi32>
        %swap3A_1170 = vector.shape_cast %get3A_1166 : vector<16xi32> to vector<16xi32>
        tpu.vector_store %arg16[%swap3A_1167], %swap3A_1170 {strides = array<i32>} : memref<128xi32, #tpu.memory_space<vmem>>, vector<16xi32>,
        %dma_start3A_1171 = arith.constant 0 : i32
        %dma_start3A_1172 = arith.constant 0 : i32
        %dma_start3A_1173 = tpu.memref_slice %arg2[%dma_start3A_1171, %dma_start3A_1172] : memref<10240x128xf32, #tpu.memory_space<hbm>> -> memref<10240x128xf32, #tpu.memory_space<hbm>>
        tpu.enqueue_indirect_dma source(%dma_start3A_1173 : memref<10240x128xf32, #tpu.memory_space<hbm>>) target(%arg10 : memref<128x128xf32, #tpu.memory_space<vmem>>) offsets(%arg16 : memref<128xi32, #tpu.memory_space<vmem>>) semaphore(%arg19 : memref<!tpu.dma_semaphore, #tpu.memory_space<semaphore_mem>>)
      }
      %scan3A_194 = arith.constant 3 : i32
      %dma_wait3A = arith.constant 0 : i32
      %dma_wait3A_195 = arith.constant 0 : i32
      %dma_wait3A_196 = tpu.memref_slice %arg2[%dma_wait3A, %dma_wait3A_195] : memref<10240x128xf32, #tpu.memory_space<hbm>> -> memref<128x128xf32, #tpu.memory_space<hbm>>
      %dma_wait3A_197 = arith.constant 0 : i32
      %dma_wait3A_198 = arith.constant 0 : i32
      %dma_wait3A_199 = tpu.memref_slice %arg2[%dma_wait3A_197, %dma_wait3A_198] : memref<10240x128xf32, #tpu.memory_space<hbm>> -> memref<128x128xf32, #tpu.memory_space<hbm>>
      tpu.wait_dma2 semaphore(%arg18 : memref<!tpu.dma_semaphore, #tpu.memory_space<semaphore_mem>>) src(%dma_wait3A_199 : memref<128x128xf32, #tpu.memory_space<hbm>>) dst(%arg9 : memref<128x128xf32, #tpu.memory_space<vmem>>)
      %get3A_200 = arith.constant 6 : i32
      %get3A_201 = arith.index_cast %get3A_200 : i32 to index
      %get3A_202 = arith.constant 0 : index
      %get3A_203 = tpu.vector_load %arg7[%get3A_201, %get3A_202] {strides = array<i32>} : memref<8x128xi32, #tpu.memory_space<vmem>>, vector<1x16xi32>,
      %get3A_204 = vector.shape_cast %get3A_203 : vector<1x16xi32> to vector<16xi32>
      %swap3A_205 = arith.constant 0 : index
      %swap3A_206 = tpu.vector_load %arg11[%swap3A_205] {strides = array<i32>} : memref<64xi32, #tpu.memory_space<vmem>>, vector<16xi32>,
      %swap3A_207 = vector.shape_cast %swap3A_206 : vector<16xi32> to vector<16xi32>
      %swap3A_208 = vector.shape_cast %get3A_204 : vector<16xi32> to vector<16xi32>
      tpu.vector_store %arg11[%swap3A_205], %swap3A_208 {strides = array<i32>} : memref<64xi32, #tpu.memory_space<vmem>>, vector<16xi32>,
      %get3A_209 = arith.constant 6 : i32
      %get3A_210 = arith.index_cast %get3A_209 : i32 to index
      %get3A_211 = arith.constant 64 : index
      %get3A_212 = tpu.vector_load %arg7[%get3A_210, %get3A_211] {strides = array<i32>} : memref<8x128xi32, #tpu.memory_space<vmem>>, vector<1x16xi32>,
      %get3A_213 = vector.shape_cast %get3A_212 : vector<1x16xi32> to vector<16xi32>
      %swap3A_214 = arith.constant 0 : index
      %swap3A_215 = tpu.vector_load %arg12[%swap3A_214] {strides = array<i32>} : memref<64xi32, #tpu.memory_space<vmem>>, vector<16xi32>,
      %swap3A_216 = vector.shape_cast %swap3A_215 : vector<16xi32> to vector<16xi32>
      %swap3A_217 = vector.shape_cast %get3A_213 : vector<16xi32> to vector<16xi32>
      tpu.vector_store %arg12[%swap3A_214], %swap3A_217 {strides = array<i32>} : memref<64xi32, #tpu.memory_space<vmem>>, vector<16xi32>,
      %get3A_218 = arith.constant 6 : i32
      %get3A_219 = arith.index_cast %get3A_218 : i32 to index
      %get3A_220 = arith.constant 16 : index
      %get3A_221 = tpu.vector_load %arg7[%get3A_219, %get3A_220] {strides = array<i32>} : memref<8x128xi32, #tpu.memory_space<vmem>>, vector<1x16xi32>,
      %get3A_222 = vector.shape_cast %get3A_221 : vector<1x16xi32> to vector<16xi32>
      %swap3A_223 = arith.constant 16 : index
      %swap3A_224 = tpu.vector_load %arg11[%swap3A_223] {strides = array<i32>} : memref<64xi32, #tpu.memory_space<vmem>>, vector<16xi32>,
      %swap3A_225 = vector.shape_cast %swap3A_224 : vector<16xi32> to vector<16xi32>
      %swap3A_226 = vector.shape_cast %get3A_222 : vector<16xi32> to vector<16xi32>
      tpu.vector_store %arg11[%swap3A_223], %swap3A_226 {strides = array<i32>} : memref<64xi32, #tpu.memory_space<vmem>>, vector<16xi32>,
      %get3A_227 = arith.constant 6 : i32
      %get3A_228 = arith.index_cast %get3A_227 : i32 to index
      %get3A_229 = arith.constant 80 : index
      %get3A_230 = tpu.vector_load %arg7[%get3A_228, %get3A_229] {strides = array<i32>} : memref<8x128xi32, #tpu.memory_space<vmem>>, vector<1x16xi32>,
      %get3A_231 = vector.shape_cast %get3A_230 : vector<1x16xi32> to vector<16xi32>
      %swap3A_232 = arith.constant 16 : index
      %swap3A_233 = tpu.vector_load %arg12[%swap3A_232] {strides = array<i32>} : memref<64xi32, #tpu.memory_space<vmem>>, vector<16xi32>,
      %swap3A_234 = vector.shape_cast %swap3A_233 : vector<16xi32> to vector<16xi32>
      %swap3A_235 = vector.shape_cast %get3A_231 : vector<16xi32> to vector<16xi32>
      tpu.vector_store %arg12[%swap3A_232], %swap3A_235 {strides = array<i32>} : memref<64xi32, #tpu.memory_space<vmem>>, vector<16xi32>,
      %get3A_236 = arith.constant 6 : i32
      %get3A_237 = arith.index_cast %get3A_236 : i32 to index
      %get3A_238 = arith.constant 32 : index
      %get3A_239 = tpu.vector_load %arg7[%get3A_237, %get3A_238] {strides = array<i32>} : memref<8x128xi32, #tpu.memory_space<vmem>>, vector<1x16xi32>,
      %get3A_240 = vector.shape_cast %get3A_239 : vector<1x16xi32> to vector<16xi32>
      %swap3A_241 = arith.constant 32 : index
      %swap3A_242 = tpu.vector_load %arg11[%swap3A_241] {strides = array<i32>} : memref<64xi32, #tpu.memory_space<vmem>>, vector<16xi32>,
      %swap3A_243 = vector.shape_cast %swap3A_242 : vector<16xi32> to vector<16xi32>
      %swap3A_244 = vector.shape_cast %get3A_240 : vector<16xi32> to vector<16xi32>
      tpu.vector_store %arg11[%swap3A_241], %swap3A_244 {strides = array<i32>} : memref<64xi32, #tpu.memory_space<vmem>>, vector<16xi32>,
      %get3A_245 = arith.constant 6 : i32
      %get3A_246 = arith.index_cast %get3A_245 : i32 to index
      %get3A_247 = arith.constant 96 : index
      %get3A_248 = tpu.vector_load %arg7[%get3A_246, %get3A_247] {strides = array<i32>} : memref<8x128xi32, #tpu.memory_space<vmem>>, vector<1x16xi32>,
      %get3A_249 = vector.shape_cast %get3A_248 : vector<1x16xi32> to vector<16xi32>
      %swap3A_250 = arith.constant 32 : index
      %swap3A_251 = tpu.vector_load %arg12[%swap3A_250] {strides = array<i32>} : memref<64xi32, #tpu.memory_space<vmem>>, vector<16xi32>,
      %swap3A_252 = vector.shape_cast %swap3A_251 : vector<16xi32> to vector<16xi32>
      %swap3A_253 = vector.shape_cast %get3A_249 : vector<16xi32> to vector<16xi32>
      tpu.vector_store %arg12[%swap3A_250], %swap3A_253 {strides = array<i32>} : memref<64xi32, #tpu.memory_space<vmem>>, vector<16xi32>,
      %get3A_254 = arith.constant 6 : i32
      %get3A_255 = arith.index_cast %get3A_254 : i32 to index
      %get3A_256 = arith.constant 48 : index
      %get3A_257 = tpu.vector_load %arg7[%get3A_255, %get3A_256] {strides = array<i32>} : memref<8x128xi32, #tpu.memory_space<vmem>>, vector<1x16xi32>,
      %get3A_258 = vector.shape_cast %get3A_257 : vector<1x16xi32> to vector<16xi32>
      %swap3A_259 = arith.constant 48 : index
      %swap3A_260 = tpu.vector_load %arg11[%swap3A_259] {strides = array<i32>} : memref<64xi32, #tpu.memory_space<vmem>>, vector<16xi32>,
      %swap3A_261 = vector.shape_cast %swap3A_260 : vector<16xi32> to vector<16xi32>
      %swap3A_262 = vector.shape_cast %get3A_258 : vector<16xi32> to vector<16xi32>
      tpu.vector_store %arg11[%swap3A_259], %swap3A_262 {strides = array<i32>} : memref<64xi32, #tpu.memory_space<vmem>>, vector<16xi32>,
      %get3A_263 = arith.constant 6 : i32
      %get3A_264 = arith.index_cast %get3A_263 : i32 to index
      %get3A_265 = arith.constant 112 : index
      %get3A_266 = tpu.vector_load %arg7[%get3A_264, %get3A_265] {strides = array<i32>} : memref<8x128xi32, #tpu.memory_space<vmem>>, vector<1x16xi32>,
      %get3A_267 = vector.shape_cast %get3A_266 : vector<1x16xi32> to vector<16xi32>
      %swap3A_268 = arith.constant 48 : index
      %swap3A_269 = tpu.vector_load %arg12[%swap3A_268] {strides = array<i32>} : memref<64xi32, #tpu.memory_space<vmem>>, vector<16xi32>,
      %swap3A_270 = vector.shape_cast %swap3A_269 : vector<16xi32> to vector<16xi32>
      %swap3A_271 = vector.shape_cast %get3A_267 : vector<16xi32> to vector<16xi32>
      tpu.vector_store %arg12[%swap3A_268], %swap3A_271 {strides = array<i32>} : memref<64xi32, #tpu.memory_space<vmem>>, vector<16xi32>,
      %dma_start3A_272 = arith.constant 0 : i32
      %dma_start3A_273 = arith.constant 0 : i32
      %dma_start3A_274 = tpu.memref_slice %arg9[%dma_start3A_272, %dma_start3A_273] : memref<128x128xf32, #tpu.memory_space<vmem>> -> memref<64x128xf32, #tpu.memory_space<vmem>>
      %dma_start3A_275 = arith.constant 0 : i32
      %dma_start3A_276 = arith.constant 0 : i32
      %dma_start3A_277 = tpu.memref_slice %arg17[%dma_start3A_275, %dma_start3A_276] : memref<10240x128xf32, #tpu.memory_space<vmem_shared>> -> memref<10240x128xf32, #tpu.memory_space<vmem_shared>>
      tpu.enqueue_indirect_dma source(%dma_start3A_274 : memref<64x128xf32, #tpu.memory_space<vmem>>) target(%dma_start3A_277 : memref<10240x128xf32, #tpu.memory_space<vmem_shared>>) offsets(%arg11 : memref<64xi32, #tpu.memory_space<vmem>>) semaphore(%arg20 : memref<!tpu.dma_semaphore, #tpu.memory_space<semaphore_mem>>) {add = true}
      %dma_start3A_278 = arith.constant 64 : i32
      %dma_start3A_279 = arith.constant 0 : i32
      %dma_start3A_280 = tpu.memref_slice %arg9[%dma_start3A_278, %dma_start3A_279] : memref<128x128xf32, #tpu.memory_space<vmem>> -> memref<64x128xf32, #tpu.memory_space<vmem>>
      %dma_start3A_281 = arith.constant 0 : i32
      %dma_start3A_282 = arith.constant 0 : i32
      %dma_start3A_283 = tpu.memref_slice %arg17[%dma_start3A_281, %dma_start3A_282] : memref<10240x128xf32, #tpu.memory_space<vmem_shared>> -> memref<10240x128xf32, #tpu.memory_space<vmem_shared>>
      tpu.enqueue_indirect_dma source(%dma_start3A_280 : memref<64x128xf32, #tpu.memory_space<vmem>>) target(%dma_start3A_283 : memref<10240x128xf32, #tpu.memory_space<vmem_shared>>) offsets(%arg12 : memref<64xi32, #tpu.memory_space<vmem>>) semaphore(%arg21 : memref<!tpu.dma_semaphore, #tpu.memory_space<semaphore_mem>>) {add = true}
      %dma_wait3A_284 = arith.constant 0 : i32
      %dma_wait3A_285 = arith.constant 0 : i32
      %dma_wait3A_286 = tpu.memref_slice %arg9[%dma_wait3A_284, %dma_wait3A_285] : memref<128x128xf32, #tpu.memory_space<vmem>> -> memref<64x128xf32, #tpu.memory_space<vmem>>
      %dma_wait3A_287 = arith.constant 0 : i32
      %dma_wait3A_288 = arith.constant 0 : i32
      %dma_wait3A_289 = tpu.memref_slice %arg2[%dma_wait3A_287, %dma_wait3A_288] : memref<10240x128xf32, #tpu.memory_space<hbm>> -> memref<64x128xf32, #tpu.memory_space<hbm>>
      %dma_wait3A_290 = arith.constant 0 : i32
      %dma_wait3A_291 = arith.constant 0 : i32
      %dma_wait3A_292 = tpu.memref_slice %arg9[%dma_wait3A_290, %dma_wait3A_291] : memref<128x128xf32, #tpu.memory_space<vmem>> -> memref<64x128xf32, #tpu.memory_space<vmem>>
      %dma_wait3A_293 = arith.constant 0 : i32
      %dma_wait3A_294 = arith.constant 0 : i32
      %dma_wait3A_295 = tpu.memref_slice %arg2[%dma_wait3A_293, %dma_wait3A_294] : memref<10240x128xf32, #tpu.memory_space<hbm>> -> memref<64x128xf32, #tpu.memory_space<hbm>>
      tpu.wait_dma2 semaphore(%arg20 : memref<!tpu.dma_semaphore, #tpu.memory_space<semaphore_mem>>) src(%dma_wait3A_295 : memref<64x128xf32, #tpu.memory_space<hbm>>) dst(%dma_wait3A_292 : memref<64x128xf32, #tpu.memory_space<vmem>>)
      %dma_wait3A_296 = arith.constant 64 : i32
      %dma_wait3A_297 = arith.constant 0 : i32
      %dma_wait3A_298 = tpu.memref_slice %arg9[%dma_wait3A_296, %dma_wait3A_297] : memref<128x128xf32, #tpu.memory_space<vmem>> -> memref<64x128xf32, #tpu.memory_space<vmem>>
      %dma_wait3A_299 = arith.constant 0 : i32
      %dma_wait3A_300 = arith.constant 0 : i32
      %dma_wait3A_301 = tpu.memref_slice %arg2[%dma_wait3A_299, %dma_wait3A_300] : memref<10240x128xf32, #tpu.memory_space<hbm>> -> memref<64x128xf32, #tpu.memory_space<hbm>>
      %dma_wait3A_302 = arith.constant 64 : i32
      %dma_wait3A_303 = arith.constant 0 : i32
      %dma_wait3A_304 = tpu.memref_slice %arg9[%dma_wait3A_302, %dma_wait3A_303] : memref<128x128xf32, #tpu.memory_space<vmem>> -> memref<64x128xf32, #tpu.memory_space<vmem>>
      %dma_wait3A_305 = arith.constant 0 : i32
      %dma_wait3A_306 = arith.constant 0 : i32
      %dma_wait3A_307 = tpu.memref_slice %arg2[%dma_wait3A_305, %dma_wait3A_306] : memref<10240x128xf32, #tpu.memory_space<hbm>> -> memref<64x128xf32, #tpu.memory_space<hbm>>
      tpu.wait_dma2 semaphore(%arg21 : memref<!tpu.dma_semaphore, #tpu.memory_space<semaphore_mem>>) src(%dma_wait3A_307 : memref<64x128xf32, #tpu.memory_space<hbm>>) dst(%dma_wait3A_304 : memref<64x128xf32, #tpu.memory_space<vmem>>)
      %get3A_308 = arith.constant 0 : i32
      %get3A_309 = arith.index_cast %get3A_308 : i32 to index
      %get3A_310 = arith.constant 0 : index
      %get3A_311 = tpu.vector_load %arg6[%get3A_309, %get3A_310] {strides = array<i32>} : memref<8x128xi32, #tpu.memory_space<vmem>>, vector<1x16xi32>,
      %get3A_312 = vector.shape_cast %get3A_311 : vector<1x16xi32> to vector<16xi32>
      %swap3A_313 = arith.constant 0 : index
      %swap3A_314 = tpu.vector_load %arg15[%swap3A_313] {strides = array<i32>} : memref<128xi32, #tpu.memory_space<vmem>>, vector<16xi32>,
      %swap3A_315 = vector.shape_cast %swap3A_314 : vector<16xi32> to vector<16xi32>
      %swap3A_316 = vector.shape_cast %get3A_312 : vector<16xi32> to vector<16xi32>
      tpu.vector_store %arg15[%swap3A_313], %swap3A_316 {strides = array<i32>} : memref<128xi32, #tpu.memory_space<vmem>>, vector<16xi32>,
      %get3A_317 = arith.constant 0 : i32
      %get3A_318 = arith.index_cast %get3A_317 : i32 to index
      %get3A_319 = arith.constant 16 : index
      %get3A_320 = tpu.vector_load %arg6[%get3A_318, %get3A_319] {strides = array<i32>} : memref<8x128xi32, #tpu.memory_space<vmem>>, vector<1x16xi32>,
      %get3A_321 = vector.shape_cast %get3A_320 : vector<1x16xi32> to vector<16xi32>
      %swap3A_322 = arith.constant 16 : index
      %swap3A_323 = tpu.vector_load %arg15[%swap3A_322] {strides = array<i32>} : memref<128xi32, #tpu.memory_space<vmem>>, vector<16xi32>,
      %swap3A_324 = vector.shape_cast %swap3A_323 : vector<16xi32> to vector<16xi32>
      %swap3A_325 = vector.shape_cast %get3A_321 : vector<16xi32> to vector<16xi32>
      tpu.vector_store %arg15[%swap3A_322], %swap3A_325 {strides = array<i32>} : memref<128xi32, #tpu.memory_space<vmem>>, vector<16xi32>,
      %get3A_326 = arith.constant 0 : i32
      %get3A_327 = arith.index_cast %get3A_326 : i32 to index
      %get3A_328 = arith.constant 32 : index
      %get3A_329 = tpu.vector_load %arg6[%get3A_327, %get3A_328] {strides = array<i32>} : memref<8x128xi32, #tpu.memory_space<vmem>>, vector<1x16xi32>,
      %get3A_330 = vector.shape_cast %get3A_329 : vector<1x16xi32> to vector<16xi32>
      %swap3A_331 = arith.constant 32 : index
      %swap3A_332 = tpu.vector_load %arg15[%swap3A_331] {strides = array<i32>} : memref<128xi32, #tpu.memory_space<vmem>>, vector<16xi32>,
      %swap3A_333 = vector.shape_cast %swap3A_332 : vector<16xi32> to vector<16xi32>
      %swap3A_334 = vector.shape_cast %get3A_330 : vector<16xi32> to vector<16xi32>
      tpu.vector_store %arg15[%swap3A_331], %swap3A_334 {strides = array<i32>} : memref<128xi32, #tpu.memory_space<vmem>>, vector<16xi32>,
      %get3A_335 = arith.constant 0 : i32
      %get3A_336 = arith.index_cast %get3A_335 : i32 to index
      %get3A_337 = arith.constant 48 : index
      %get3A_338 = tpu.vector_load %arg6[%get3A_336, %get3A_337] {strides = array<i32>} : memref<8x128xi32, #tpu.memory_space<vmem>>, vector<1x16xi32>,
      %get3A_339 = vector.shape_cast %get3A_338 : vector<1x16xi32> to vector<16xi32>
      %swap3A_340 = arith.constant 48 : index
      %swap3A_341 = tpu.vector_load %arg15[%swap3A_340] {strides = array<i32>} : memref<128xi32, #tpu.memory_space<vmem>>, vector<16xi32>,
      %swap3A_342 = vector.shape_cast %swap3A_341 : vector<16xi32> to vector<16xi32>
      %swap3A_343 = vector.shape_cast %get3A_339 : vector<16xi32> to vector<16xi32>
      tpu.vector_store %arg15[%swap3A_340], %swap3A_343 {strides = array<i32>} : memref<128xi32, #tpu.memory_space<vmem>>, vector<16xi32>,
      %get3A_344 = arith.constant 0 : i32
      %get3A_345 = arith.index_cast %get3A_344 : i32 to index
      %get3A_346 = arith.constant 64 : index
      %get3A_347 = tpu.vector_load %arg6[%get3A_345, %get3A_346] {strides = array<i32>} : memref<8x128xi32, #tpu.memory_space<vmem>>, vector<1x16xi32>,
      %get3A_348 = vector.shape_cast %get3A_347 : vector<1x16xi32> to vector<16xi32>
      %swap3A_349 = arith.constant 64 : index
      %swap3A_350 = tpu.vector_load %arg15[%swap3A_349] {strides = array<i32>} : memref<128xi32, #tpu.memory_space<vmem>>, vector<16xi32>,
      %swap3A_351 = vector.shape_cast %swap3A_350 : vector<16xi32> to vector<16xi32>
      %swap3A_352 = vector.shape_cast %get3A_348 : vector<16xi32> to vector<16xi32>
      tpu.vector_store %arg15[%swap3A_349], %swap3A_352 {strides = array<i32>} : memref<128xi32, #tpu.memory_space<vmem>>, vector<16xi32>,
      %get3A_353 = arith.constant 0 : i32
      %get3A_354 = arith.index_cast %get3A_353 : i32 to index
      %get3A_355 = arith.constant 80 : index
      %get3A_356 = tpu.vector_load %arg6[%get3A_354, %get3A_355] {strides = array<i32>} : memref<8x128xi32, #tpu.memory_space<vmem>>, vector<1x16xi32>,
      %get3A_357 = vector.shape_cast %get3A_356 : vector<1x16xi32> to vector<16xi32>
      %swap3A_358 = arith.constant 80 : index
      %swap3A_359 = tpu.vector_load %arg15[%swap3A_358] {strides = array<i32>} : memref<128xi32, #tpu.memory_space<vmem>>, vector<16xi32>,
      %swap3A_360 = vector.shape_cast %swap3A_359 : vector<16xi32> to vector<16xi32>
      %swap3A_361 = vector.shape_cast %get3A_357 : vector<16xi32> to vector<16xi32>
      tpu.vector_store %arg15[%swap3A_358], %swap3A_361 {strides = array<i32>} : memref<128xi32, #tpu.memory_space<vmem>>, vector<16xi32>,
      %get3A_362 = arith.constant 0 : i32
      %get3A_363 = arith.index_cast %get3A_362 : i32 to index
      %get3A_364 = arith.constant 96 : index
      %get3A_365 = tpu.vector_load %arg6[%get3A_363, %get3A_364] {strides = array<i32>} : memref<8x128xi32, #tpu.memory_space<vmem>>, vector<1x16xi32>,
      %get3A_366 = vector.shape_cast %get3A_365 : vector<1x16xi32> to vector<16xi32>
      %swap3A_367 = arith.constant 96 : index
      %swap3A_368 = tpu.vector_load %arg15[%swap3A_367] {strides = array<i32>} : memref<128xi32, #tpu.memory_space<vmem>>, vector<16xi32>,
      %swap3A_369 = vector.shape_cast %swap3A_368 : vector<16xi32> to vector<16xi32>
      %swap3A_370 = vector.shape_cast %get3A_366 : vector<16xi32> to vector<16xi32>
      tpu.vector_store %arg15[%swap3A_367], %swap3A_370 {strides = array<i32>} : memref<128xi32, #tpu.memory_space<vmem>>, vector<16xi32>,
      %get3A_371 = arith.constant 0 : i32
      %get3A_372 = arith.index_cast %get3A_371 : i32 to index
      %get3A_373 = arith.constant 112 : index
      %get3A_374 = tpu.vector_load %arg6[%get3A_372, %get3A_373] {strides = array<i32>} : memref<8x128xi32, #tpu.memory_space<vmem>>, vector<1x16xi32>,
      %get3A_375 = vector.shape_cast %get3A_374 : vector<1x16xi32> to vector<16xi32>
      %swap3A_376 = arith.constant 112 : index
      %swap3A_377 = tpu.vector_load %arg15[%swap3A_376] {strides = array<i32>} : memref<128xi32, #tpu.memory_space<vmem>>, vector<16xi32>,
      %swap3A_378 = vector.shape_cast %swap3A_377 : vector<16xi32> to vector<16xi32>
      %swap3A_379 = vector.shape_cast %get3A_375 : vector<16xi32> to vector<16xi32>
      tpu.vector_store %arg15[%swap3A_376], %swap3A_379 {strides = array<i32>} : memref<128xi32, #tpu.memory_space<vmem>>, vector<16xi32>,
      %dma_start3A_380 = arith.constant 0 : i32
      %dma_start3A_381 = arith.constant 0 : i32
      %dma_start3A_382 = tpu.memref_slice %arg2[%dma_start3A_380, %dma_start3A_381] : memref<10240x128xf32, #tpu.memory_space<hbm>> -> memref<10240x128xf32, #tpu.memory_space<hbm>>
      tpu.enqueue_indirect_dma source(%dma_start3A_382 : memref<10240x128xf32, #tpu.memory_space<hbm>>) target(%arg9 : memref<128x128xf32, #tpu.memory_space<vmem>>) offsets(%arg15 : memref<128xi32, #tpu.memory_space<vmem>>) semaphore(%arg18 : memref<!tpu.dma_semaphore, #tpu.memory_space<semaphore_mem>>)
      %dma_wait3A_383 = arith.constant 0 : i32
      %dma_wait3A_384 = arith.constant 0 : i32
      %dma_wait3A_385 = tpu.memref_slice %arg2[%dma_wait3A_383, %dma_wait3A_384] : memref<10240x128xf32, #tpu.memory_space<hbm>> -> memref<128x128xf32, #tpu.memory_space<hbm>>
      %dma_wait3A_386 = arith.constant 0 : i32
      %dma_wait3A_387 = arith.constant 0 : i32
      %dma_wait3A_388 = tpu.memref_slice %arg2[%dma_wait3A_386, %dma_wait3A_387] : memref<10240x128xf32, #tpu.memory_space<hbm>> -> memref<128x128xf32, #tpu.memory_space<hbm>>
      tpu.wait_dma2 semaphore(%arg19 : memref<!tpu.dma_semaphore, #tpu.memory_space<semaphore_mem>>) src(%dma_wait3A_388 : memref<128x128xf32, #tpu.memory_space<hbm>>) dst(%arg10 : memref<128x128xf32, #tpu.memory_space<vmem>>)
      %get3A_389 = arith.constant 7 : i32
      %get3A_390 = arith.index_cast %get3A_389 : i32 to index
      %get3A_391 = arith.constant 0 : index
      %get3A_392 = tpu.vector_load %arg7[%get3A_390, %get3A_391] {strides = array<i32>} : memref<8x128xi32, #tpu.memory_space<vmem>>, vector<1x16xi32>,
      %get3A_393 = vector.shape_cast %get3A_392 : vector<1x16xi32> to vector<16xi32>
      %swap3A_394 = arith.constant 0 : index
      %swap3A_395 = tpu.vector_load %arg13[%swap3A_394] {strides = array<i32>} : memref<64xi32, #tpu.memory_space<vmem>>, vector<16xi32>,
      %swap3A_396 = vector.shape_cast %swap3A_395 : vector<16xi32> to vector<16xi32>
      %swap3A_397 = vector.shape_cast %get3A_393 : vector<16xi32> to vector<16xi32>
      tpu.vector_store %arg13[%swap3A_394], %swap3A_397 {strides = array<i32>} : memref<64xi32, #tpu.memory_space<vmem>>, vector<16xi32>,
      %get3A_398 = arith.constant 7 : i32
      %get3A_399 = arith.index_cast %get3A_398 : i32 to index
      %get3A_400 = arith.constant 64 : index
      %get3A_401 = tpu.vector_load %arg7[%get3A_399, %get3A_400] {strides = array<i32>} : memref<8x128xi32, #tpu.memory_space<vmem>>, vector<1x16xi32>,
      %get3A_402 = vector.shape_cast %get3A_401 : vector<1x16xi32> to vector<16xi32>
      %swap3A_403 = arith.constant 0 : index
      %swap3A_404 = tpu.vector_load %arg14[%swap3A_403] {strides = array<i32>} : memref<64xi32, #tpu.memory_space<vmem>>, vector<16xi32>,
      %swap3A_405 = vector.shape_cast %swap3A_404 : vector<16xi32> to vector<16xi32>
      %swap3A_406 = vector.shape_cast %get3A_402 : vector<16xi32> to vector<16xi32>
      tpu.vector_store %arg14[%swap3A_403], %swap3A_406 {strides = array<i32>} : memref<64xi32, #tpu.memory_space<vmem>>, vector<16xi32>,
      %get3A_407 = arith.constant 7 : i32
      %get3A_408 = arith.index_cast %get3A_407 : i32 to index
      %get3A_409 = arith.constant 16 : index
      %get3A_410 = tpu.vector_load %arg7[%get3A_408, %get3A_409] {strides = array<i32>} : memref<8x128xi32, #tpu.memory_space<vmem>>, vector<1x16xi32>,
      %get3A_411 = vector.shape_cast %get3A_410 : vector<1x16xi32> to vector<16xi32>
      %swap3A_412 = arith.constant 16 : index
      %swap3A_413 = tpu.vector_load %arg13[%swap3A_412] {strides = array<i32>} : memref<64xi32, #tpu.memory_space<vmem>>, vector<16xi32>,
      %swap3A_414 = vector.shape_cast %swap3A_413 : vector<16xi32> to vector<16xi32>
      %swap3A_415 = vector.shape_cast %get3A_411 : vector<16xi32> to vector<16xi32>
      tpu.vector_store %arg13[%swap3A_412], %swap3A_415 {strides = array<i32>} : memref<64xi32, #tpu.memory_space<vmem>>, vector<16xi32>,
      %get3A_416 = arith.constant 7 : i32
      %get3A_417 = arith.index_cast %get3A_416 : i32 to index
      %get3A_418 = arith.constant 80 : index
      %get3A_419 = tpu.vector_load %arg7[%get3A_417, %get3A_418] {strides = array<i32>} : memref<8x128xi32, #tpu.memory_space<vmem>>, vector<1x16xi32>,
      %get3A_420 = vector.shape_cast %get3A_419 : vector<1x16xi32> to vector<16xi32>
      %swap3A_421 = arith.constant 16 : index
      %swap3A_422 = tpu.vector_load %arg14[%swap3A_421] {strides = array<i32>} : memref<64xi32, #tpu.memory_space<vmem>>, vector<16xi32>,
      %swap3A_423 = vector.shape_cast %swap3A_422 : vector<16xi32> to vector<16xi32>
      %swap3A_424 = vector.shape_cast %get3A_420 : vector<16xi32> to vector<16xi32>
      tpu.vector_store %arg14[%swap3A_421], %swap3A_424 {strides = array<i32>} : memref<64xi32, #tpu.memory_space<vmem>>, vector<16xi32>,
      %get3A_425 = arith.constant 7 : i32
      %get3A_426 = arith.index_cast %get3A_425 : i32 to index
      %get3A_427 = arith.constant 32 : index
      %get3A_428 = tpu.vector_load %arg7[%get3A_426, %get3A_427] {strides = array<i32>} : memref<8x128xi32, #tpu.memory_space<vmem>>, vector<1x16xi32>,
      %get3A_429 = vector.shape_cast %get3A_428 : vector<1x16xi32> to vector<16xi32>
      %swap3A_430 = arith.constant 32 : index
      %swap3A_431 = tpu.vector_load %arg13[%swap3A_430] {strides = array<i32>} : memref<64xi32, #tpu.memory_space<vmem>>, vector<16xi32>,
      %swap3A_432 = vector.shape_cast %swap3A_431 : vector<16xi32> to vector<16xi32>
      %swap3A_433 = vector.shape_cast %get3A_429 : vector<16xi32> to vector<16xi32>
      tpu.vector_store %arg13[%swap3A_430], %swap3A_433 {strides = array<i32>} : memref<64xi32, #tpu.memory_space<vmem>>, vector<16xi32>,
      %get3A_434 = arith.constant 7 : i32
      %get3A_435 = arith.index_cast %get3A_434 : i32 to index
      %get3A_436 = arith.constant 96 : index
      %get3A_437 = tpu.vector_load %arg7[%get3A_435, %get3A_436] {strides = array<i32>} : memref<8x128xi32, #tpu.memory_space<vmem>>, vector<1x16xi32>,
      %get3A_438 = vector.shape_cast %get3A_437 : vector<1x16xi32> to vector<16xi32>
      %swap3A_439 = arith.constant 32 : index
      %swap3A_440 = tpu.vector_load %arg14[%swap3A_439] {strides = array<i32>} : memref<64xi32, #tpu.memory_space<vmem>>, vector<16xi32>,
      %swap3A_441 = vector.shape_cast %swap3A_440 : vector<16xi32> to vector<16xi32>
      %swap3A_442 = vector.shape_cast %get3A_438 : vector<16xi32> to vector<16xi32>
      tpu.vector_store %arg14[%swap3A_439], %swap3A_442 {strides = array<i32>} : memref<64xi32, #tpu.memory_space<vmem>>, vector<16xi32>,
      %get3A_443 = arith.constant 7 : i32
      %get3A_444 = arith.index_cast %get3A_443 : i32 to index
      %get3A_445 = arith.constant 48 : index
      %get3A_446 = tpu.vector_load %arg7[%get3A_444, %get3A_445] {strides = array<i32>} : memref<8x128xi32, #tpu.memory_space<vmem>>, vector<1x16xi32>,
      %get3A_447 = vector.shape_cast %get3A_446 : vector<1x16xi32> to vector<16xi32>
      %swap3A_448 = arith.constant 48 : index
      %swap3A_449 = tpu.vector_load %arg13[%swap3A_448] {strides = array<i32>} : memref<64xi32, #tpu.memory_space<vmem>>, vector<16xi32>,
      %swap3A_450 = vector.shape_cast %swap3A_449 : vector<16xi32> to vector<16xi32>
      %swap3A_451 = vector.shape_cast %get3A_447 : vector<16xi32> to vector<16xi32>
      tpu.vector_store %arg13[%swap3A_448], %swap3A_451 {strides = array<i32>} : memref<64xi32, #tpu.memory_space<vmem>>, vector<16xi32>,
      %get3A_452 = arith.constant 7 : i32
      %get3A_453 = arith.index_cast %get3A_452 : i32 to index
      %get3A_454 = arith.constant 112 : index
      %get3A_455 = tpu.vector_load %arg7[%get3A_453, %get3A_454] {strides = array<i32>} : memref<8x128xi32, #tpu.memory_space<vmem>>, vector<1x16xi32>,
      %get3A_456 = vector.shape_cast %get3A_455 : vector<1x16xi32> to vector<16xi32>
      %swap3A_457 = arith.constant 48 : index
      %swap3A_458 = tpu.vector_load %arg14[%swap3A_457] {strides = array<i32>} : memref<64xi32, #tpu.memory_space<vmem>>, vector<16xi32>,
      %swap3A_459 = vector.shape_cast %swap3A_458 : vector<16xi32> to vector<16xi32>
      %swap3A_460 = vector.shape_cast %get3A_456 : vector<16xi32> to vector<16xi32>
      tpu.vector_store %arg14[%swap3A_457], %swap3A_460 {strides = array<i32>} : memref<64xi32, #tpu.memory_space<vmem>>, vector<16xi32>,
      %dma_start3A_461 = arith.constant 0 : i32
      %dma_start3A_462 = arith.constant 0 : i32
      %dma_start3A_463 = tpu.memref_slice %arg10[%dma_start3A_461, %dma_start3A_462] : memref<128x128xf32, #tpu.memory_space<vmem>> -> memref<64x128xf32, #tpu.memory_space<vmem>>
      %dma_start3A_464 = arith.constant 0 : i32
      %dma_start3A_465 = arith.constant 0 : i32
      %dma_start3A_466 = tpu.memref_slice %arg17[%dma_start3A_464, %dma_start3A_465] : memref<10240x128xf32, #tpu.memory_space<vmem_shared>> -> memref<10240x128xf32, #tpu.memory_space<vmem_shared>>
      tpu.enqueue_indirect_dma source(%dma_start3A_463 : memref<64x128xf32, #tpu.memory_space<vmem>>) target(%dma_start3A_466 : memref<10240x128xf32, #tpu.memory_space<vmem_shared>>) offsets(%arg13 : memref<64xi32, #tpu.memory_space<vmem>>) semaphore(%arg20 : memref<!tpu.dma_semaphore, #tpu.memory_space<semaphore_mem>>) {add = true}
      %dma_start3A_467 = arith.constant 64 : i32
      %dma_start3A_468 = arith.constant 0 : i32
      %dma_start3A_469 = tpu.memref_slice %arg10[%dma_start3A_467, %dma_start3A_468] : memref<128x128xf32, #tpu.memory_space<vmem>> -> memref<64x128xf32, #tpu.memory_space<vmem>>
      %dma_start3A_470 = arith.constant 0 : i32
      %dma_start3A_471 = arith.constant 0 : i32
      %dma_start3A_472 = tpu.memref_slice %arg17[%dma_start3A_470, %dma_start3A_471] : memref<10240x128xf32, #tpu.memory_space<vmem_shared>> -> memref<10240x128xf32, #tpu.memory_space<vmem_shared>>
      tpu.enqueue_indirect_dma source(%dma_start3A_469 : memref<64x128xf32, #tpu.memory_space<vmem>>) target(%dma_start3A_472 : memref<10240x128xf32, #tpu.memory_space<vmem_shared>>) offsets(%arg14 : memref<64xi32, #tpu.memory_space<vmem>>) semaphore(%arg21 : memref<!tpu.dma_semaphore, #tpu.memory_space<semaphore_mem>>) {add = true}
      %dma_wait3A_473 = arith.constant 0 : i32
      %dma_wait3A_474 = arith.constant 0 : i32
      %dma_wait3A_475 = tpu.memref_slice %arg10[%dma_wait3A_473, %dma_wait3A_474] : memref<128x128xf32, #tpu.memory_space<vmem>> -> memref<64x128xf32, #tpu.memory_space<vmem>>
      %dma_wait3A_476 = arith.constant 0 : i32
      %dma_wait3A_477 = arith.constant 0 : i32
      %dma_wait3A_478 = tpu.memref_slice %arg2[%dma_wait3A_476, %dma_wait3A_477] : memref<10240x128xf32, #tpu.memory_space<hbm>> -> memref<64x128xf32, #tpu.memory_space<hbm>>
      %dma_wait3A_479 = arith.constant 0 : i32
      %dma_wait3A_480 = arith.constant 0 : i32
      %dma_wait3A_481 = tpu.memref_slice %arg10[%dma_wait3A_479, %dma_wait3A_480] : memref<128x128xf32, #tpu.memory_space<vmem>> -> memref<64x128xf32, #tpu.memory_space<vmem>>
      %dma_wait3A_482 = arith.constant 0 : i32
      %dma_wait3A_483 = arith.constant 0 : i32
      %dma_wait3A_484 = tpu.memref_slice %arg2[%dma_wait3A_482, %dma_wait3A_483] : memref<10240x128xf32, #tpu.memory_space<hbm>> -> memref<64x128xf32, #tpu.memory_space<hbm>>
      tpu.wait_dma2 semaphore(%arg20 : memref<!tpu.dma_semaphore, #tpu.memory_space<semaphore_mem>>) src(%dma_wait3A_484 : memref<64x128xf32, #tpu.memory_space<hbm>>) dst(%dma_wait3A_481 : memref<64x128xf32, #tpu.memory_space<vmem>>)
      %dma_wait3A_485 = arith.constant 64 : i32
      %dma_wait3A_486 = arith.constant 0 : i32
      %dma_wait3A_487 = tpu.memref_slice %arg10[%dma_wait3A_485, %dma_wait3A_486] : memref<128x128xf32, #tpu.memory_space<vmem>> -> memref<64x128xf32, #tpu.memory_space<vmem>>
      %dma_wait3A_488 = arith.constant 0 : i32
      %dma_wait3A_489 = arith.constant 0 : i32
      %dma_wait3A_490 = tpu.memref_slice %arg2[%dma_wait3A_488, %dma_wait3A_489] : memref<10240x128xf32, #tpu.memory_space<hbm>> -> memref<64x128xf32, #tpu.memory_space<hbm>>
      %dma_wait3A_491 = arith.constant 64 : i32
      %dma_wait3A_492 = arith.constant 0 : i32
      %dma_wait3A_493 = tpu.memref_slice %arg10[%dma_wait3A_491, %dma_wait3A_492] : memref<128x128xf32, #tpu.memory_space<vmem>> -> memref<64x128xf32, #tpu.memory_space<vmem>>
      %dma_wait3A_494 = arith.constant 0 : i32
      %dma_wait3A_495 = arith.constant 0 : i32
      %dma_wait3A_496 = tpu.memref_slice %arg2[%dma_wait3A_494, %dma_wait3A_495] : memref<10240x128xf32, #tpu.memory_space<hbm>> -> memref<64x128xf32, #tpu.memory_space<hbm>>
      tpu.wait_dma2 semaphore(%arg21 : memref<!tpu.dma_semaphore, #tpu.memory_space<semaphore_mem>>) src(%dma_wait3A_496 : memref<64x128xf32, #tpu.memory_space<hbm>>) dst(%dma_wait3A_493 : memref<64x128xf32, #tpu.memory_space<vmem>>)
      %get3A_497 = arith.constant 1 : i32
      %get3A_498 = arith.index_cast %get3A_497 : i32 to index
      %get3A_499 = arith.constant 0 : index
      %get3A_500 = tpu.vector_load %arg6[%get3A_498, %get3A_499] {strides = array<i32>} : memref<8x128xi32, #tpu.memory_space<vmem>>, vector<1x16xi32>,
      %get3A_501 = vector.shape_cast %get3A_500 : vector<1x16xi32> to vector<16xi32>
      %swap3A_502 = arith.constant 0 : index
      %swap3A_503 = tpu.vector_load %arg16[%swap3A_502] {strides = array<i32>} : memref<128xi32, #tpu.memory_space<vmem>>, vector<16xi32>,
      %swap3A_504 = vector.shape_cast %swap3A_503 : vector<16xi32> to vector<16xi32>
      %swap3A_505 = vector.shape_cast %get3A_501 : vector<16xi32> to vector<16xi32>
      tpu.vector_store %arg16[%swap3A_502], %swap3A_505 {strides = array<i32>} : memref<128xi32, #tpu.memory_space<vmem>>, vector<16xi32>,
      %get3A_506 = arith.constant 1 : i32
      %get3A_507 = arith.index_cast %get3A_506 : i32 to index
      %get3A_508 = arith.constant 16 : index
      %get3A_509 = tpu.vector_load %arg6[%get3A_507, %get3A_508] {strides = array<i32>} : memref<8x128xi32, #tpu.memory_space<vmem>>, vector<1x16xi32>,
      %get3A_510 = vector.shape_cast %get3A_509 : vector<1x16xi32> to vector<16xi32>
      %swap3A_511 = arith.constant 16 : index
      %swap3A_512 = tpu.vector_load %arg16[%swap3A_511] {strides = array<i32>} : memref<128xi32, #tpu.memory_space<vmem>>, vector<16xi32>,
      %swap3A_513 = vector.shape_cast %swap3A_512 : vector<16xi32> to vector<16xi32>
      %swap3A_514 = vector.shape_cast %get3A_510 : vector<16xi32> to vector<16xi32>
      tpu.vector_store %arg16[%swap3A_511], %swap3A_514 {strides = array<i32>} : memref<128xi32, #tpu.memory_space<vmem>>, vector<16xi32>,
      %get3A_515 = arith.constant 1 : i32
      %get3A_516 = arith.index_cast %get3A_515 : i32 to index
      %get3A_517 = arith.constant 32 : index
      %get3A_518 = tpu.vector_load %arg6[%get3A_516, %get3A_517] {strides = array<i32>} : memref<8x128xi32, #tpu.memory_space<vmem>>, vector<1x16xi32>,
      %get3A_519 = vector.shape_cast %get3A_518 : vector<1x16xi32> to vector<16xi32>
      %swap3A_520 = arith.constant 32 : index
      %swap3A_521 = tpu.vector_load %arg16[%swap3A_520] {strides = array<i32>} : memref<128xi32, #tpu.memory_space<vmem>>, vector<16xi32>,
      %swap3A_522 = vector.shape_cast %swap3A_521 : vector<16xi32> to vector<16xi32>
      %swap3A_523 = vector.shape_cast %get3A_519 : vector<16xi32> to vector<16xi32>
      tpu.vector_store %arg16[%swap3A_520], %swap3A_523 {strides = array<i32>} : memref<128xi32, #tpu.memory_space<vmem>>, vector<16xi32>,
      %get3A_524 = arith.constant 1 : i32
      %get3A_525 = arith.index_cast %get3A_524 : i32 to index
      %get3A_526 = arith.constant 48 : index
      %get3A_527 = tpu.vector_load %arg6[%get3A_525, %get3A_526] {strides = array<i32>} : memref<8x128xi32, #tpu.memory_space<vmem>>, vector<1x16xi32>,
      %get3A_528 = vector.shape_cast %get3A_527 : vector<1x16xi32> to vector<16xi32>
      %swap3A_529 = arith.constant 48 : index
      %swap3A_530 = tpu.vector_load %arg16[%swap3A_529] {strides = array<i32>} : memref<128xi32, #tpu.memory_space<vmem>>, vector<16xi32>,
      %swap3A_531 = vector.shape_cast %swap3A_530 : vector<16xi32> to vector<16xi32>
      %swap3A_532 = vector.shape_cast %get3A_528 : vector<16xi32> to vector<16xi32>
      tpu.vector_store %arg16[%swap3A_529], %swap3A_532 {strides = array<i32>} : memref<128xi32, #tpu.memory_space<vmem>>, vector<16xi32>,
      %get3A_533 = arith.constant 1 : i32
      %get3A_534 = arith.index_cast %get3A_533 : i32 to index
      %get3A_535 = arith.constant 64 : index
      %get3A_536 = tpu.vector_load %arg6[%get3A_534, %get3A_535] {strides = array<i32>} : memref<8x128xi32, #tpu.memory_space<vmem>>, vector<1x16xi32>,
      %get3A_537 = vector.shape_cast %get3A_536 : vector<1x16xi32> to vector<16xi32>
      %swap3A_538 = arith.constant 64 : index
      %swap3A_539 = tpu.vector_load %arg16[%swap3A_538] {strides = array<i32>} : memref<128xi32, #tpu.memory_space<vmem>>, vector<16xi32>,
      %swap3A_540 = vector.shape_cast %swap3A_539 : vector<16xi32> to vector<16xi32>
      %swap3A_541 = vector.shape_cast %get3A_537 : vector<16xi32> to vector<16xi32>
      tpu.vector_store %arg16[%swap3A_538], %swap3A_541 {strides = array<i32>} : memref<128xi32, #tpu.memory_space<vmem>>, vector<16xi32>,
      %get3A_542 = arith.constant 1 : i32
      %get3A_543 = arith.index_cast %get3A_542 : i32 to index
      %get3A_544 = arith.constant 80 : index
      %get3A_545 = tpu.vector_load %arg6[%get3A_543, %get3A_544] {strides = array<i32>} : memref<8x128xi32, #tpu.memory_space<vmem>>, vector<1x16xi32>,
      %get3A_546 = vector.shape_cast %get3A_545 : vector<1x16xi32> to vector<16xi32>
      %swap3A_547 = arith.constant 80 : index
      %swap3A_548 = tpu.vector_load %arg16[%swap3A_547] {strides = array<i32>} : memref<128xi32, #tpu.memory_space<vmem>>, vector<16xi32>,
      %swap3A_549 = vector.shape_cast %swap3A_548 : vector<16xi32> to vector<16xi32>
      %swap3A_550 = vector.shape_cast %get3A_546 : vector<16xi32> to vector<16xi32>
      tpu.vector_store %arg16[%swap3A_547], %swap3A_550 {strides = array<i32>} : memref<128xi32, #tpu.memory_space<vmem>>, vector<16xi32>,
      %get3A_551 = arith.constant 1 : i32
      %get3A_552 = arith.index_cast %get3A_551 : i32 to index
      %get3A_553 = arith.constant 96 : index
      %get3A_554 = tpu.vector_load %arg6[%get3A_552, %get3A_553] {strides = array<i32>} : memref<8x128xi32, #tpu.memory_space<vmem>>, vector<1x16xi32>,
      %get3A_555 = vector.shape_cast %get3A_554 : vector<1x16xi32> to vector<16xi32>
      %swap3A_556 = arith.constant 96 : index
      %swap3A_557 = tpu.vector_load %arg16[%swap3A_556] {strides = array<i32>} : memref<128xi32, #tpu.memory_space<vmem>>, vector<16xi32>,
      %swap3A_558 = vector.shape_cast %swap3A_557 : vector<16xi32> to vector<16xi32>
      %swap3A_559 = vector.shape_cast %get3A_555 : vector<16xi32> to vector<16xi32>
      tpu.vector_store %arg16[%swap3A_556], %swap3A_559 {strides = array<i32>} : memref<128xi32, #tpu.memory_space<vmem>>, vector<16xi32>,
      %get3A_560 = arith.constant 1 : i32
      %get3A_561 = arith.index_cast %get3A_560 : i32 to index
      %get3A_562 = arith.constant 112 : index
      %get3A_563 = tpu.vector_load %arg6[%get3A_561, %get3A_562] {strides = array<i32>} : memref<8x128xi32, #tpu.memory_space<vmem>>, vector<1x16xi32>,
      %get3A_564 = vector.shape_cast %get3A_563 : vector<1x16xi32> to vector<16xi32>
      %swap3A_565 = arith.constant 112 : index
      %swap3A_566 = tpu.vector_load %arg16[%swap3A_565] {strides = array<i32>} : memref<128xi32, #tpu.memory_space<vmem>>, vector<16xi32>,
      %swap3A_567 = vector.shape_cast %swap3A_566 : vector<16xi32> to vector<16xi32>
      %swap3A_568 = vector.shape_cast %get3A_564 : vector<16xi32> to vector<16xi32>
      tpu.vector_store %arg16[%swap3A_565], %swap3A_568 {strides = array<i32>} : memref<128xi32, #tpu.memory_space<vmem>>, vector<16xi32>,
      %dma_start3A_569 = arith.constant 0 : i32
      %dma_start3A_570 = arith.constant 0 : i32
      %dma_start3A_571 = tpu.memref_slice %arg2[%dma_start3A_569, %dma_start3A_570] : memref<10240x128xf32, #tpu.memory_space<hbm>> -> memref<10240x128xf32, #tpu.memory_space<hbm>>
      tpu.enqueue_indirect_dma source(%dma_start3A_571 : memref<10240x128xf32, #tpu.memory_space<hbm>>) target(%arg10 : memref<128x128xf32, #tpu.memory_space<vmem>>) offsets(%arg16 : memref<128xi32, #tpu.memory_space<vmem>>) semaphore(%arg19 : memref<!tpu.dma_semaphore, #tpu.memory_space<semaphore_mem>>)
      %lt3A = arith.constant 4 : i32
      %lt3A_572 = arith.cmpi slt, %add3A_177, %lt3A : i32
      %convert_element_type3A = arith.extui %lt3A_572 : i1 to i32
      %cond3A = arith.constant 0 : i32
      %cond3A_573 = arith.cmpi ne, %convert_element_type3A, %cond3A : i32
      scf.if %cond3A_573 {
        %add3A_815 = arith.constant 2 : i32
        %add3A_816 = arith.addi %mul3A_179, %add3A_815 : i32
        %mul3A_817 = arith.constant 8 : i32
        %mul3A_818 = arith.muli %add3A_816, %mul3A_817 : i32
        %add3A_819 = arith.addi %mul3A_13, %mul3A_818 : i32
        "tpu.region"() ({
          %run_scoped3A = tpu.sem_alloc : memref<!tpu.dma_semaphore, #tpu.memory_space<semaphore_mem>>
          %dma_start3A_825 = arith.constant 0 : i32
          %dma_start3A_826 = tpu.memref_slice %arg3[%add3A_819, %dma_start3A_825] : memref<5120x128xi32, #tpu.memory_space<hbm>> -> memref<8x128xi32, #tpu.memory_space<hbm>>
          %dma_start3A_827 = arith.constant 0 : i32
          %dma_start3A_828 = tpu.memref_slice %arg3[%add3A_819, %dma_start3A_827] : memref<5120x128xi32, #tpu.memory_space<hbm>> -> memref<8x128xi32, #tpu.memory_space<hbm>>
          tpu.enqueue_dma source(%dma_start3A_828 : memref<8x128xi32, #tpu.memory_space<hbm>>) target(%arg5 : memref<8x128xi32, #tpu.memory_space<vmem>>) target_semaphore(%run_scoped3A : memref<!tpu.dma_semaphore, #tpu.memory_space<semaphore_mem>>)
          %dma_wait3A_829 = arith.constant 0 : i32
          %dma_wait3A_830 = tpu.memref_slice %arg3[%add3A_819, %dma_wait3A_829] : memref<5120x128xi32, #tpu.memory_space<hbm>> -> memref<8x128xi32, #tpu.memory_space<hbm>>
          %dma_wait3A_831 = arith.constant 0 : i32
          %dma_wait3A_832 = tpu.memref_slice %arg3[%add3A_819, %dma_wait3A_831] : memref<5120x128xi32, #tpu.memory_space<hbm>> -> memref<8x128xi32, #tpu.memory_space<hbm>>
          tpu.wait_dma2 semaphore(%run_scoped3A : memref<!tpu.dma_semaphore, #tpu.memory_space<semaphore_mem>>) src(%dma_wait3A_832 : memref<8x128xi32, #tpu.memory_space<hbm>>) dst(%arg5 : memref<8x128xi32, #tpu.memory_space<vmem>>)
          tpu.yield
        }) : () -> ()
        %add3A_820 = arith.constant 2560 : i32
        %add3A_821 = arith.addi %add3A_820, %mul3A_13 : i32
        %mul3A_822 = arith.constant 8 : i32
        %mul3A_823 = arith.muli %add3A_816, %mul3A_822 : i32
        %add3A_824 = arith.addi %add3A_821, %mul3A_823 : i32
        "tpu.region"() ({
          %run_scoped3A = tpu.sem_alloc : memref<!tpu.dma_semaphore, #tpu.memory_space<semaphore_mem>>
          %dma_start3A_825 = arith.constant 0 : i32
          %dma_start3A_826 = tpu.memref_slice %arg3[%add3A_824, %dma_start3A_825] : memref<5120x128xi32, #tpu.memory_space<hbm>> -> memref<8x128xi32, #tpu.memory_space<hbm>>
          %dma_start3A_827 = arith.constant 0 : i32
          %dma_start3A_828 = tpu.memref_slice %arg3[%add3A_824, %dma_start3A_827] : memref<5120x128xi32, #tpu.memory_space<hbm>> -> memref<8x128xi32, #tpu.memory_space<hbm>>
          tpu.enqueue_dma source(%dma_start3A_828 : memref<8x128xi32, #tpu.memory_space<hbm>>) target(%arg7 : memref<8x128xi32, #tpu.memory_space<vmem>>) target_semaphore(%run_scoped3A : memref<!tpu.dma_semaphore, #tpu.memory_space<semaphore_mem>>)
          %dma_wait3A_829 = arith.constant 0 : i32
          %dma_wait3A_830 = tpu.memref_slice %arg3[%add3A_824, %dma_wait3A_829] : memref<5120x128xi32, #tpu.memory_space<hbm>> -> memref<8x128xi32, #tpu.memory_space<hbm>>
          %dma_wait3A_831 = arith.constant 0 : i32
          %dma_wait3A_832 = tpu.memref_slice %arg3[%add3A_824, %dma_wait3A_831] : memref<5120x128xi32, #tpu.memory_space<hbm>> -> memref<8x128xi32, #tpu.memory_space<hbm>>
          tpu.wait_dma2 semaphore(%run_scoped3A : memref<!tpu.dma_semaphore, #tpu.memory_space<semaphore_mem>>) src(%dma_wait3A_832 : memref<8x128xi32, #tpu.memory_space<hbm>>) dst(%arg7 : memref<8x128xi32, #tpu.memory_space<vmem>>)
          tpu.yield
        }) : () -> ()
      } else {
      }
      %lt3A_574 = arith.constant 4 : i32
      %lt3A_575 = arith.cmpi slt, %add3A_177, %lt3A_574 : i32
      %scan3A_576 = arith.constant 0 : i32
      %scan3A_577 = arith.constant 3 : i32
      %scan3A_578 = arith.addi %scan3A_576, %scan3A_577 : i32
      %scan3A_579 = arith.constant 1 : i32
      scf.for %scan3A_815 = %scan3A_576 to %scan3A_578 step %scan3A_579  : i32 {
        %mul3A_816 = arith.constant 1 : i32
        %mul3A_817 = arith.muli %scan3A_815, %mul3A_816 : i32
        %add3A_818 = arith.constant 0 : i32
        %add3A_819 = arith.addi %add3A_818, %mul3A_817 : i32
        %mul3A_820 = arith.constant 2 : i32
        %mul3A_821 = arith.muli %mul3A_820, %add3A_819 : i32
        %dma_wait3A_822 = arith.constant 0 : i32
        %dma_wait3A_823 = arith.constant 0 : i32
        %dma_wait3A_824 = tpu.memref_slice %arg2[%dma_wait3A_822, %dma_wait3A_823] : memref<10240x128xf32, #tpu.memory_space<hbm>> -> memref<128x128xf32, #tpu.memory_space<hbm>>
        %dma_wait3A_825 = arith.constant 0 : i32
        %dma_wait3A_826 = arith.constant 0 : i32
        %dma_wait3A_827 = tpu.memref_slice %arg2[%dma_wait3A_825, %dma_wait3A_826] : memref<10240x128xf32, #tpu.memory_space<hbm>> -> memref<128x128xf32, #tpu.memory_space<hbm>>
        tpu.wait_dma2 semaphore(%arg18 : memref<!tpu.dma_semaphore, #tpu.memory_space<semaphore_mem>>) src(%dma_wait3A_827 : memref<128x128xf32, #tpu.memory_space<hbm>>) dst(%arg9 : memref<128x128xf32, #tpu.memory_space<vmem>>)
        %get3A_828 = arith.index_cast %mul3A_821 : i32 to index
        %get3A_829 = arith.constant 0 : index
        %get3A_830 = tpu.vector_load %arg8[%get3A_828, %get3A_829] {strides = array<i32>} : memref<8x128xi32, #tpu.memory_space<vmem>>, vector<1x16xi32>,
        %get3A_831 = vector.shape_cast %get3A_830 : vector<1x16xi32> to vector<16xi32>
        %swap3A_832 = arith.constant 0 : index
        %swap3A_833 = tpu.vector_load %arg11[%swap3A_832] {strides = array<i32>} : memref<64xi32, #tpu.memory_space<vmem>>, vector<16xi32>,
        %swap3A_834 = vector.shape_cast %swap3A_833 : vector<16xi32> to vector<16xi32>
        %swap3A_835 = vector.shape_cast %get3A_831 : vector<16xi32> to vector<16xi32>
        tpu.vector_store %arg11[%swap3A_832], %swap3A_835 {strides = array<i32>} : memref<64xi32, #tpu.memory_space<vmem>>, vector<16xi32>,
        %get3A_836 = arith.index_cast %mul3A_821 : i32 to index
        %get3A_837 = arith.constant 64 : index
        %get3A_838 = tpu.vector_load %arg8[%get3A_836, %get3A_837] {strides = array<i32>} : memref<8x128xi32, #tpu.memory_space<vmem>>, vector<1x16xi32>,
        %get3A_839 = vector.shape_cast %get3A_838 : vector<1x16xi32> to vector<16xi32>
        %swap3A_840 = arith.constant 0 : index
        %swap3A_841 = tpu.vector_load %arg12[%swap3A_840] {strides = array<i32>} : memref<64xi32, #tpu.memory_space<vmem>>, vector<16xi32>,
        %swap3A_842 = vector.shape_cast %swap3A_841 : vector<16xi32> to vector<16xi32>
        %swap3A_843 = vector.shape_cast %get3A_839 : vector<16xi32> to vector<16xi32>
        tpu.vector_store %arg12[%swap3A_840], %swap3A_843 {strides = array<i32>} : memref<64xi32, #tpu.memory_space<vmem>>, vector<16xi32>,
        %get3A_844 = arith.index_cast %mul3A_821 : i32 to index
        %get3A_845 = arith.constant 16 : index
        %get3A_846 = tpu.vector_load %arg8[%get3A_844, %get3A_845] {strides = array<i32>} : memref<8x128xi32, #tpu.memory_space<vmem>>, vector<1x16xi32>,
        %get3A_847 = vector.shape_cast %get3A_846 : vector<1x16xi32> to vector<16xi32>
        %swap3A_848 = arith.constant 16 : index
        %swap3A_849 = tpu.vector_load %arg11[%swap3A_848] {strides = array<i32>} : memref<64xi32, #tpu.memory_space<vmem>>, vector<16xi32>,
        %swap3A_850 = vector.shape_cast %swap3A_849 : vector<16xi32> to vector<16xi32>
        %swap3A_851 = vector.shape_cast %get3A_847 : vector<16xi32> to vector<16xi32>
        tpu.vector_store %arg11[%swap3A_848], %swap3A_851 {strides = array<i32>} : memref<64xi32, #tpu.memory_space<vmem>>, vector<16xi32>,
        %get3A_852 = arith.index_cast %mul3A_821 : i32 to index
        %get3A_853 = arith.constant 80 : index
        %get3A_854 = tpu.vector_load %arg8[%get3A_852, %get3A_853] {strides = array<i32>} : memref<8x128xi32, #tpu.memory_space<vmem>>, vector<1x16xi32>,
        %get3A_855 = vector.shape_cast %get3A_854 : vector<1x16xi32> to vector<16xi32>
        %swap3A_856 = arith.constant 16 : index
        %swap3A_857 = tpu.vector_load %arg12[%swap3A_856] {strides = array<i32>} : memref<64xi32, #tpu.memory_space<vmem>>, vector<16xi32>,
        %swap3A_858 = vector.shape_cast %swap3A_857 : vector<16xi32> to vector<16xi32>
        %swap3A_859 = vector.shape_cast %get3A_855 : vector<16xi32> to vector<16xi32>
        tpu.vector_store %arg12[%swap3A_856], %swap3A_859 {strides = array<i32>} : memref<64xi32, #tpu.memory_space<vmem>>, vector<16xi32>,
        %get3A_860 = arith.index_cast %mul3A_821 : i32 to index
        %get3A_861 = arith.constant 32 : index
        %get3A_862 = tpu.vector_load %arg8[%get3A_860, %get3A_861] {strides = array<i32>} : memref<8x128xi32, #tpu.memory_space<vmem>>, vector<1x16xi32>,
        %get3A_863 = vector.shape_cast %get3A_862 : vector<1x16xi32> to vector<16xi32>
        %swap3A_864 = arith.constant 32 : index
        %swap3A_865 = tpu.vector_load %arg11[%swap3A_864] {strides = array<i32>} : memref<64xi32, #tpu.memory_space<vmem>>, vector<16xi32>,
        %swap3A_866 = vector.shape_cast %swap3A_865 : vector<16xi32> to vector<16xi32>
        %swap3A_867 = vector.shape_cast %get3A_863 : vector<16xi32> to vector<16xi32>
        tpu.vector_store %arg11[%swap3A_864], %swap3A_867 {strides = array<i32>} : memref<64xi32, #tpu.memory_space<vmem>>, vector<16xi32>,
        %get3A_868 = arith.index_cast %mul3A_821 : i32 to index
        %get3A_869 = arith.constant 96 : index
        %get3A_870 = tpu.vector_load %arg8[%get3A_868, %get3A_869] {strides = array<i32>} : memref<8x128xi32, #tpu.memory_space<vmem>>, vector<1x16xi32>,
        %get3A_871 = vector.shape_cast %get3A_870 : vector<1x16xi32> to vector<16xi32>
        %swap3A_872 = arith.constant 32 : index
        %swap3A_873 = tpu.vector_load %arg12[%swap3A_872] {strides = array<i32>} : memref<64xi32, #tpu.memory_space<vmem>>, vector<16xi32>,
        %swap3A_874 = vector.shape_cast %swap3A_873 : vector<16xi32> to vector<16xi32>
        %swap3A_875 = vector.shape_cast %get3A_871 : vector<16xi32> to vector<16xi32>
        tpu.vector_store %arg12[%swap3A_872], %swap3A_875 {strides = array<i32>} : memref<64xi32, #tpu.memory_space<vmem>>, vector<16xi32>,
        %get3A_876 = arith.index_cast %mul3A_821 : i32 to index
        %get3A_877 = arith.constant 48 : index
        %get3A_878 = tpu.vector_load %arg8[%get3A_876, %get3A_877] {strides = array<i32>} : memref<8x128xi32, #tpu.memory_space<vmem>>, vector<1x16xi32>,
        %get3A_879 = vector.shape_cast %get3A_878 : vector<1x16xi32> to vector<16xi32>
        %swap3A_880 = arith.constant 48 : index
        %swap3A_881 = tpu.vector_load %arg11[%swap3A_880] {strides = array<i32>} : memref<64xi32, #tpu.memory_space<vmem>>, vector<16xi32>,
        %swap3A_882 = vector.shape_cast %swap3A_881 : vector<16xi32> to vector<16xi32>
        %swap3A_883 = vector.shape_cast %get3A_879 : vector<16xi32> to vector<16xi32>
        tpu.vector_store %arg11[%swap3A_880], %swap3A_883 {strides = array<i32>} : memref<64xi32, #tpu.memory_space<vmem>>, vector<16xi32>,
        %get3A_884 = arith.index_cast %mul3A_821 : i32 to index
        %get3A_885 = arith.constant 112 : index
        %get3A_886 = tpu.vector_load %arg8[%get3A_884, %get3A_885] {strides = array<i32>} : memref<8x128xi32, #tpu.memory_space<vmem>>, vector<1x16xi32>,
        %get3A_887 = vector.shape_cast %get3A_886 : vector<1x16xi32> to vector<16xi32>
        %swap3A_888 = arith.constant 48 : index
        %swap3A_889 = tpu.vector_load %arg12[%swap3A_888] {strides = array<i32>} : memref<64xi32, #tpu.memory_space<vmem>>, vector<16xi32>,
        %swap3A_890 = vector.shape_cast %swap3A_889 : vector<16xi32> to vector<16xi32>
        %swap3A_891 = vector.shape_cast %get3A_887 : vector<16xi32> to vector<16xi32>
        tpu.vector_store %arg12[%swap3A_888], %swap3A_891 {strides = array<i32>} : memref<64xi32, #tpu.memory_space<vmem>>, vector<16xi32>,
        %dma_start3A_892 = arith.constant 0 : i32
        %dma_start3A_893 = arith.constant 0 : i32
        %dma_start3A_894 = tpu.memref_slice %arg9[%dma_start3A_892, %dma_start3A_893] : memref<128x128xf32, #tpu.memory_space<vmem>> -> memref<64x128xf32, #tpu.memory_space<vmem>>
        %dma_start3A_895 = arith.constant 0 : i32
        %dma_start3A_896 = arith.constant 0 : i32
        %dma_start3A_897 = tpu.memref_slice %arg17[%dma_start3A_895, %dma_start3A_896] : memref<10240x128xf32, #tpu.memory_space<vmem_shared>> -> memref<10240x128xf32, #tpu.memory_space<vmem_shared>>
        tpu.enqueue_indirect_dma source(%dma_start3A_894 : memref<64x128xf32, #tpu.memory_space<vmem>>) target(%dma_start3A_897 : memref<10240x128xf32, #tpu.memory_space<vmem_shared>>) offsets(%arg11 : memref<64xi32, #tpu.memory_space<vmem>>) semaphore(%arg20 : memref<!tpu.dma_semaphore, #tpu.memory_space<semaphore_mem>>) {add = true}
        %dma_start3A_898 = arith.constant 64 : i32
        %dma_start3A_899 = arith.constant 0 : i32
        %dma_start3A_900 = tpu.memref_slice %arg9[%dma_start3A_898, %dma_start3A_899] : memref<128x128xf32, #tpu.memory_space<vmem>> -> memref<64x128xf32, #tpu.memory_space<vmem>>
        %dma_start3A_901 = arith.constant 0 : i32
        %dma_start3A_902 = arith.constant 0 : i32
        %dma_start3A_903 = tpu.memref_slice %arg17[%dma_start3A_901, %dma_start3A_902] : memref<10240x128xf32, #tpu.memory_space<vmem_shared>> -> memref<10240x128xf32, #tpu.memory_space<vmem_shared>>
        tpu.enqueue_indirect_dma source(%dma_start3A_900 : memref<64x128xf32, #tpu.memory_space<vmem>>) target(%dma_start3A_903 : memref<10240x128xf32, #tpu.memory_space<vmem_shared>>) offsets(%arg12 : memref<64xi32, #tpu.memory_space<vmem>>) semaphore(%arg21 : memref<!tpu.dma_semaphore, #tpu.memory_space<semaphore_mem>>) {add = true}
        %dma_wait3A_904 = arith.constant 0 : i32
        %dma_wait3A_905 = arith.constant 0 : i32
        %dma_wait3A_906 = tpu.memref_slice %arg9[%dma_wait3A_904, %dma_wait3A_905] : memref<128x128xf32, #tpu.memory_space<vmem>> -> memref<64x128xf32, #tpu.memory_space<vmem>>
        %dma_wait3A_907 = arith.constant 0 : i32
        %dma_wait3A_908 = arith.constant 0 : i32
        %dma_wait3A_909 = tpu.memref_slice %arg2[%dma_wait3A_907, %dma_wait3A_908] : memref<10240x128xf32, #tpu.memory_space<hbm>> -> memref<64x128xf32, #tpu.memory_space<hbm>>
        %dma_wait3A_910 = arith.constant 0 : i32
        %dma_wait3A_911 = arith.constant 0 : i32
        %dma_wait3A_912 = tpu.memref_slice %arg9[%dma_wait3A_910, %dma_wait3A_911] : memref<128x128xf32, #tpu.memory_space<vmem>> -> memref<64x128xf32, #tpu.memory_space<vmem>>
        %dma_wait3A_913 = arith.constant 0 : i32
        %dma_wait3A_914 = arith.constant 0 : i32
        %dma_wait3A_915 = tpu.memref_slice %arg2[%dma_wait3A_913, %dma_wait3A_914] : memref<10240x128xf32, #tpu.memory_space<hbm>> -> memref<64x128xf32, #tpu.memory_space<hbm>>
        tpu.wait_dma2 semaphore(%arg20 : memref<!tpu.dma_semaphore, #tpu.memory_space<semaphore_mem>>) src(%dma_wait3A_915 : memref<64x128xf32, #tpu.memory_space<hbm>>) dst(%dma_wait3A_912 : memref<64x128xf32, #tpu.memory_space<vmem>>)
        %dma_wait3A_916 = arith.constant 64 : i32
        %dma_wait3A_917 = arith.constant 0 : i32
        %dma_wait3A_918 = tpu.memref_slice %arg9[%dma_wait3A_916, %dma_wait3A_917] : memref<128x128xf32, #tpu.memory_space<vmem>> -> memref<64x128xf32, #tpu.memory_space<vmem>>
        %dma_wait3A_919 = arith.constant 0 : i32
        %dma_wait3A_920 = arith.constant 0 : i32
        %dma_wait3A_921 = tpu.memref_slice %arg2[%dma_wait3A_919, %dma_wait3A_920] : memref<10240x128xf32, #tpu.memory_space<hbm>> -> memref<64x128xf32, #tpu.memory_space<hbm>>
        %dma_wait3A_922 = arith.constant 64 : i32
        %dma_wait3A_923 = arith.constant 0 : i32
        %dma_wait3A_924 = tpu.memref_slice %arg9[%dma_wait3A_922, %dma_wait3A_923] : memref<128x128xf32, #tpu.memory_space<vmem>> -> memref<64x128xf32, #tpu.memory_space<vmem>>
        %dma_wait3A_925 = arith.constant 0 : i32
        %dma_wait3A_926 = arith.constant 0 : i32
        %dma_wait3A_927 = tpu.memref_slice %arg2[%dma_wait3A_925, %dma_wait3A_926] : memref<10240x128xf32, #tpu.memory_space<hbm>> -> memref<64x128xf32, #tpu.memory_space<hbm>>
        tpu.wait_dma2 semaphore(%arg21 : memref<!tpu.dma_semaphore, #tpu.memory_space<semaphore_mem>>) src(%dma_wait3A_927 : memref<64x128xf32, #tpu.memory_space<hbm>>) dst(%dma_wait3A_924 : memref<64x128xf32, #tpu.memory_space<vmem>>)
        %add3A_928 = arith.constant 2 : i32
        %add3A_929 = arith.addi %mul3A_821, %add3A_928 : i32
        %get3A_930 = arith.index_cast %add3A_929 : i32 to index
        %get3A_931 = arith.constant 0 : index
        %get3A_932 = tpu.vector_load %arg6[%get3A_930, %get3A_931] {strides = array<i32>} : memref<8x128xi32, #tpu.memory_space<vmem>>, vector<1x16xi32>,
        %get3A_933 = vector.shape_cast %get3A_932 : vector<1x16xi32> to vector<16xi32>
        %swap3A_934 = arith.constant 0 : index
        %swap3A_935 = tpu.vector_load %arg15[%swap3A_934] {strides = array<i32>} : memref<128xi32, #tpu.memory_space<vmem>>, vector<16xi32>,
        %swap3A_936 = vector.shape_cast %swap3A_935 : vector<16xi32> to vector<16xi32>
        %swap3A_937 = vector.shape_cast %get3A_933 : vector<16xi32> to vector<16xi32>
        tpu.vector_store %arg15[%swap3A_934], %swap3A_937 {strides = array<i32>} : memref<128xi32, #tpu.memory_space<vmem>>, vector<16xi32>,
        %get3A_938 = arith.index_cast %add3A_929 : i32 to index
        %get3A_939 = arith.constant 16 : index
        %get3A_940 = tpu.vector_load %arg6[%get3A_938, %get3A_939] {strides = array<i32>} : memref<8x128xi32, #tpu.memory_space<vmem>>, vector<1x16xi32>,
        %get3A_941 = vector.shape_cast %get3A_940 : vector<1x16xi32> to vector<16xi32>
        %swap3A_942 = arith.constant 16 : index
        %swap3A_943 = tpu.vector_load %arg15[%swap3A_942] {strides = array<i32>} : memref<128xi32, #tpu.memory_space<vmem>>, vector<16xi32>,
        %swap3A_944 = vector.shape_cast %swap3A_943 : vector<16xi32> to vector<16xi32>
        %swap3A_945 = vector.shape_cast %get3A_941 : vector<16xi32> to vector<16xi32>
        tpu.vector_store %arg15[%swap3A_942], %swap3A_945 {strides = array<i32>} : memref<128xi32, #tpu.memory_space<vmem>>, vector<16xi32>,
        %get3A_946 = arith.index_cast %add3A_929 : i32 to index
        %get3A_947 = arith.constant 32 : index
        %get3A_948 = tpu.vector_load %arg6[%get3A_946, %get3A_947] {strides = array<i32>} : memref<8x128xi32, #tpu.memory_space<vmem>>, vector<1x16xi32>,
        %get3A_949 = vector.shape_cast %get3A_948 : vector<1x16xi32> to vector<16xi32>
        %swap3A_950 = arith.constant 32 : index
        %swap3A_951 = tpu.vector_load %arg15[%swap3A_950] {strides = array<i32>} : memref<128xi32, #tpu.memory_space<vmem>>, vector<16xi32>,
        %swap3A_952 = vector.shape_cast %swap3A_951 : vector<16xi32> to vector<16xi32>
        %swap3A_953 = vector.shape_cast %get3A_949 : vector<16xi32> to vector<16xi32>
        tpu.vector_store %arg15[%swap3A_950], %swap3A_953 {strides = array<i32>} : memref<128xi32, #tpu.memory_space<vmem>>, vector<16xi32>,
        %get3A_954 = arith.index_cast %add3A_929 : i32 to index
        %get3A_955 = arith.constant 48 : index
        %get3A_956 = tpu.vector_load %arg6[%get3A_954, %get3A_955] {strides = array<i32>} : memref<8x128xi32, #tpu.memory_space<vmem>>, vector<1x16xi32>,
        %get3A_957 = vector.shape_cast %get3A_956 : vector<1x16xi32> to vector<16xi32>
        %swap3A_958 = arith.constant 48 : index
        %swap3A_959 = tpu.vector_load %arg15[%swap3A_958] {strides = array<i32>} : memref<128xi32, #tpu.memory_space<vmem>>, vector<16xi32>,
        %swap3A_960 = vector.shape_cast %swap3A_959 : vector<16xi32> to vector<16xi32>
        %swap3A_961 = vector.shape_cast %get3A_957 : vector<16xi32> to vector<16xi32>
        tpu.vector_store %arg15[%swap3A_958], %swap3A_961 {strides = array<i32>} : memref<128xi32, #tpu.memory_space<vmem>>, vector<16xi32>,
        %get3A_962 = arith.index_cast %add3A_929 : i32 to index
        %get3A_963 = arith.constant 64 : index
        %get3A_964 = tpu.vector_load %arg6[%get3A_962, %get3A_963] {strides = array<i32>} : memref<8x128xi32, #tpu.memory_space<vmem>>, vector<1x16xi32>,
        %get3A_965 = vector.shape_cast %get3A_964 : vector<1x16xi32> to vector<16xi32>
        %swap3A_966 = arith.constant 64 : index
        %swap3A_967 = tpu.vector_load %arg15[%swap3A_966] {strides = array<i32>} : memref<128xi32, #tpu.memory_space<vmem>>, vector<16xi32>,
        %swap3A_968 = vector.shape_cast %swap3A_967 : vector<16xi32> to vector<16xi32>
        %swap3A_969 = vector.shape_cast %get3A_965 : vector<16xi32> to vector<16xi32>
        tpu.vector_store %arg15[%swap3A_966], %swap3A_969 {strides = array<i32>} : memref<128xi32, #tpu.memory_space<vmem>>, vector<16xi32>,
        %get3A_970 = arith.index_cast %add3A_929 : i32 to index
        %get3A_971 = arith.constant 80 : index
        %get3A_972 = tpu.vector_load %arg6[%get3A_970, %get3A_971] {strides = array<i32>} : memref<8x128xi32, #tpu.memory_space<vmem>>, vector<1x16xi32>,
        %get3A_973 = vector.shape_cast %get3A_972 : vector<1x16xi32> to vector<16xi32>
        %swap3A_974 = arith.constant 80 : index
        %swap3A_975 = tpu.vector_load %arg15[%swap3A_974] {strides = array<i32>} : memref<128xi32, #tpu.memory_space<vmem>>, vector<16xi32>,
        %swap3A_976 = vector.shape_cast %swap3A_975 : vector<16xi32> to vector<16xi32>
        %swap3A_977 = vector.shape_cast %get3A_973 : vector<16xi32> to vector<16xi32>
        tpu.vector_store %arg15[%swap3A_974], %swap3A_977 {strides = array<i32>} : memref<128xi32, #tpu.memory_space<vmem>>, vector<16xi32>,
        %get3A_978 = arith.index_cast %add3A_929 : i32 to index
        %get3A_979 = arith.constant 96 : index
        %get3A_980 = tpu.vector_load %arg6[%get3A_978, %get3A_979] {strides = array<i32>} : memref<8x128xi32, #tpu.memory_space<vmem>>, vector<1x16xi32>,
        %get3A_981 = vector.shape_cast %get3A_980 : vector<1x16xi32> to vector<16xi32>
        %swap3A_982 = arith.constant 96 : index
        %swap3A_983 = tpu.vector_load %arg15[%swap3A_982] {strides = array<i32>} : memref<128xi32, #tpu.memory_space<vmem>>, vector<16xi32>,
        %swap3A_984 = vector.shape_cast %swap3A_983 : vector<16xi32> to vector<16xi32>
        %swap3A_985 = vector.shape_cast %get3A_981 : vector<16xi32> to vector<16xi32>
        tpu.vector_store %arg15[%swap3A_982], %swap3A_985 {strides = array<i32>} : memref<128xi32, #tpu.memory_space<vmem>>, vector<16xi32>,
        %get3A_986 = arith.index_cast %add3A_929 : i32 to index
        %get3A_987 = arith.constant 112 : index
        %get3A_988 = tpu.vector_load %arg6[%get3A_986, %get3A_987] {strides = array<i32>} : memref<8x128xi32, #tpu.memory_space<vmem>>, vector<1x16xi32>,
        %get3A_989 = vector.shape_cast %get3A_988 : vector<1x16xi32> to vector<16xi32>
        %swap3A_990 = arith.constant 112 : index
        %swap3A_991 = tpu.vector_load %arg15[%swap3A_990] {strides = array<i32>} : memref<128xi32, #tpu.memory_space<vmem>>, vector<16xi32>,
        %swap3A_992 = vector.shape_cast %swap3A_991 : vector<16xi32> to vector<16xi32>
        %swap3A_993 = vector.shape_cast %get3A_989 : vector<16xi32> to vector<16xi32>
        tpu.vector_store %arg15[%swap3A_990], %swap3A_993 {strides = array<i32>} : memref<128xi32, #tpu.memory_space<vmem>>, vector<16xi32>,
        %dma_start3A_994 = arith.constant 0 : i32
        %dma_start3A_995 = arith.constant 0 : i32
        %dma_start3A_996 = tpu.memref_slice %arg2[%dma_start3A_994, %dma_start3A_995] : memref<10240x128xf32, #tpu.memory_space<hbm>> -> memref<10240x128xf32, #tpu.memory_space<hbm>>
        tpu.enqueue_indirect_dma source(%dma_start3A_996 : memref<10240x128xf32, #tpu.memory_space<hbm>>) target(%arg9 : memref<128x128xf32, #tpu.memory_space<vmem>>) offsets(%arg15 : memref<128xi32, #tpu.memory_space<vmem>>) semaphore(%arg18 : memref<!tpu.dma_semaphore, #tpu.memory_space<semaphore_mem>>)
        %dma_wait3A_997 = arith.constant 0 : i32
        %dma_wait3A_998 = arith.constant 0 : i32
        %dma_wait3A_999 = tpu.memref_slice %arg2[%dma_wait3A_997, %dma_wait3A_998] : memref<10240x128xf32, #tpu.memory_space<hbm>> -> memref<128x128xf32, #tpu.memory_space<hbm>>
        %dma_wait3A_1000 = arith.constant 0 : i32
        %dma_wait3A_1001 = arith.constant 0 : i32
        %dma_wait3A_1002 = tpu.memref_slice %arg2[%dma_wait3A_1000, %dma_wait3A_1001] : memref<10240x128xf32, #tpu.memory_space<hbm>> -> memref<128x128xf32, #tpu.memory_space<hbm>>
        tpu.wait_dma2 semaphore(%arg19 : memref<!tpu.dma_semaphore, #tpu.memory_space<semaphore_mem>>) src(%dma_wait3A_1002 : memref<128x128xf32, #tpu.memory_space<hbm>>) dst(%arg10 : memref<128x128xf32, #tpu.memory_space<vmem>>)
        %add3A_1003 = arith.constant 1 : i32
        %add3A_1004 = arith.addi %mul3A_821, %add3A_1003 : i32
        %get3A_1005 = arith.index_cast %add3A_1004 : i32 to index
        %get3A_1006 = arith.constant 0 : index
        %get3A_1007 = tpu.vector_load %arg8[%get3A_1005, %get3A_1006] {strides = array<i32>} : memref<8x128xi32, #tpu.memory_space<vmem>>, vector<1x16xi32>,
        %get3A_1008 = vector.shape_cast %get3A_1007 : vector<1x16xi32> to vector<16xi32>
        %swap3A_1009 = arith.constant 0 : index
        %swap3A_1010 = tpu.vector_load %arg13[%swap3A_1009] {strides = array<i32>} : memref<64xi32, #tpu.memory_space<vmem>>, vector<16xi32>,
        %swap3A_1011 = vector.shape_cast %swap3A_1010 : vector<16xi32> to vector<16xi32>
        %swap3A_1012 = vector.shape_cast %get3A_1008 : vector<16xi32> to vector<16xi32>
        tpu.vector_store %arg13[%swap3A_1009], %swap3A_1012 {strides = array<i32>} : memref<64xi32, #tpu.memory_space<vmem>>, vector<16xi32>,
        %get3A_1013 = arith.index_cast %add3A_1004 : i32 to index
        %get3A_1014 = arith.constant 64 : index
        %get3A_1015 = tpu.vector_load %arg8[%get3A_1013, %get3A_1014] {strides = array<i32>} : memref<8x128xi32, #tpu.memory_space<vmem>>, vector<1x16xi32>,
        %get3A_1016 = vector.shape_cast %get3A_1015 : vector<1x16xi32> to vector<16xi32>
        %swap3A_1017 = arith.constant 0 : index
        %swap3A_1018 = tpu.vector_load %arg14[%swap3A_1017] {strides = array<i32>} : memref<64xi32, #tpu.memory_space<vmem>>, vector<16xi32>,
        %swap3A_1019 = vector.shape_cast %swap3A_1018 : vector<16xi32> to vector<16xi32>
        %swap3A_1020 = vector.shape_cast %get3A_1016 : vector<16xi32> to vector<16xi32>
        tpu.vector_store %arg14[%swap3A_1017], %swap3A_1020 {strides = array<i32>} : memref<64xi32, #tpu.memory_space<vmem>>, vector<16xi32>,
        %get3A_1021 = arith.index_cast %add3A_1004 : i32 to index
        %get3A_1022 = arith.constant 16 : index
        %get3A_1023 = tpu.vector_load %arg8[%get3A_1021, %get3A_1022] {strides = array<i32>} : memref<8x128xi32, #tpu.memory_space<vmem>>, vector<1x16xi32>,
        %get3A_1024 = vector.shape_cast %get3A_1023 : vector<1x16xi32> to vector<16xi32>
        %swap3A_1025 = arith.constant 16 : index
        %swap3A_1026 = tpu.vector_load %arg13[%swap3A_1025] {strides = array<i32>} : memref<64xi32, #tpu.memory_space<vmem>>, vector<16xi32>,
        %swap3A_1027 = vector.shape_cast %swap3A_1026 : vector<16xi32> to vector<16xi32>
        %swap3A_1028 = vector.shape_cast %get3A_1024 : vector<16xi32> to vector<16xi32>
        tpu.vector_store %arg13[%swap3A_1025], %swap3A_1028 {strides = array<i32>} : memref<64xi32, #tpu.memory_space<vmem>>, vector<16xi32>,
        %get3A_1029 = arith.index_cast %add3A_1004 : i32 to index
        %get3A_1030 = arith.constant 80 : index
        %get3A_1031 = tpu.vector_load %arg8[%get3A_1029, %get3A_1030] {strides = array<i32>} : memref<8x128xi32, #tpu.memory_space<vmem>>, vector<1x16xi32>,
        %get3A_1032 = vector.shape_cast %get3A_1031 : vector<1x16xi32> to vector<16xi32>
        %swap3A_1033 = arith.constant 16 : index
        %swap3A_1034 = tpu.vector_load %arg14[%swap3A_1033] {strides = array<i32>} : memref<64xi32, #tpu.memory_space<vmem>>, vector<16xi32>,
        %swap3A_1035 = vector.shape_cast %swap3A_1034 : vector<16xi32> to vector<16xi32>
        %swap3A_1036 = vector.shape_cast %get3A_1032 : vector<16xi32> to vector<16xi32>
        tpu.vector_store %arg14[%swap3A_1033], %swap3A_1036 {strides = array<i32>} : memref<64xi32, #tpu.memory_space<vmem>>, vector<16xi32>,
        %get3A_1037 = arith.index_cast %add3A_1004 : i32 to index
        %get3A_1038 = arith.constant 32 : index
        %get3A_1039 = tpu.vector_load %arg8[%get3A_1037, %get3A_1038] {strides = array<i32>} : memref<8x128xi32, #tpu.memory_space<vmem>>, vector<1x16xi32>,
        %get3A_1040 = vector.shape_cast %get3A_1039 : vector<1x16xi32> to vector<16xi32>
        %swap3A_1041 = arith.constant 32 : index
        %swap3A_1042 = tpu.vector_load %arg13[%swap3A_1041] {strides = array<i32>} : memref<64xi32, #tpu.memory_space<vmem>>, vector<16xi32>,
        %swap3A_1043 = vector.shape_cast %swap3A_1042 : vector<16xi32> to vector<16xi32>
        %swap3A_1044 = vector.shape_cast %get3A_1040 : vector<16xi32> to vector<16xi32>
        tpu.vector_store %arg13[%swap3A_1041], %swap3A_1044 {strides = array<i32>} : memref<64xi32, #tpu.memory_space<vmem>>, vector<16xi32>,
        %get3A_1045 = arith.index_cast %add3A_1004 : i32 to index
        %get3A_1046 = arith.constant 96 : index
        %get3A_1047 = tpu.vector_load %arg8[%get3A_1045, %get3A_1046] {strides = array<i32>} : memref<8x128xi32, #tpu.memory_space<vmem>>, vector<1x16xi32>,
        %get3A_1048 = vector.shape_cast %get3A_1047 : vector<1x16xi32> to vector<16xi32>
        %swap3A_1049 = arith.constant 32 : index
        %swap3A_1050 = tpu.vector_load %arg14[%swap3A_1049] {strides = array<i32>} : memref<64xi32, #tpu.memory_space<vmem>>, vector<16xi32>,
        %swap3A_1051 = vector.shape_cast %swap3A_1050 : vector<16xi32> to vector<16xi32>
        %swap3A_1052 = vector.shape_cast %get3A_1048 : vector<16xi32> to vector<16xi32>
        tpu.vector_store %arg14[%swap3A_1049], %swap3A_1052 {strides = array<i32>} : memref<64xi32, #tpu.memory_space<vmem>>, vector<16xi32>,
        %get3A_1053 = arith.index_cast %add3A_1004 : i32 to index
        %get3A_1054 = arith.constant 48 : index
        %get3A_1055 = tpu.vector_load %arg8[%get3A_1053, %get3A_1054] {strides = array<i32>} : memref<8x128xi32, #tpu.memory_space<vmem>>, vector<1x16xi32>,
        %get3A_1056 = vector.shape_cast %get3A_1055 : vector<1x16xi32> to vector<16xi32>
        %swap3A_1057 = arith.constant 48 : index
        %swap3A_1058 = tpu.vector_load %arg13[%swap3A_1057] {strides = array<i32>} : memref<64xi32, #tpu.memory_space<vmem>>, vector<16xi32>,
        %swap3A_1059 = vector.shape_cast %swap3A_1058 : vector<16xi32> to vector<16xi32>
        %swap3A_1060 = vector.shape_cast %get3A_1056 : vector<16xi32> to vector<16xi32>
        tpu.vector_store %arg13[%swap3A_1057], %swap3A_1060 {strides = array<i32>} : memref<64xi32, #tpu.memory_space<vmem>>, vector<16xi32>,
        %get3A_1061 = arith.index_cast %add3A_1004 : i32 to index
        %get3A_1062 = arith.constant 112 : index
        %get3A_1063 = tpu.vector_load %arg8[%get3A_1061, %get3A_1062] {strides = array<i32>} : memref<8x128xi32, #tpu.memory_space<vmem>>, vector<1x16xi32>,
        %get3A_1064 = vector.shape_cast %get3A_1063 : vector<1x16xi32> to vector<16xi32>
        %swap3A_1065 = arith.constant 48 : index
        %swap3A_1066 = tpu.vector_load %arg14[%swap3A_1065] {strides = array<i32>} : memref<64xi32, #tpu.memory_space<vmem>>, vector<16xi32>,
        %swap3A_1067 = vector.shape_cast %swap3A_1066 : vector<16xi32> to vector<16xi32>
        %swap3A_1068 = vector.shape_cast %get3A_1064 : vector<16xi32> to vector<16xi32>
        tpu.vector_store %arg14[%swap3A_1065], %swap3A_1068 {strides = array<i32>} : memref<64xi32, #tpu.memory_space<vmem>>, vector<16xi32>,
        %dma_start3A_1069 = arith.constant 0 : i32
        %dma_start3A_1070 = arith.constant 0 : i32
        %dma_start3A_1071 = tpu.memref_slice %arg10[%dma_start3A_1069, %dma_start3A_1070] : memref<128x128xf32, #tpu.memory_space<vmem>> -> memref<64x128xf32, #tpu.memory_space<vmem>>
        %dma_start3A_1072 = arith.constant 0 : i32
        %dma_start3A_1073 = arith.constant 0 : i32
        %dma_start3A_1074 = tpu.memref_slice %arg17[%dma_start3A_1072, %dma_start3A_1073] : memref<10240x128xf32, #tpu.memory_space<vmem_shared>> -> memref<10240x128xf32, #tpu.memory_space<vmem_shared>>
        tpu.enqueue_indirect_dma source(%dma_start3A_1071 : memref<64x128xf32, #tpu.memory_space<vmem>>) target(%dma_start3A_1074 : memref<10240x128xf32, #tpu.memory_space<vmem_shared>>) offsets(%arg13 : memref<64xi32, #tpu.memory_space<vmem>>) semaphore(%arg20 : memref<!tpu.dma_semaphore, #tpu.memory_space<semaphore_mem>>) {add = true}
        %dma_start3A_1075 = arith.constant 64 : i32
        %dma_start3A_1076 = arith.constant 0 : i32
        %dma_start3A_1077 = tpu.memref_slice %arg10[%dma_start3A_1075, %dma_start3A_1076] : memref<128x128xf32, #tpu.memory_space<vmem>> -> memref<64x128xf32, #tpu.memory_space<vmem>>
        %dma_start3A_1078 = arith.constant 0 : i32
        %dma_start3A_1079 = arith.constant 0 : i32
        %dma_start3A_1080 = tpu.memref_slice %arg17[%dma_start3A_1078, %dma_start3A_1079] : memref<10240x128xf32, #tpu.memory_space<vmem_shared>> -> memref<10240x128xf32, #tpu.memory_space<vmem_shared>>
        tpu.enqueue_indirect_dma source(%dma_start3A_1077 : memref<64x128xf32, #tpu.memory_space<vmem>>) target(%dma_start3A_1080 : memref<10240x128xf32, #tpu.memory_space<vmem_shared>>) offsets(%arg14 : memref<64xi32, #tpu.memory_space<vmem>>) semaphore(%arg21 : memref<!tpu.dma_semaphore, #tpu.memory_space<semaphore_mem>>) {add = true}
        %dma_wait3A_1081 = arith.constant 0 : i32
        %dma_wait3A_1082 = arith.constant 0 : i32
        %dma_wait3A_1083 = tpu.memref_slice %arg10[%dma_wait3A_1081, %dma_wait3A_1082] : memref<128x128xf32, #tpu.memory_space<vmem>> -> memref<64x128xf32, #tpu.memory_space<vmem>>
        %dma_wait3A_1084 = arith.constant 0 : i32
        %dma_wait3A_1085 = arith.constant 0 : i32
        %dma_wait3A_1086 = tpu.memref_slice %arg2[%dma_wait3A_1084, %dma_wait3A_1085] : memref<10240x128xf32, #tpu.memory_space<hbm>> -> memref<64x128xf32, #tpu.memory_space<hbm>>
        %dma_wait3A_1087 = arith.constant 0 : i32
        %dma_wait3A_1088 = arith.constant 0 : i32
        %dma_wait3A_1089 = tpu.memref_slice %arg10[%dma_wait3A_1087, %dma_wait3A_1088] : memref<128x128xf32, #tpu.memory_space<vmem>> -> memref<64x128xf32, #tpu.memory_space<vmem>>
        %dma_wait3A_1090 = arith.constant 0 : i32
        %dma_wait3A_1091 = arith.constant 0 : i32
        %dma_wait3A_1092 = tpu.memref_slice %arg2[%dma_wait3A_1090, %dma_wait3A_1091] : memref<10240x128xf32, #tpu.memory_space<hbm>> -> memref<64x128xf32, #tpu.memory_space<hbm>>
        tpu.wait_dma2 semaphore(%arg20 : memref<!tpu.dma_semaphore, #tpu.memory_space<semaphore_mem>>) src(%dma_wait3A_1092 : memref<64x128xf32, #tpu.memory_space<hbm>>) dst(%dma_wait3A_1089 : memref<64x128xf32, #tpu.memory_space<vmem>>)
        %dma_wait3A_1093 = arith.constant 64 : i32
        %dma_wait3A_1094 = arith.constant 0 : i32
        %dma_wait3A_1095 = tpu.memref_slice %arg10[%dma_wait3A_1093, %dma_wait3A_1094] : memref<128x128xf32, #tpu.memory_space<vmem>> -> memref<64x128xf32, #tpu.memory_space<vmem>>
        %dma_wait3A_1096 = arith.constant 0 : i32
        %dma_wait3A_1097 = arith.constant 0 : i32
        %dma_wait3A_1098 = tpu.memref_slice %arg2[%dma_wait3A_1096, %dma_wait3A_1097] : memref<10240x128xf32, #tpu.memory_space<hbm>> -> memref<64x128xf32, #tpu.memory_space<hbm>>
        %dma_wait3A_1099 = arith.constant 64 : i32
        %dma_wait3A_1100 = arith.constant 0 : i32
        %dma_wait3A_1101 = tpu.memref_slice %arg10[%dma_wait3A_1099, %dma_wait3A_1100] : memref<128x128xf32, #tpu.memory_space<vmem>> -> memref<64x128xf32, #tpu.memory_space<vmem>>
        %dma_wait3A_1102 = arith.constant 0 : i32
        %dma_wait3A_1103 = arith.constant 0 : i32
        %dma_wait3A_1104 = tpu.memref_slice %arg2[%dma_wait3A_1102, %dma_wait3A_1103] : memref<10240x128xf32, #tpu.memory_space<hbm>> -> memref<64x128xf32, #tpu.memory_space<hbm>>
        tpu.wait_dma2 semaphore(%arg21 : memref<!tpu.dma_semaphore, #tpu.memory_space<semaphore_mem>>) src(%dma_wait3A_1104 : memref<64x128xf32, #tpu.memory_space<hbm>>) dst(%dma_wait3A_1101 : memref<64x128xf32, #tpu.memory_space<vmem>>)
        %add3A_1105 = arith.constant 3 : i32
        %add3A_1106 = arith.addi %mul3A_821, %add3A_1105 : i32
        %get3A_1107 = arith.index_cast %add3A_1106 : i32 to index
        %get3A_1108 = arith.constant 0 : index
        %get3A_1109 = tpu.vector_load %arg6[%get3A_1107, %get3A_1108] {strides = array<i32>} : memref<8x128xi32, #tpu.memory_space<vmem>>, vector<1x16xi32>,
        %get3A_1110 = vector.shape_cast %get3A_1109 : vector<1x16xi32> to vector<16xi32>
        %swap3A_1111 = arith.constant 0 : index
        %swap3A_1112 = tpu.vector_load %arg16[%swap3A_1111] {strides = array<i32>} : memref<128xi32, #tpu.memory_space<vmem>>, vector<16xi32>,
        %swap3A_1113 = vector.shape_cast %swap3A_1112 : vector<16xi32> to vector<16xi32>
        %swap3A_1114 = vector.shape_cast %get3A_1110 : vector<16xi32> to vector<16xi32>
        tpu.vector_store %arg16[%swap3A_1111], %swap3A_1114 {strides = array<i32>} : memref<128xi32, #tpu.memory_space<vmem>>, vector<16xi32>,
        %get3A_1115 = arith.index_cast %add3A_1106 : i32 to index
        %get3A_1116 = arith.constant 16 : index
        %get3A_1117 = tpu.vector_load %arg6[%get3A_1115, %get3A_1116] {strides = array<i32>} : memref<8x128xi32, #tpu.memory_space<vmem>>, vector<1x16xi32>,
        %get3A_1118 = vector.shape_cast %get3A_1117 : vector<1x16xi32> to vector<16xi32>
        %swap3A_1119 = arith.constant 16 : index
        %swap3A_1120 = tpu.vector_load %arg16[%swap3A_1119] {strides = array<i32>} : memref<128xi32, #tpu.memory_space<vmem>>, vector<16xi32>,
        %swap3A_1121 = vector.shape_cast %swap3A_1120 : vector<16xi32> to vector<16xi32>
        %swap3A_1122 = vector.shape_cast %get3A_1118 : vector<16xi32> to vector<16xi32>
        tpu.vector_store %arg16[%swap3A_1119], %swap3A_1122 {strides = array<i32>} : memref<128xi32, #tpu.memory_space<vmem>>, vector<16xi32>,
        %get3A_1123 = arith.index_cast %add3A_1106 : i32 to index
        %get3A_1124 = arith.constant 32 : index
        %get3A_1125 = tpu.vector_load %arg6[%get3A_1123, %get3A_1124] {strides = array<i32>} : memref<8x128xi32, #tpu.memory_space<vmem>>, vector<1x16xi32>,
        %get3A_1126 = vector.shape_cast %get3A_1125 : vector<1x16xi32> to vector<16xi32>
        %swap3A_1127 = arith.constant 32 : index
        %swap3A_1128 = tpu.vector_load %arg16[%swap3A_1127] {strides = array<i32>} : memref<128xi32, #tpu.memory_space<vmem>>, vector<16xi32>,
        %swap3A_1129 = vector.shape_cast %swap3A_1128 : vector<16xi32> to vector<16xi32>
        %swap3A_1130 = vector.shape_cast %get3A_1126 : vector<16xi32> to vector<16xi32>
        tpu.vector_store %arg16[%swap3A_1127], %swap3A_1130 {strides = array<i32>} : memref<128xi32, #tpu.memory_space<vmem>>, vector<16xi32>,
        %get3A_1131 = arith.index_cast %add3A_1106 : i32 to index
        %get3A_1132 = arith.constant 48 : index
        %get3A_1133 = tpu.vector_load %arg6[%get3A_1131, %get3A_1132] {strides = array<i32>} : memref<8x128xi32, #tpu.memory_space<vmem>>, vector<1x16xi32>,
        %get3A_1134 = vector.shape_cast %get3A_1133 : vector<1x16xi32> to vector<16xi32>
        %swap3A_1135 = arith.constant 48 : index
        %swap3A_1136 = tpu.vector_load %arg16[%swap3A_1135] {strides = array<i32>} : memref<128xi32, #tpu.memory_space<vmem>>, vector<16xi32>,
        %swap3A_1137 = vector.shape_cast %swap3A_1136 : vector<16xi32> to vector<16xi32>
        %swap3A_1138 = vector.shape_cast %get3A_1134 : vector<16xi32> to vector<16xi32>
        tpu.vector_store %arg16[%swap3A_1135], %swap3A_1138 {strides = array<i32>} : memref<128xi32, #tpu.memory_space<vmem>>, vector<16xi32>,
        %get3A_1139 = arith.index_cast %add3A_1106 : i32 to index
        %get3A_1140 = arith.constant 64 : index
        %get3A_1141 = tpu.vector_load %arg6[%get3A_1139, %get3A_1140] {strides = array<i32>} : memref<8x128xi32, #tpu.memory_space<vmem>>, vector<1x16xi32>,
        %get3A_1142 = vector.shape_cast %get3A_1141 : vector<1x16xi32> to vector<16xi32>
        %swap3A_1143 = arith.constant 64 : index
        %swap3A_1144 = tpu.vector_load %arg16[%swap3A_1143] {strides = array<i32>} : memref<128xi32, #tpu.memory_space<vmem>>, vector<16xi32>,
        %swap3A_1145 = vector.shape_cast %swap3A_1144 : vector<16xi32> to vector<16xi32>
        %swap3A_1146 = vector.shape_cast %get3A_1142 : vector<16xi32> to vector<16xi32>
        tpu.vector_store %arg16[%swap3A_1143], %swap3A_1146 {strides = array<i32>} : memref<128xi32, #tpu.memory_space<vmem>>, vector<16xi32>,
        %get3A_1147 = arith.index_cast %add3A_1106 : i32 to index
        %get3A_1148 = arith.constant 80 : index
        %get3A_1149 = tpu.vector_load %arg6[%get3A_1147, %get3A_1148] {strides = array<i32>} : memref<8x128xi32, #tpu.memory_space<vmem>>, vector<1x16xi32>,
        %get3A_1150 = vector.shape_cast %get3A_1149 : vector<1x16xi32> to vector<16xi32>
        %swap3A_1151 = arith.constant 80 : index
        %swap3A_1152 = tpu.vector_load %arg16[%swap3A_1151] {strides = array<i32>} : memref<128xi32, #tpu.memory_space<vmem>>, vector<16xi32>,
        %swap3A_1153 = vector.shape_cast %swap3A_1152 : vector<16xi32> to vector<16xi32>
        %swap3A_1154 = vector.shape_cast %get3A_1150 : vector<16xi32> to vector<16xi32>
        tpu.vector_store %arg16[%swap3A_1151], %swap3A_1154 {strides = array<i32>} : memref<128xi32, #tpu.memory_space<vmem>>, vector<16xi32>,
        %get3A_1155 = arith.index_cast %add3A_1106 : i32 to index
        %get3A_1156 = arith.constant 96 : index
        %get3A_1157 = tpu.vector_load %arg6[%get3A_1155, %get3A_1156] {strides = array<i32>} : memref<8x128xi32, #tpu.memory_space<vmem>>, vector<1x16xi32>,
        %get3A_1158 = vector.shape_cast %get3A_1157 : vector<1x16xi32> to vector<16xi32>
        %swap3A_1159 = arith.constant 96 : index
        %swap3A_1160 = tpu.vector_load %arg16[%swap3A_1159] {strides = array<i32>} : memref<128xi32, #tpu.memory_space<vmem>>, vector<16xi32>,
        %swap3A_1161 = vector.shape_cast %swap3A_1160 : vector<16xi32> to vector<16xi32>
        %swap3A_1162 = vector.shape_cast %get3A_1158 : vector<16xi32> to vector<16xi32>
        tpu.vector_store %arg16[%swap3A_1159], %swap3A_1162 {strides = array<i32>} : memref<128xi32, #tpu.memory_space<vmem>>, vector<16xi32>,
        %get3A_1163 = arith.index_cast %add3A_1106 : i32 to index
        %get3A_1164 = arith.constant 112 : index
        %get3A_1165 = tpu.vector_load %arg6[%get3A_1163, %get3A_1164] {strides = array<i32>} : memref<8x128xi32, #tpu.memory_space<vmem>>, vector<1x16xi32>,
        %get3A_1166 = vector.shape_cast %get3A_1165 : vector<1x16xi32> to vector<16xi32>
        %swap3A_1167 = arith.constant 112 : index
        %swap3A_1168 = tpu.vector_load %arg16[%swap3A_1167] {strides = array<i32>} : memref<128xi32, #tpu.memory_space<vmem>>, vector<16xi32>,
        %swap3A_1169 = vector.shape_cast %swap3A_1168 : vector<16xi32> to vector<16xi32>
        %swap3A_1170 = vector.shape_cast %get3A_1166 : vector<16xi32> to vector<16xi32>
        tpu.vector_store %arg16[%swap3A_1167], %swap3A_1170 {strides = array<i32>} : memref<128xi32, #tpu.memory_space<vmem>>, vector<16xi32>,
        %dma_start3A_1171 = arith.constant 0 : i32
        %dma_start3A_1172 = arith.constant 0 : i32
        %dma_start3A_1173 = tpu.memref_slice %arg2[%dma_start3A_1171, %dma_start3A_1172] : memref<10240x128xf32, #tpu.memory_space<hbm>> -> memref<10240x128xf32, #tpu.memory_space<hbm>>
        tpu.enqueue_indirect_dma source(%dma_start3A_1173 : memref<10240x128xf32, #tpu.memory_space<hbm>>) target(%arg10 : memref<128x128xf32, #tpu.memory_space<vmem>>) offsets(%arg16 : memref<128xi32, #tpu.memory_space<vmem>>) semaphore(%arg19 : memref<!tpu.dma_semaphore, #tpu.memory_space<semaphore_mem>>)
      }
      %scan3A_580 = arith.constant 3 : i32
      %dma_wait3A_581 = arith.constant 0 : i32
      %dma_wait3A_582 = arith.constant 0 : i32
      %dma_wait3A_583 = tpu.memref_slice %arg2[%dma_wait3A_581, %dma_wait3A_582] : memref<10240x128xf32, #tpu.memory_space<hbm>> -> memref<128x128xf32, #tpu.memory_space<hbm>>
      %dma_wait3A_584 = arith.constant 0 : i32
      %dma_wait3A_585 = arith.constant 0 : i32
      %dma_wait3A_586 = tpu.memref_slice %arg2[%dma_wait3A_584, %dma_wait3A_585] : memref<10240x128xf32, #tpu.memory_space<hbm>> -> memref<128x128xf32, #tpu.memory_space<hbm>>
      tpu.wait_dma2 semaphore(%arg18 : memref<!tpu.dma_semaphore, #tpu.memory_space<semaphore_mem>>) src(%dma_wait3A_586 : memref<128x128xf32, #tpu.memory_space<hbm>>) dst(%arg9 : memref<128x128xf32, #tpu.memory_space<vmem>>)
      %get3A_587 = arith.constant 6 : i32
      %get3A_588 = arith.index_cast %get3A_587 : i32 to index
      %get3A_589 = arith.constant 0 : index
      %get3A_590 = tpu.vector_load %arg8[%get3A_588, %get3A_589] {strides = array<i32>} : memref<8x128xi32, #tpu.memory_space<vmem>>, vector<1x16xi32>,
      %get3A_591 = vector.shape_cast %get3A_590 : vector<1x16xi32> to vector<16xi32>
      %swap3A_592 = arith.constant 0 : index
      %swap3A_593 = tpu.vector_load %arg11[%swap3A_592] {strides = array<i32>} : memref<64xi32, #tpu.memory_space<vmem>>, vector<16xi32>,
      %swap3A_594 = vector.shape_cast %swap3A_593 : vector<16xi32> to vector<16xi32>
      %swap3A_595 = vector.shape_cast %get3A_591 : vector<16xi32> to vector<16xi32>
      tpu.vector_store %arg11[%swap3A_592], %swap3A_595 {strides = array<i32>} : memref<64xi32, #tpu.memory_space<vmem>>, vector<16xi32>,
      %get3A_596 = arith.constant 6 : i32
      %get3A_597 = arith.index_cast %get3A_596 : i32 to index
      %get3A_598 = arith.constant 64 : index
      %get3A_599 = tpu.vector_load %arg8[%get3A_597, %get3A_598] {strides = array<i32>} : memref<8x128xi32, #tpu.memory_space<vmem>>, vector<1x16xi32>,
      %get3A_600 = vector.shape_cast %get3A_599 : vector<1x16xi32> to vector<16xi32>
      %swap3A_601 = arith.constant 0 : index
      %swap3A_602 = tpu.vector_load %arg12[%swap3A_601] {strides = array<i32>} : memref<64xi32, #tpu.memory_space<vmem>>, vector<16xi32>,
      %swap3A_603 = vector.shape_cast %swap3A_602 : vector<16xi32> to vector<16xi32>
      %swap3A_604 = vector.shape_cast %get3A_600 : vector<16xi32> to vector<16xi32>
      tpu.vector_store %arg12[%swap3A_601], %swap3A_604 {strides = array<i32>} : memref<64xi32, #tpu.memory_space<vmem>>, vector<16xi32>,
      %get3A_605 = arith.constant 6 : i32
      %get3A_606 = arith.index_cast %get3A_605 : i32 to index
      %get3A_607 = arith.constant 16 : index
      %get3A_608 = tpu.vector_load %arg8[%get3A_606, %get3A_607] {strides = array<i32>} : memref<8x128xi32, #tpu.memory_space<vmem>>, vector<1x16xi32>,
      %get3A_609 = vector.shape_cast %get3A_608 : vector<1x16xi32> to vector<16xi32>
      %swap3A_610 = arith.constant 16 : index
      %swap3A_611 = tpu.vector_load %arg11[%swap3A_610] {strides = array<i32>} : memref<64xi32, #tpu.memory_space<vmem>>, vector<16xi32>,
      %swap3A_612 = vector.shape_cast %swap3A_611 : vector<16xi32> to vector<16xi32>
      %swap3A_613 = vector.shape_cast %get3A_609 : vector<16xi32> to vector<16xi32>
      tpu.vector_store %arg11[%swap3A_610], %swap3A_613 {strides = array<i32>} : memref<64xi32, #tpu.memory_space<vmem>>, vector<16xi32>,
      %get3A_614 = arith.constant 6 : i32
      %get3A_615 = arith.index_cast %get3A_614 : i32 to index
      %get3A_616 = arith.constant 80 : index
      %get3A_617 = tpu.vector_load %arg8[%get3A_615, %get3A_616] {strides = array<i32>} : memref<8x128xi32, #tpu.memory_space<vmem>>, vector<1x16xi32>,
      %get3A_618 = vector.shape_cast %get3A_617 : vector<1x16xi32> to vector<16xi32>
      %swap3A_619 = arith.constant 16 : index
      %swap3A_620 = tpu.vector_load %arg12[%swap3A_619] {strides = array<i32>} : memref<64xi32, #tpu.memory_space<vmem>>, vector<16xi32>,
      %swap3A_621 = vector.shape_cast %swap3A_620 : vector<16xi32> to vector<16xi32>
      %swap3A_622 = vector.shape_cast %get3A_618 : vector<16xi32> to vector<16xi32>
      tpu.vector_store %arg12[%swap3A_619], %swap3A_622 {strides = array<i32>} : memref<64xi32, #tpu.memory_space<vmem>>, vector<16xi32>,
      %get3A_623 = arith.constant 6 : i32
      %get3A_624 = arith.index_cast %get3A_623 : i32 to index
      %get3A_625 = arith.constant 32 : index
      %get3A_626 = tpu.vector_load %arg8[%get3A_624, %get3A_625] {strides = array<i32>} : memref<8x128xi32, #tpu.memory_space<vmem>>, vector<1x16xi32>,
      %get3A_627 = vector.shape_cast %get3A_626 : vector<1x16xi32> to vector<16xi32>
      %swap3A_628 = arith.constant 32 : index
      %swap3A_629 = tpu.vector_load %arg11[%swap3A_628] {strides = array<i32>} : memref<64xi32, #tpu.memory_space<vmem>>, vector<16xi32>,
      %swap3A_630 = vector.shape_cast %swap3A_629 : vector<16xi32> to vector<16xi32>
      %swap3A_631 = vector.shape_cast %get3A_627 : vector<16xi32> to vector<16xi32>
      tpu.vector_store %arg11[%swap3A_628], %swap3A_631 {strides = array<i32>} : memref<64xi32, #tpu.memory_space<vmem>>, vector<16xi32>,
      %get3A_632 = arith.constant 6 : i32
      %get3A_633 = arith.index_cast %get3A_632 : i32 to index
      %get3A_634 = arith.constant 96 : index
      %get3A_635 = tpu.vector_load %arg8[%get3A_633, %get3A_634] {strides = array<i32>} : memref<8x128xi32, #tpu.memory_space<vmem>>, vector<1x16xi32>,
      %get3A_636 = vector.shape_cast %get3A_635 : vector<1x16xi32> to vector<16xi32>
      %swap3A_637 = arith.constant 32 : index
      %swap3A_638 = tpu.vector_load %arg12[%swap3A_637] {strides = array<i32>} : memref<64xi32, #tpu.memory_space<vmem>>, vector<16xi32>,
      %swap3A_639 = vector.shape_cast %swap3A_638 : vector<16xi32> to vector<16xi32>
      %swap3A_640 = vector.shape_cast %get3A_636 : vector<16xi32> to vector<16xi32>
      tpu.vector_store %arg12[%swap3A_637], %swap3A_640 {strides = array<i32>} : memref<64xi32, #tpu.memory_space<vmem>>, vector<16xi32>,
      %get3A_641 = arith.constant 6 : i32
      %get3A_642 = arith.index_cast %get3A_641 : i32 to index
      %get3A_643 = arith.constant 48 : index
      %get3A_644 = tpu.vector_load %arg8[%get3A_642, %get3A_643] {strides = array<i32>} : memref<8x128xi32, #tpu.memory_space<vmem>>, vector<1x16xi32>,
      %get3A_645 = vector.shape_cast %get3A_644 : vector<1x16xi32> to vector<16xi32>
      %swap3A_646 = arith.constant 48 : index
      %swap3A_647 = tpu.vector_load %arg11[%swap3A_646] {strides = array<i32>} : memref<64xi32, #tpu.memory_space<vmem>>, vector<16xi32>,
      %swap3A_648 = vector.shape_cast %swap3A_647 : vector<16xi32> to vector<16xi32>
      %swap3A_649 = vector.shape_cast %get3A_645 : vector<16xi32> to vector<16xi32>
      tpu.vector_store %arg11[%swap3A_646], %swap3A_649 {strides = array<i32>} : memref<64xi32, #tpu.memory_space<vmem>>, vector<16xi32>,
      %get3A_650 = arith.constant 6 : i32
      %get3A_651 = arith.index_cast %get3A_650 : i32 to index
      %get3A_652 = arith.constant 112 : index
      %get3A_653 = tpu.vector_load %arg8[%get3A_651, %get3A_652] {strides = array<i32>} : memref<8x128xi32, #tpu.memory_space<vmem>>, vector<1x16xi32>,
      %get3A_654 = vector.shape_cast %get3A_653 : vector<1x16xi32> to vector<16xi32>
      %swap3A_655 = arith.constant 48 : index
      %swap3A_656 = tpu.vector_load %arg12[%swap3A_655] {strides = array<i32>} : memref<64xi32, #tpu.memory_space<vmem>>, vector<16xi32>,
      %swap3A_657 = vector.shape_cast %swap3A_656 : vector<16xi32> to vector<16xi32>
      %swap3A_658 = vector.shape_cast %get3A_654 : vector<16xi32> to vector<16xi32>
      tpu.vector_store %arg12[%swap3A_655], %swap3A_658 {strides = array<i32>} : memref<64xi32, #tpu.memory_space<vmem>>, vector<16xi32>,
      %dma_start3A_659 = arith.constant 0 : i32
      %dma_start3A_660 = arith.constant 0 : i32
      %dma_start3A_661 = tpu.memref_slice %arg9[%dma_start3A_659, %dma_start3A_660] : memref<128x128xf32, #tpu.memory_space<vmem>> -> memref<64x128xf32, #tpu.memory_space<vmem>>
      %dma_start3A_662 = arith.constant 0 : i32
      %dma_start3A_663 = arith.constant 0 : i32
      %dma_start3A_664 = tpu.memref_slice %arg17[%dma_start3A_662, %dma_start3A_663] : memref<10240x128xf32, #tpu.memory_space<vmem_shared>> -> memref<10240x128xf32, #tpu.memory_space<vmem_shared>>
      tpu.enqueue_indirect_dma source(%dma_start3A_661 : memref<64x128xf32, #tpu.memory_space<vmem>>) target(%dma_start3A_664 : memref<10240x128xf32, #tpu.memory_space<vmem_shared>>) offsets(%arg11 : memref<64xi32, #tpu.memory_space<vmem>>) semaphore(%arg20 : memref<!tpu.dma_semaphore, #tpu.memory_space<semaphore_mem>>) {add = true}
      %dma_start3A_665 = arith.constant 64 : i32
      %dma_start3A_666 = arith.constant 0 : i32
      %dma_start3A_667 = tpu.memref_slice %arg9[%dma_start3A_665, %dma_start3A_666] : memref<128x128xf32, #tpu.memory_space<vmem>> -> memref<64x128xf32, #tpu.memory_space<vmem>>
      %dma_start3A_668 = arith.constant 0 : i32
      %dma_start3A_669 = arith.constant 0 : i32
      %dma_start3A_670 = tpu.memref_slice %arg17[%dma_start3A_668, %dma_start3A_669] : memref<10240x128xf32, #tpu.memory_space<vmem_shared>> -> memref<10240x128xf32, #tpu.memory_space<vmem_shared>>
      tpu.enqueue_indirect_dma source(%dma_start3A_667 : memref<64x128xf32, #tpu.memory_space<vmem>>) target(%dma_start3A_670 : memref<10240x128xf32, #tpu.memory_space<vmem_shared>>) offsets(%arg12 : memref<64xi32, #tpu.memory_space<vmem>>) semaphore(%arg21 : memref<!tpu.dma_semaphore, #tpu.memory_space<semaphore_mem>>) {add = true}
      %dma_wait3A_671 = arith.constant 0 : i32
      %dma_wait3A_672 = arith.constant 0 : i32
      %dma_wait3A_673 = tpu.memref_slice %arg9[%dma_wait3A_671, %dma_wait3A_672] : memref<128x128xf32, #tpu.memory_space<vmem>> -> memref<64x128xf32, #tpu.memory_space<vmem>>
      %dma_wait3A_674 = arith.constant 0 : i32
      %dma_wait3A_675 = arith.constant 0 : i32
      %dma_wait3A_676 = tpu.memref_slice %arg2[%dma_wait3A_674, %dma_wait3A_675] : memref<10240x128xf32, #tpu.memory_space<hbm>> -> memref<64x128xf32, #tpu.memory_space<hbm>>
      %dma_wait3A_677 = arith.constant 0 : i32
      %dma_wait3A_678 = arith.constant 0 : i32
      %dma_wait3A_679 = tpu.memref_slice %arg9[%dma_wait3A_677, %dma_wait3A_678] : memref<128x128xf32, #tpu.memory_space<vmem>> -> memref<64x128xf32, #tpu.memory_space<vmem>>
      %dma_wait3A_680 = arith.constant 0 : i32
      %dma_wait3A_681 = arith.constant 0 : i32
      %dma_wait3A_682 = tpu.memref_slice %arg2[%dma_wait3A_680, %dma_wait3A_681] : memref<10240x128xf32, #tpu.memory_space<hbm>> -> memref<64x128xf32, #tpu.memory_space<hbm>>
      tpu.wait_dma2 semaphore(%arg20 : memref<!tpu.dma_semaphore, #tpu.memory_space<semaphore_mem>>) src(%dma_wait3A_682 : memref<64x128xf32, #tpu.memory_space<hbm>>) dst(%dma_wait3A_679 : memref<64x128xf32, #tpu.memory_space<vmem>>)
      %dma_wait3A_683 = arith.constant 64 : i32
      %dma_wait3A_684 = arith.constant 0 : i32
      %dma_wait3A_685 = tpu.memref_slice %arg9[%dma_wait3A_683, %dma_wait3A_684] : memref<128x128xf32, #tpu.memory_space<vmem>> -> memref<64x128xf32, #tpu.memory_space<vmem>>
      %dma_wait3A_686 = arith.constant 0 : i32
      %dma_wait3A_687 = arith.constant 0 : i32
      %dma_wait3A_688 = tpu.memref_slice %arg2[%dma_wait3A_686, %dma_wait3A_687] : memref<10240x128xf32, #tpu.memory_space<hbm>> -> memref<64x128xf32, #tpu.memory_space<hbm>>
      %dma_wait3A_689 = arith.constant 64 : i32
      %dma_wait3A_690 = arith.constant 0 : i32
      %dma_wait3A_691 = tpu.memref_slice %arg9[%dma_wait3A_689, %dma_wait3A_690] : memref<128x128xf32, #tpu.memory_space<vmem>> -> memref<64x128xf32, #tpu.memory_space<vmem>>
      %dma_wait3A_692 = arith.constant 0 : i32
      %dma_wait3A_693 = arith.constant 0 : i32
      %dma_wait3A_694 = tpu.memref_slice %arg2[%dma_wait3A_692, %dma_wait3A_693] : memref<10240x128xf32, #tpu.memory_space<hbm>> -> memref<64x128xf32, #tpu.memory_space<hbm>>
      tpu.wait_dma2 semaphore(%arg21 : memref<!tpu.dma_semaphore, #tpu.memory_space<semaphore_mem>>) src(%dma_wait3A_694 : memref<64x128xf32, #tpu.memory_space<hbm>>) dst(%dma_wait3A_691 : memref<64x128xf32, #tpu.memory_space<vmem>>)
      %convert_element_type3A_695 = arith.extui %lt3A_575 : i1 to i32
      %cond3A_696 = arith.constant 0 : i32
      %cond3A_697 = arith.cmpi ne, %convert_element_type3A_695, %cond3A_696 : i32
      scf.if %cond3A_697 {
        %get3A_815 = arith.constant 0 : i32
        %get3A_816 = arith.index_cast %get3A_815 : i32 to index
        %get3A_817 = arith.constant 0 : index
        %get3A_818 = tpu.vector_load %arg5[%get3A_816, %get3A_817] {strides = array<i32>} : memref<8x128xi32, #tpu.memory_space<vmem>>, vector<1x16xi32>,
        %get3A_819 = vector.shape_cast %get3A_818 : vector<1x16xi32> to vector<16xi32>
        %swap3A_820 = arith.constant 0 : index
        %swap3A_821 = tpu.vector_load %arg15[%swap3A_820] {strides = array<i32>} : memref<128xi32, #tpu.memory_space<vmem>>, vector<16xi32>,
        %swap3A_822 = vector.shape_cast %swap3A_821 : vector<16xi32> to vector<16xi32>
        %swap3A_823 = vector.shape_cast %get3A_819 : vector<16xi32> to vector<16xi32>
        tpu.vector_store %arg15[%swap3A_820], %swap3A_823 {strides = array<i32>} : memref<128xi32, #tpu.memory_space<vmem>>, vector<16xi32>,
        %get3A_824 = arith.constant 0 : i32
        %get3A_825 = arith.index_cast %get3A_824 : i32 to index
        %get3A_826 = arith.constant 16 : index
        %get3A_827 = tpu.vector_load %arg5[%get3A_825, %get3A_826] {strides = array<i32>} : memref<8x128xi32, #tpu.memory_space<vmem>>, vector<1x16xi32>,
        %get3A_828 = vector.shape_cast %get3A_827 : vector<1x16xi32> to vector<16xi32>
        %swap3A_829 = arith.constant 16 : index
        %swap3A_830 = tpu.vector_load %arg15[%swap3A_829] {strides = array<i32>} : memref<128xi32, #tpu.memory_space<vmem>>, vector<16xi32>,
        %swap3A_831 = vector.shape_cast %swap3A_830 : vector<16xi32> to vector<16xi32>
        %swap3A_832 = vector.shape_cast %get3A_828 : vector<16xi32> to vector<16xi32>
        tpu.vector_store %arg15[%swap3A_829], %swap3A_832 {strides = array<i32>} : memref<128xi32, #tpu.memory_space<vmem>>, vector<16xi32>,
        %get3A_833 = arith.constant 0 : i32
        %get3A_834 = arith.index_cast %get3A_833 : i32 to index
        %get3A_835 = arith.constant 32 : index
        %get3A_836 = tpu.vector_load %arg5[%get3A_834, %get3A_835] {strides = array<i32>} : memref<8x128xi32, #tpu.memory_space<vmem>>, vector<1x16xi32>,
        %get3A_837 = vector.shape_cast %get3A_836 : vector<1x16xi32> to vector<16xi32>
        %swap3A_838 = arith.constant 32 : index
        %swap3A_839 = tpu.vector_load %arg15[%swap3A_838] {strides = array<i32>} : memref<128xi32, #tpu.memory_space<vmem>>, vector<16xi32>,
        %swap3A_840 = vector.shape_cast %swap3A_839 : vector<16xi32> to vector<16xi32>
        %swap3A_841 = vector.shape_cast %get3A_837 : vector<16xi32> to vector<16xi32>
        tpu.vector_store %arg15[%swap3A_838], %swap3A_841 {strides = array<i32>} : memref<128xi32, #tpu.memory_space<vmem>>, vector<16xi32>,
        %get3A_842 = arith.constant 0 : i32
        %get3A_843 = arith.index_cast %get3A_842 : i32 to index
        %get3A_844 = arith.constant 48 : index
        %get3A_845 = tpu.vector_load %arg5[%get3A_843, %get3A_844] {strides = array<i32>} : memref<8x128xi32, #tpu.memory_space<vmem>>, vector<1x16xi32>,
        %get3A_846 = vector.shape_cast %get3A_845 : vector<1x16xi32> to vector<16xi32>
        %swap3A_847 = arith.constant 48 : index
        %swap3A_848 = tpu.vector_load %arg15[%swap3A_847] {strides = array<i32>} : memref<128xi32, #tpu.memory_space<vmem>>, vector<16xi32>,
        %swap3A_849 = vector.shape_cast %swap3A_848 : vector<16xi32> to vector<16xi32>
        %swap3A_850 = vector.shape_cast %get3A_846 : vector<16xi32> to vector<16xi32>
        tpu.vector_store %arg15[%swap3A_847], %swap3A_850 {strides = array<i32>} : memref<128xi32, #tpu.memory_space<vmem>>, vector<16xi32>,
        %get3A_851 = arith.constant 0 : i32
        %get3A_852 = arith.index_cast %get3A_851 : i32 to index
        %get3A_853 = arith.constant 64 : index
        %get3A_854 = tpu.vector_load %arg5[%get3A_852, %get3A_853] {strides = array<i32>} : memref<8x128xi32, #tpu.memory_space<vmem>>, vector<1x16xi32>,
        %get3A_855 = vector.shape_cast %get3A_854 : vector<1x16xi32> to vector<16xi32>
        %swap3A_856 = arith.constant 64 : index
        %swap3A_857 = tpu.vector_load %arg15[%swap3A_856] {strides = array<i32>} : memref<128xi32, #tpu.memory_space<vmem>>, vector<16xi32>,
        %swap3A_858 = vector.shape_cast %swap3A_857 : vector<16xi32> to vector<16xi32>
        %swap3A_859 = vector.shape_cast %get3A_855 : vector<16xi32> to vector<16xi32>
        tpu.vector_store %arg15[%swap3A_856], %swap3A_859 {strides = array<i32>} : memref<128xi32, #tpu.memory_space<vmem>>, vector<16xi32>,
        %get3A_860 = arith.constant 0 : i32
        %get3A_861 = arith.index_cast %get3A_860 : i32 to index
        %get3A_862 = arith.constant 80 : index
        %get3A_863 = tpu.vector_load %arg5[%get3A_861, %get3A_862] {strides = array<i32>} : memref<8x128xi32, #tpu.memory_space<vmem>>, vector<1x16xi32>,
        %get3A_864 = vector.shape_cast %get3A_863 : vector<1x16xi32> to vector<16xi32>
        %swap3A_865 = arith.constant 80 : index
        %swap3A_866 = tpu.vector_load %arg15[%swap3A_865] {strides = array<i32>} : memref<128xi32, #tpu.memory_space<vmem>>, vector<16xi32>,
        %swap3A_867 = vector.shape_cast %swap3A_866 : vector<16xi32> to vector<16xi32>
        %swap3A_868 = vector.shape_cast %get3A_864 : vector<16xi32> to vector<16xi32>
        tpu.vector_store %arg15[%swap3A_865], %swap3A_868 {strides = array<i32>} : memref<128xi32, #tpu.memory_space<vmem>>, vector<16xi32>,
        %get3A_869 = arith.constant 0 : i32
        %get3A_870 = arith.index_cast %get3A_869 : i32 to index
        %get3A_871 = arith.constant 96 : index
        %get3A_872 = tpu.vector_load %arg5[%get3A_870, %get3A_871] {strides = array<i32>} : memref<8x128xi32, #tpu.memory_space<vmem>>, vector<1x16xi32>,
        %get3A_873 = vector.shape_cast %get3A_872 : vector<1x16xi32> to vector<16xi32>
        %swap3A_874 = arith.constant 96 : index
        %swap3A_875 = tpu.vector_load %arg15[%swap3A_874] {strides = array<i32>} : memref<128xi32, #tpu.memory_space<vmem>>, vector<16xi32>,
        %swap3A_876 = vector.shape_cast %swap3A_875 : vector<16xi32> to vector<16xi32>
        %swap3A_877 = vector.shape_cast %get3A_873 : vector<16xi32> to vector<16xi32>
        tpu.vector_store %arg15[%swap3A_874], %swap3A_877 {strides = array<i32>} : memref<128xi32, #tpu.memory_space<vmem>>, vector<16xi32>,
        %get3A_878 = arith.constant 0 : i32
        %get3A_879 = arith.index_cast %get3A_878 : i32 to index
        %get3A_880 = arith.constant 112 : index
        %get3A_881 = tpu.vector_load %arg5[%get3A_879, %get3A_880] {strides = array<i32>} : memref<8x128xi32, #tpu.memory_space<vmem>>, vector<1x16xi32>,
        %get3A_882 = vector.shape_cast %get3A_881 : vector<1x16xi32> to vector<16xi32>
        %swap3A_883 = arith.constant 112 : index
        %swap3A_884 = tpu.vector_load %arg15[%swap3A_883] {strides = array<i32>} : memref<128xi32, #tpu.memory_space<vmem>>, vector<16xi32>,
        %swap3A_885 = vector.shape_cast %swap3A_884 : vector<16xi32> to vector<16xi32>
        %swap3A_886 = vector.shape_cast %get3A_882 : vector<16xi32> to vector<16xi32>
        tpu.vector_store %arg15[%swap3A_883], %swap3A_886 {strides = array<i32>} : memref<128xi32, #tpu.memory_space<vmem>>, vector<16xi32>,
        %dma_start3A_887 = arith.constant 0 : i32
        %dma_start3A_888 = arith.constant 0 : i32
        %dma_start3A_889 = tpu.memref_slice %arg2[%dma_start3A_887, %dma_start3A_888] : memref<10240x128xf32, #tpu.memory_space<hbm>> -> memref<10240x128xf32, #tpu.memory_space<hbm>>
        tpu.enqueue_indirect_dma source(%dma_start3A_889 : memref<10240x128xf32, #tpu.memory_space<hbm>>) target(%arg9 : memref<128x128xf32, #tpu.memory_space<vmem>>) offsets(%arg15 : memref<128xi32, #tpu.memory_space<vmem>>) semaphore(%arg18 : memref<!tpu.dma_semaphore, #tpu.memory_space<semaphore_mem>>)
      } else {
      }
      %dma_wait3A_698 = arith.constant 0 : i32
      %dma_wait3A_699 = arith.constant 0 : i32
      %dma_wait3A_700 = tpu.memref_slice %arg2[%dma_wait3A_698, %dma_wait3A_699] : memref<10240x128xf32, #tpu.memory_space<hbm>> -> memref<128x128xf32, #tpu.memory_space<hbm>>
      %dma_wait3A_701 = arith.constant 0 : i32
      %dma_wait3A_702 = arith.constant 0 : i32
      %dma_wait3A_703 = tpu.memref_slice %arg2[%dma_wait3A_701, %dma_wait3A_702] : memref<10240x128xf32, #tpu.memory_space<hbm>> -> memref<128x128xf32, #tpu.memory_space<hbm>>
      tpu.wait_dma2 semaphore(%arg19 : memref<!tpu.dma_semaphore, #tpu.memory_space<semaphore_mem>>) src(%dma_wait3A_703 : memref<128x128xf32, #tpu.memory_space<hbm>>) dst(%arg10 : memref<128x128xf32, #tpu.memory_space<vmem>>)
      %get3A_704 = arith.constant 7 : i32
      %get3A_705 = arith.index_cast %get3A_704 : i32 to index
      %get3A_706 = arith.constant 0 : index
      %get3A_707 = tpu.vector_load %arg8[%get3A_705, %get3A_706] {strides = array<i32>} : memref<8x128xi32, #tpu.memory_space<vmem>>, vector<1x16xi32>,
      %get3A_708 = vector.shape_cast %get3A_707 : vector<1x16xi32> to vector<16xi32>
      %swap3A_709 = arith.constant 0 : index
      %swap3A_710 = tpu.vector_load %arg13[%swap3A_709] {strides = array<i32>} : memref<64xi32, #tpu.memory_space<vmem>>, vector<16xi32>,
      %swap3A_711 = vector.shape_cast %swap3A_710 : vector<16xi32> to vector<16xi32>
      %swap3A_712 = vector.shape_cast %get3A_708 : vector<16xi32> to vector<16xi32>
      tpu.vector_store %arg13[%swap3A_709], %swap3A_712 {strides = array<i32>} : memref<64xi32, #tpu.memory_space<vmem>>, vector<16xi32>,
      %get3A_713 = arith.constant 7 : i32
      %get3A_714 = arith.index_cast %get3A_713 : i32 to index
      %get3A_715 = arith.constant 64 : index
      %get3A_716 = tpu.vector_load %arg8[%get3A_714, %get3A_715] {strides = array<i32>} : memref<8x128xi32, #tpu.memory_space<vmem>>, vector<1x16xi32>,
      %get3A_717 = vector.shape_cast %get3A_716 : vector<1x16xi32> to vector<16xi32>
      %swap3A_718 = arith.constant 0 : index
      %swap3A_719 = tpu.vector_load %arg14[%swap3A_718] {strides = array<i32>} : memref<64xi32, #tpu.memory_space<vmem>>, vector<16xi32>,
      %swap3A_720 = vector.shape_cast %swap3A_719 : vector<16xi32> to vector<16xi32>
      %swap3A_721 = vector.shape_cast %get3A_717 : vector<16xi32> to vector<16xi32>
      tpu.vector_store %arg14[%swap3A_718], %swap3A_721 {strides = array<i32>} : memref<64xi32, #tpu.memory_space<vmem>>, vector<16xi32>,
      %get3A_722 = arith.constant 7 : i32
      %get3A_723 = arith.index_cast %get3A_722 : i32 to index
      %get3A_724 = arith.constant 16 : index
      %get3A_725 = tpu.vector_load %arg8[%get3A_723, %get3A_724] {strides = array<i32>} : memref<8x128xi32, #tpu.memory_space<vmem>>, vector<1x16xi32>,
      %get3A_726 = vector.shape_cast %get3A_725 : vector<1x16xi32> to vector<16xi32>
      %swap3A_727 = arith.constant 16 : index
      %swap3A_728 = tpu.vector_load %arg13[%swap3A_727] {strides = array<i32>} : memref<64xi32, #tpu.memory_space<vmem>>, vector<16xi32>,
      %swap3A_729 = vector.shape_cast %swap3A_728 : vector<16xi32> to vector<16xi32>
      %swap3A_730 = vector.shape_cast %get3A_726 : vector<16xi32> to vector<16xi32>
      tpu.vector_store %arg13[%swap3A_727], %swap3A_730 {strides = array<i32>} : memref<64xi32, #tpu.memory_space<vmem>>, vector<16xi32>,
      %get3A_731 = arith.constant 7 : i32
      %get3A_732 = arith.index_cast %get3A_731 : i32 to index
      %get3A_733 = arith.constant 80 : index
      %get3A_734 = tpu.vector_load %arg8[%get3A_732, %get3A_733] {strides = array<i32>} : memref<8x128xi32, #tpu.memory_space<vmem>>, vector<1x16xi32>,
      %get3A_735 = vector.shape_cast %get3A_734 : vector<1x16xi32> to vector<16xi32>
      %swap3A_736 = arith.constant 16 : index
      %swap3A_737 = tpu.vector_load %arg14[%swap3A_736] {strides = array<i32>} : memref<64xi32, #tpu.memory_space<vmem>>, vector<16xi32>,
      %swap3A_738 = vector.shape_cast %swap3A_737 : vector<16xi32> to vector<16xi32>
      %swap3A_739 = vector.shape_cast %get3A_735 : vector<16xi32> to vector<16xi32>
      tpu.vector_store %arg14[%swap3A_736], %swap3A_739 {strides = array<i32>} : memref<64xi32, #tpu.memory_space<vmem>>, vector<16xi32>,
      %get3A_740 = arith.constant 7 : i32
      %get3A_741 = arith.index_cast %get3A_740 : i32 to index
      %get3A_742 = arith.constant 32 : index
      %get3A_743 = tpu.vector_load %arg8[%get3A_741, %get3A_742] {strides = array<i32>} : memref<8x128xi32, #tpu.memory_space<vmem>>, vector<1x16xi32>,
      %get3A_744 = vector.shape_cast %get3A_743 : vector<1x16xi32> to vector<16xi32>
      %swap3A_745 = arith.constant 32 : index
      %swap3A_746 = tpu.vector_load %arg13[%swap3A_745] {strides = array<i32>} : memref<64xi32, #tpu.memory_space<vmem>>, vector<16xi32>,
      %swap3A_747 = vector.shape_cast %swap3A_746 : vector<16xi32> to vector<16xi32>
      %swap3A_748 = vector.shape_cast %get3A_744 : vector<16xi32> to vector<16xi32>
      tpu.vector_store %arg13[%swap3A_745], %swap3A_748 {strides = array<i32>} : memref<64xi32, #tpu.memory_space<vmem>>, vector<16xi32>,
      %get3A_749 = arith.constant 7 : i32
      %get3A_750 = arith.index_cast %get3A_749 : i32 to index
      %get3A_751 = arith.constant 96 : index
      %get3A_752 = tpu.vector_load %arg8[%get3A_750, %get3A_751] {strides = array<i32>} : memref<8x128xi32, #tpu.memory_space<vmem>>, vector<1x16xi32>,
      %get3A_753 = vector.shape_cast %get3A_752 : vector<1x16xi32> to vector<16xi32>
      %swap3A_754 = arith.constant 32 : index
      %swap3A_755 = tpu.vector_load %arg14[%swap3A_754] {strides = array<i32>} : memref<64xi32, #tpu.memory_space<vmem>>, vector<16xi32>,
      %swap3A_756 = vector.shape_cast %swap3A_755 : vector<16xi32> to vector<16xi32>
      %swap3A_757 = vector.shape_cast %get3A_753 : vector<16xi32> to vector<16xi32>
      tpu.vector_store %arg14[%swap3A_754], %swap3A_757 {strides = array<i32>} : memref<64xi32, #tpu.memory_space<vmem>>, vector<16xi32>,
      %get3A_758 = arith.constant 7 : i32
      %get3A_759 = arith.index_cast %get3A_758 : i32 to index
      %get3A_760 = arith.constant 48 : index
      %get3A_761 = tpu.vector_load %arg8[%get3A_759, %get3A_760] {strides = array<i32>} : memref<8x128xi32, #tpu.memory_space<vmem>>, vector<1x16xi32>,
      %get3A_762 = vector.shape_cast %get3A_761 : vector<1x16xi32> to vector<16xi32>
      %swap3A_763 = arith.constant 48 : index
      %swap3A_764 = tpu.vector_load %arg13[%swap3A_763] {strides = array<i32>} : memref<64xi32, #tpu.memory_space<vmem>>, vector<16xi32>,
      %swap3A_765 = vector.shape_cast %swap3A_764 : vector<16xi32> to vector<16xi32>
      %swap3A_766 = vector.shape_cast %get3A_762 : vector<16xi32> to vector<16xi32>
      tpu.vector_store %arg13[%swap3A_763], %swap3A_766 {strides = array<i32>} : memref<64xi32, #tpu.memory_space<vmem>>, vector<16xi32>,
      %get3A_767 = arith.constant 7 : i32
      %get3A_768 = arith.index_cast %get3A_767 : i32 to index
      %get3A_769 = arith.constant 112 : index
      %get3A_770 = tpu.vector_load %arg8[%get3A_768, %get3A_769] {strides = array<i32>} : memref<8x128xi32, #tpu.memory_space<vmem>>, vector<1x16xi32>,
      %get3A_771 = vector.shape_cast %get3A_770 : vector<1x16xi32> to vector<16xi32>
      %swap3A_772 = arith.constant 48 : index
      %swap3A_773 = tpu.vector_load %arg14[%swap3A_772] {strides = array<i32>} : memref<64xi32, #tpu.memory_space<vmem>>, vector<16xi32>,
      %swap3A_774 = vector.shape_cast %swap3A_773 : vector<16xi32> to vector<16xi32>
      %swap3A_775 = vector.shape_cast %get3A_771 : vector<16xi32> to vector<16xi32>
      tpu.vector_store %arg14[%swap3A_772], %swap3A_775 {strides = array<i32>} : memref<64xi32, #tpu.memory_space<vmem>>, vector<16xi32>,
      %dma_start3A_776 = arith.constant 0 : i32
      %dma_start3A_777 = arith.constant 0 : i32
      %dma_start3A_778 = tpu.memref_slice %arg10[%dma_start3A_776, %dma_start3A_777] : memref<128x128xf32, #tpu.memory_space<vmem>> -> memref<64x128xf32, #tpu.memory_space<vmem>>
      %dma_start3A_779 = arith.constant 0 : i32
      %dma_start3A_780 = arith.constant 0 : i32
      %dma_start3A_781 = tpu.memref_slice %arg17[%dma_start3A_779, %dma_start3A_780] : memref<10240x128xf32, #tpu.memory_space<vmem_shared>> -> memref<10240x128xf32, #tpu.memory_space<vmem_shared>>
      tpu.enqueue_indirect_dma source(%dma_start3A_778 : memref<64x128xf32, #tpu.memory_space<vmem>>) target(%dma_start3A_781 : memref<10240x128xf32, #tpu.memory_space<vmem_shared>>) offsets(%arg13 : memref<64xi32, #tpu.memory_space<vmem>>) semaphore(%arg20 : memref<!tpu.dma_semaphore, #tpu.memory_space<semaphore_mem>>) {add = true}
      %dma_start3A_782 = arith.constant 64 : i32
      %dma_start3A_783 = arith.constant 0 : i32
      %dma_start3A_784 = tpu.memref_slice %arg10[%dma_start3A_782, %dma_start3A_783] : memref<128x128xf32, #tpu.memory_space<vmem>> -> memref<64x128xf32, #tpu.memory_space<vmem>>
      %dma_start3A_785 = arith.constant 0 : i32
      %dma_start3A_786 = arith.constant 0 : i32
      %dma_start3A_787 = tpu.memref_slice %arg17[%dma_start3A_785, %dma_start3A_786] : memref<10240x128xf32, #tpu.memory_space<vmem_shared>> -> memref<10240x128xf32, #tpu.memory_space<vmem_shared>>
      tpu.enqueue_indirect_dma source(%dma_start3A_784 : memref<64x128xf32, #tpu.memory_space<vmem>>) target(%dma_start3A_787 : memref<10240x128xf32, #tpu.memory_space<vmem_shared>>) offsets(%arg14 : memref<64xi32, #tpu.memory_space<vmem>>) semaphore(%arg21 : memref<!tpu.dma_semaphore, #tpu.memory_space<semaphore_mem>>) {add = true}
      %dma_wait3A_788 = arith.constant 0 : i32
      %dma_wait3A_789 = arith.constant 0 : i32
      %dma_wait3A_790 = tpu.memref_slice %arg10[%dma_wait3A_788, %dma_wait3A_789] : memref<128x128xf32, #tpu.memory_space<vmem>> -> memref<64x128xf32, #tpu.memory_space<vmem>>
      %dma_wait3A_791 = arith.constant 0 : i32
      %dma_wait3A_792 = arith.constant 0 : i32
      %dma_wait3A_793 = tpu.memref_slice %arg2[%dma_wait3A_791, %dma_wait3A_792] : memref<10240x128xf32, #tpu.memory_space<hbm>> -> memref<64x128xf32, #tpu.memory_space<hbm>>
      %dma_wait3A_794 = arith.constant 0 : i32
      %dma_wait3A_795 = arith.constant 0 : i32
      %dma_wait3A_796 = tpu.memref_slice %arg10[%dma_wait3A_794, %dma_wait3A_795] : memref<128x128xf32, #tpu.memory_space<vmem>> -> memref<64x128xf32, #tpu.memory_space<vmem>>
      %dma_wait3A_797 = arith.constant 0 : i32
      %dma_wait3A_798 = arith.constant 0 : i32
      %dma_wait3A_799 = tpu.memref_slice %arg2[%dma_wait3A_797, %dma_wait3A_798] : memref<10240x128xf32, #tpu.memory_space<hbm>> -> memref<64x128xf32, #tpu.memory_space<hbm>>
      tpu.wait_dma2 semaphore(%arg20 : memref<!tpu.dma_semaphore, #tpu.memory_space<semaphore_mem>>) src(%dma_wait3A_799 : memref<64x128xf32, #tpu.memory_space<hbm>>) dst(%dma_wait3A_796 : memref<64x128xf32, #tpu.memory_space<vmem>>)
      %dma_wait3A_800 = arith.constant 64 : i32
      %dma_wait3A_801 = arith.constant 0 : i32
      %dma_wait3A_802 = tpu.memref_slice %arg10[%dma_wait3A_800, %dma_wait3A_801] : memref<128x128xf32, #tpu.memory_space<vmem>> -> memref<64x128xf32, #tpu.memory_space<vmem>>
      %dma_wait3A_803 = arith.constant 0 : i32
      %dma_wait3A_804 = arith.constant 0 : i32
      %dma_wait3A_805 = tpu.memref_slice %arg2[%dma_wait3A_803, %dma_wait3A_804] : memref<10240x128xf32, #tpu.memory_space<hbm>> -> memref<64x128xf32, #tpu.memory_space<hbm>>
      %dma_wait3A_806 = arith.constant 64 : i32
      %dma_wait3A_807 = arith.constant 0 : i32
      %dma_wait3A_808 = tpu.memref_slice %arg10[%dma_wait3A_806, %dma_wait3A_807] : memref<128x128xf32, #tpu.memory_space<vmem>> -> memref<64x128xf32, #tpu.memory_space<vmem>>
      %dma_wait3A_809 = arith.constant 0 : i32
      %dma_wait3A_810 = arith.constant 0 : i32
      %dma_wait3A_811 = tpu.memref_slice %arg2[%dma_wait3A_809, %dma_wait3A_810] : memref<10240x128xf32, #tpu.memory_space<hbm>> -> memref<64x128xf32, #tpu.memory_space<hbm>>
      tpu.wait_dma2 semaphore(%arg21 : memref<!tpu.dma_semaphore, #tpu.memory_space<semaphore_mem>>) src(%dma_wait3A_811 : memref<64x128xf32, #tpu.memory_space<hbm>>) dst(%dma_wait3A_808 : memref<64x128xf32, #tpu.memory_space<vmem>>)
      %convert_element_type3A_812 = arith.extui %lt3A_575 : i1 to i32
      %cond3A_813 = arith.constant 0 : i32
      %cond3A_814 = arith.cmpi ne, %convert_element_type3A_812, %cond3A_813 : i32
      scf.if %cond3A_814 {
        %get3A_815 = arith.constant 1 : i32
        %get3A_816 = arith.index_cast %get3A_815 : i32 to index
        %get3A_817 = arith.constant 0 : index
        %get3A_818 = tpu.vector_load %arg5[%get3A_816, %get3A_817] {strides = array<i32>} : memref<8x128xi32, #tpu.memory_space<vmem>>, vector<1x16xi32>,
        %get3A_819 = vector.shape_cast %get3A_818 : vector<1x16xi32> to vector<16xi32>
        %swap3A_820 = arith.constant 0 : index
        %swap3A_821 = tpu.vector_load %arg16[%swap3A_820] {strides = array<i32>} : memref<128xi32, #tpu.memory_space<vmem>>, vector<16xi32>,
        %swap3A_822 = vector.shape_cast %swap3A_821 : vector<16xi32> to vector<16xi32>
        %swap3A_823 = vector.shape_cast %get3A_819 : vector<16xi32> to vector<16xi32>
        tpu.vector_store %arg16[%swap3A_820], %swap3A_823 {strides = array<i32>} : memref<128xi32, #tpu.memory_space<vmem>>, vector<16xi32>,
        %get3A_824 = arith.constant 1 : i32
        %get3A_825 = arith.index_cast %get3A_824 : i32 to index
        %get3A_826 = arith.constant 16 : index
        %get3A_827 = tpu.vector_load %arg5[%get3A_825, %get3A_826] {strides = array<i32>} : memref<8x128xi32, #tpu.memory_space<vmem>>, vector<1x16xi32>,
        %get3A_828 = vector.shape_cast %get3A_827 : vector<1x16xi32> to vector<16xi32>
        %swap3A_829 = arith.constant 16 : index
        %swap3A_830 = tpu.vector_load %arg16[%swap3A_829] {strides = array<i32>} : memref<128xi32, #tpu.memory_space<vmem>>, vector<16xi32>,
        %swap3A_831 = vector.shape_cast %swap3A_830 : vector<16xi32> to vector<16xi32>
        %swap3A_832 = vector.shape_cast %get3A_828 : vector<16xi32> to vector<16xi32>
        tpu.vector_store %arg16[%swap3A_829], %swap3A_832 {strides = array<i32>} : memref<128xi32, #tpu.memory_space<vmem>>, vector<16xi32>,
        %get3A_833 = arith.constant 1 : i32
        %get3A_834 = arith.index_cast %get3A_833 : i32 to index
        %get3A_835 = arith.constant 32 : index
        %get3A_836 = tpu.vector_load %arg5[%get3A_834, %get3A_835] {strides = array<i32>} : memref<8x128xi32, #tpu.memory_space<vmem>>, vector<1x16xi32>,
        %get3A_837 = vector.shape_cast %get3A_836 : vector<1x16xi32> to vector<16xi32>
        %swap3A_838 = arith.constant 32 : index
        %swap3A_839 = tpu.vector_load %arg16[%swap3A_838] {strides = array<i32>} : memref<128xi32, #tpu.memory_space<vmem>>, vector<16xi32>,
        %swap3A_840 = vector.shape_cast %swap3A_839 : vector<16xi32> to vector<16xi32>
        %swap3A_841 = vector.shape_cast %get3A_837 : vector<16xi32> to vector<16xi32>
        tpu.vector_store %arg16[%swap3A_838], %swap3A_841 {strides = array<i32>} : memref<128xi32, #tpu.memory_space<vmem>>, vector<16xi32>,
        %get3A_842 = arith.constant 1 : i32
        %get3A_843 = arith.index_cast %get3A_842 : i32 to index
        %get3A_844 = arith.constant 48 : index
        %get3A_845 = tpu.vector_load %arg5[%get3A_843, %get3A_844] {strides = array<i32>} : memref<8x128xi32, #tpu.memory_space<vmem>>, vector<1x16xi32>,
        %get3A_846 = vector.shape_cast %get3A_845 : vector<1x16xi32> to vector<16xi32>
        %swap3A_847 = arith.constant 48 : index
        %swap3A_848 = tpu.vector_load %arg16[%swap3A_847] {strides = array<i32>} : memref<128xi32, #tpu.memory_space<vmem>>, vector<16xi32>,
        %swap3A_849 = vector.shape_cast %swap3A_848 : vector<16xi32> to vector<16xi32>
        %swap3A_850 = vector.shape_cast %get3A_846 : vector<16xi32> to vector<16xi32>
        tpu.vector_store %arg16[%swap3A_847], %swap3A_850 {strides = array<i32>} : memref<128xi32, #tpu.memory_space<vmem>>, vector<16xi32>,
        %get3A_851 = arith.constant 1 : i32
        %get3A_852 = arith.index_cast %get3A_851 : i32 to index
        %get3A_853 = arith.constant 64 : index
        %get3A_854 = tpu.vector_load %arg5[%get3A_852, %get3A_853] {strides = array<i32>} : memref<8x128xi32, #tpu.memory_space<vmem>>, vector<1x16xi32>,
        %get3A_855 = vector.shape_cast %get3A_854 : vector<1x16xi32> to vector<16xi32>
        %swap3A_856 = arith.constant 64 : index
        %swap3A_857 = tpu.vector_load %arg16[%swap3A_856] {strides = array<i32>} : memref<128xi32, #tpu.memory_space<vmem>>, vector<16xi32>,
        %swap3A_858 = vector.shape_cast %swap3A_857 : vector<16xi32> to vector<16xi32>
        %swap3A_859 = vector.shape_cast %get3A_855 : vector<16xi32> to vector<16xi32>
        tpu.vector_store %arg16[%swap3A_856], %swap3A_859 {strides = array<i32>} : memref<128xi32, #tpu.memory_space<vmem>>, vector<16xi32>,
        %get3A_860 = arith.constant 1 : i32
        %get3A_861 = arith.index_cast %get3A_860 : i32 to index
        %get3A_862 = arith.constant 80 : index
        %get3A_863 = tpu.vector_load %arg5[%get3A_861, %get3A_862] {strides = array<i32>} : memref<8x128xi32, #tpu.memory_space<vmem>>, vector<1x16xi32>,
        %get3A_864 = vector.shape_cast %get3A_863 : vector<1x16xi32> to vector<16xi32>
        %swap3A_865 = arith.constant 80 : index
        %swap3A_866 = tpu.vector_load %arg16[%swap3A_865] {strides = array<i32>} : memref<128xi32, #tpu.memory_space<vmem>>, vector<16xi32>,
        %swap3A_867 = vector.shape_cast %swap3A_866 : vector<16xi32> to vector<16xi32>
        %swap3A_868 = vector.shape_cast %get3A_864 : vector<16xi32> to vector<16xi32>
        tpu.vector_store %arg16[%swap3A_865], %swap3A_868 {strides = array<i32>} : memref<128xi32, #tpu.memory_space<vmem>>, vector<16xi32>,
        %get3A_869 = arith.constant 1 : i32
        %get3A_870 = arith.index_cast %get3A_869 : i32 to index
        %get3A_871 = arith.constant 96 : index
        %get3A_872 = tpu.vector_load %arg5[%get3A_870, %get3A_871] {strides = array<i32>} : memref<8x128xi32, #tpu.memory_space<vmem>>, vector<1x16xi32>,
        %get3A_873 = vector.shape_cast %get3A_872 : vector<1x16xi32> to vector<16xi32>
        %swap3A_874 = arith.constant 96 : index
        %swap3A_875 = tpu.vector_load %arg16[%swap3A_874] {strides = array<i32>} : memref<128xi32, #tpu.memory_space<vmem>>, vector<16xi32>,
        %swap3A_876 = vector.shape_cast %swap3A_875 : vector<16xi32> to vector<16xi32>
        %swap3A_877 = vector.shape_cast %get3A_873 : vector<16xi32> to vector<16xi32>
        tpu.vector_store %arg16[%swap3A_874], %swap3A_877 {strides = array<i32>} : memref<128xi32, #tpu.memory_space<vmem>>, vector<16xi32>,
        %get3A_878 = arith.constant 1 : i32
        %get3A_879 = arith.index_cast %get3A_878 : i32 to index
        %get3A_880 = arith.constant 112 : index
        %get3A_881 = tpu.vector_load %arg5[%get3A_879, %get3A_880] {strides = array<i32>} : memref<8x128xi32, #tpu.memory_space<vmem>>, vector<1x16xi32>,
        %get3A_882 = vector.shape_cast %get3A_881 : vector<1x16xi32> to vector<16xi32>
        %swap3A_883 = arith.constant 112 : index
        %swap3A_884 = tpu.vector_load %arg16[%swap3A_883] {strides = array<i32>} : memref<128xi32, #tpu.memory_space<vmem>>, vector<16xi32>,
        %swap3A_885 = vector.shape_cast %swap3A_884 : vector<16xi32> to vector<16xi32>
        %swap3A_886 = vector.shape_cast %get3A_882 : vector<16xi32> to vector<16xi32>
        tpu.vector_store %arg16[%swap3A_883], %swap3A_886 {strides = array<i32>} : memref<128xi32, #tpu.memory_space<vmem>>, vector<16xi32>,
        %dma_start3A_887 = arith.constant 0 : i32
        %dma_start3A_888 = arith.constant 0 : i32
        %dma_start3A_889 = tpu.memref_slice %arg2[%dma_start3A_887, %dma_start3A_888] : memref<10240x128xf32, #tpu.memory_space<hbm>> -> memref<10240x128xf32, #tpu.memory_space<hbm>>
        tpu.enqueue_indirect_dma source(%dma_start3A_889 : memref<10240x128xf32, #tpu.memory_space<hbm>>) target(%arg10 : memref<128x128xf32, #tpu.memory_space<vmem>>) offsets(%arg16 : memref<128xi32, #tpu.memory_space<vmem>>) semaphore(%arg19 : memref<!tpu.dma_semaphore, #tpu.memory_space<semaphore_mem>>)
      } else {
      }
    }
    %scan3A_171 = arith.constant 5 : i32
    %barrier3A_172 = arith.constant 0 : index
    tpu.barrier barrier_id(%barrier3A_172)
    "tpu.region"() ({
      %run_scoped3A = tpu.sem_alloc : memref<!tpu.dma_semaphore, #tpu.memory_space<semaphore_mem>>
      %dma_start3A_173 = arith.constant 0 : i32
      %dma_start3A_174 = arith.constant 0 : i32
      %dma_start3A_175 = tpu.memref_slice %arg4[%arg0, %dma_start3A_173, %dma_start3A_174] : memref<2x10240x128xf32, #tpu.memory_space<hbm>> -> memref<1x10240x128xf32, #tpu.memory_space<hbm>>
      %dma_start3A_176 = tpu.memref_squeeze %dma_start3A_175 : memref<1x10240x128xf32, #tpu.memory_space<hbm>> -> memref<10240x128xf32, #tpu.memory_space<hbm>>
      %dma_start3A_177 = arith.constant 0 : i32
      %dma_start3A_178 = tpu.memref_slice %dma_start3A_176[%mul3A_0, %dma_start3A_177] : memref<10240x128xf32, #tpu.memory_space<hbm>> -> memref<640x128xf32, #tpu.memory_space<hbm>>
      %dma_start3A_179 = arith.constant 0 : i32
      %dma_start3A_180 = tpu.memref_slice %arg17[%mul3A_0, %dma_start3A_179] : memref<10240x128xf32, #tpu.memory_space<vmem_shared>> -> memref<640x128xf32, #tpu.memory_space<vmem_shared>>
      tpu.enqueue_dma source(%dma_start3A_180 : memref<640x128xf32, #tpu.memory_space<vmem_shared>>) target(%dma_start3A_178 : memref<640x128xf32, #tpu.memory_space<hbm>>) target_semaphore(%run_scoped3A : memref<!tpu.dma_semaphore, #tpu.memory_space<semaphore_mem>>)
      %dma_wait3A = arith.constant 0 : i32
      %dma_wait3A_181 = arith.constant 0 : i32
      %dma_wait3A_182 = tpu.memref_slice %arg4[%arg0, %dma_wait3A, %dma_wait3A_181] : memref<2x10240x128xf32, #tpu.memory_space<hbm>> -> memref<1x10240x128xf32, #tpu.memory_space<hbm>>
      %dma_wait3A_183 = tpu.memref_squeeze %dma_wait3A_182 : memref<1x10240x128xf32, #tpu.memory_space<hbm>> -> memref<10240x128xf32, #tpu.memory_space<hbm>>
      %dma_wait3A_184 = arith.constant 0 : i32
      %dma_wait3A_185 = tpu.memref_slice %dma_wait3A_183[%mul3A_0, %dma_wait3A_184] : memref<10240x128xf32, #tpu.memory_space<hbm>> -> memref<640x128xf32, #tpu.memory_space<hbm>>
      %dma_wait3A_186 = arith.constant 0 : i32
      %dma_wait3A_187 = tpu.memref_slice %arg17[%mul3A_0, %dma_wait3A_186] : memref<10240x128xf32, #tpu.memory_space<vmem_shared>> -> memref<640x128xf32, #tpu.memory_space<vmem_shared>>
      tpu.wait_dma2 semaphore(%run_scoped3A : memref<!tpu.dma_semaphore, #tpu.memory_space<semaphore_mem>>) src(%dma_wait3A_187 : memref<640x128xf32, #tpu.memory_space<vmem_shared>>) dst(%dma_wait3A_185 : memref<640x128xf32, #tpu.memory_space<hbm>>)
      tpu.yield
    }) : () -> ()
    return
  }
}

module attributes {stable_mosaic.version = 14 : i64} {
  func.func @_mm_body(%arg0: i32, %arg1: memref<1024x128xf32, #tpu.memory_space<vmem>>, %arg2: memref<128x128xf32, #tpu.memory_space<vmem>>, %arg3: memref<1x128xf32, #tpu.memory_space<vmem>>, %arg4: memref<1024x128xf32, #tpu.memory_space<vmem>>) attributes {dimension_semantics = [#tpu.dimension_semantics<arbitrary>], iteration_bounds = array<i64: 10>, scalar_prefetch = 0 : i64, scratch_operands = 0 : i64, tpu.core_type = #tpu.core_type<tc>, window_params = [{transform_indices = @transform_0, window_bounds = array<i64: 1024, 128>}, {pipeline_mode = #tpu.pipeline_mode<synchronous>, transform_indices = @transform_1, window_bounds = array<i64: 128, 128>}, {pipeline_mode = #tpu.pipeline_mode<synchronous>, transform_indices = @transform_2, window_bounds = array<i64: 1, 128>}, {transform_indices = @transform_3, window_bounds = array<i64: 1024, 128>}]} {
    %get3A = arith.constant 0 : index
    %get3A_0 = arith.constant 0 : index
    %get3A_1 = vector.load %arg1[%get3A, %get3A_0] : memref<1024x128xf32, #tpu.memory_space<vmem>>, vector<1024x128xf32>
    %get3A_2 = arith.constant 0 : index
    %get3A_3 = arith.constant 0 : index
    %get3A_4 = vector.load %arg2[%get3A_2, %get3A_3] : memref<128x128xf32, #tpu.memory_space<vmem>>, vector<128x128xf32>
    %dot_general3A = arith.constant dense<0.000000e+00> : vector<1024x128xf32>
    %dot_general3A_5 = tpu.matmul %get3A_1, %get3A_4, %dot_general3A {dimension_numbers = #tpu.dot_dimension_numbers<[1], [0], [0], [1], [0, 0, 1, 1], [], []>, transpose_lhs_hint = false} : vector<1024x128xf32>, vector<128x128xf32>, vector<1024x128xf32> -> vector<1024x128xf32>
    %get3A_6 = arith.constant 0 : index
    %get3A_7 = arith.constant 0 : index
    %get3A_8 = vector.load %arg3[%get3A_6, %get3A_7] : memref<1x128xf32, #tpu.memory_space<vmem>>, vector<1x128xf32>
    %add3A = vector.broadcast %get3A_8 : vector<1x128xf32> to vector<1024x128xf32>
    %add3A_9 = arith.addf %dot_general3A_5, %add3A : vector<1024x128xf32>
    %swap3A = arith.constant 0 : index
    %swap3A_10 = arith.constant 0 : index
    %swap3A_11 = vector.load %arg4[%swap3A, %swap3A_10] : memref<1024x128xf32, #tpu.memory_space<vmem>>, vector<1024x128xf32>
    tpu.vector_store %arg4[%swap3A, %swap3A_10], %add3A_9 {strides = array<i32>} : memref<1024x128xf32, #tpu.memory_space<vmem>>, vector<1024x128xf32>,
    return
  }
  func.func @transform_0(%arg0: i32) -> (i32, i32) {
    %c0_i32 = arith.constant 0 : i32
    %c0_i32_0 = arith.constant 0 : i32
    return %arg0, %c0_i32 : i32, i32
  }
  func.func @transform_1(%arg0: i32) -> (i32, i32) {
    %c0_i32 = arith.constant 0 : i32
    %c0_i32_0 = arith.constant 0 : i32
    %c0_i32_1 = arith.constant 0 : i32
    return %c0_i32, %c0_i32_0 : i32, i32
  }
  func.func @transform_2(%arg0: i32) -> (i32, i32) {
    %c0_i32 = arith.constant 0 : i32
    %c0_i32_0 = arith.constant 0 : i32
    %c0_i32_1 = arith.constant 0 : i32
    return %c0_i32, %c0_i32_0 : i32, i32
  }
  func.func @transform_3(%arg0: i32) -> (i32, i32) {
    %c0_i32 = arith.constant 0 : i32
    %c0_i32_0 = arith.constant 0 : i32
    return %arg0, %c0_i32 : i32, i32
  }
}

module attributes {stable_mosaic.version = 14 : i64} {
  func.func @_scale_body(%arg0: i32, %arg1: memref<1024x128xf32, #tpu.memory_space<vmem>>, %arg2: memref<32x1024xf32, #tpu.memory_space<vmem>>, %arg3: memref<1024x128xf32, #tpu.memory_space<vmem>>) attributes {dimension_semantics = [#tpu.dimension_semantics<arbitrary>], iteration_bounds = array<i64: 10>, scalar_prefetch = 0 : i64, scratch_operands = 0 : i64, tpu.core_type = #tpu.core_type<tc>, window_params = [{transform_indices = @transform_0, window_bounds = array<i64: 1024, 128>}, {transform_indices = @transform_1, window_bounds = array<i64: 32, 1024>}, {transform_indices = @transform_2, window_bounds = array<i64: 1024, 128>}]} {
    %get3A = arith.constant 0 : index
    %get3A_0 = arith.constant 0 : index
    %get3A_1 = vector.load %arg1[%get3A, %get3A_0] : memref<1024x128xf32, #tpu.memory_space<vmem>>, vector<1024x128xf32>
    %get3A_2 = arith.constant 0 : index
    %get3A_3 = arith.constant 0 : index
    %get3A_4 = vector.load %arg2[%get3A_2, %get3A_3] : memref<32x1024xf32, #tpu.memory_space<vmem>>, vector<32x1024xf32>
    %reduce_sum3A = arith.constant dense<0.000000e+00> : vector<1024xf32>
    %reduce_sum3A_5 = vector.multi_reduction <add>, %get3A_4, %reduce_sum3A [0] : vector<32x1024xf32> to vector<1024xf32>
    %broadcast_in_dim3A = vector.shape_cast %reduce_sum3A_5 : vector<1024xf32> to vector<1024x1xf32>
    %max3A = arith.constant 1.000000e+00 : f32
    %max3A_6 = vector.broadcast %max3A : f32 to vector<1024x1xf32>
    %max3A_7 = arith.maximumf %broadcast_in_dim3A, %max3A_6 : vector<1024x1xf32>
    %rsqrt3A = math.rsqrt %max3A_7 : vector<1024x1xf32>
    %mul3A = vector.broadcast %rsqrt3A : vector<1024x1xf32> to vector<1024x128xf32>
    %mul3A_8 = arith.mulf %get3A_1, %mul3A : vector<1024x128xf32>
    %swap3A = arith.constant 0 : index
    %swap3A_9 = arith.constant 0 : index
    %swap3A_10 = vector.load %arg3[%swap3A, %swap3A_9] : memref<1024x128xf32, #tpu.memory_space<vmem>>, vector<1024x128xf32>
    tpu.vector_store %arg3[%swap3A, %swap3A_9], %mul3A_8 {strides = array<i32>} : memref<1024x128xf32, #tpu.memory_space<vmem>>, vector<1024x128xf32>,
    return
  }
  func.func @transform_0(%arg0: i32) -> (i32, i32) {
    %c0_i32 = arith.constant 0 : i32
    %c0_i32_0 = arith.constant 0 : i32
    return %arg0, %c0_i32 : i32, i32
  }
  func.func @transform_1(%arg0: i32) -> (i32, i32) {
    %c0_i32 = arith.constant 0 : i32
    %c0_i32_0 = arith.constant 0 : i32
    return %c0_i32, %arg0 : i32, i32
  }
  func.func @transform_2(%arg0: i32) -> (i32, i32) {
    %c0_i32 = arith.constant 0 : i32
    %c0_i32_0 = arith.constant 0 : i32
    return %arg0, %c0_i32 : i32, i32
  }
}

module attributes {stable_mosaic.version = 14 : i64} {
  func.func @_final_body(%arg0: i32, %arg1: memref<2x1024x128xf32, #tpu.memory_space<vmem>>, %arg2: memref<32x1024xf32, #tpu.memory_space<vmem>>, %arg3: memref<1024x128xf32, #tpu.memory_space<vmem>>) attributes {dimension_semantics = [#tpu.dimension_semantics<arbitrary>], iteration_bounds = array<i64: 10>, scalar_prefetch = 0 : i64, scratch_operands = 0 : i64, tpu.core_type = #tpu.core_type<tc>, window_params = [{transform_indices = @transform_0, window_bounds = array<i64: 2, 1024, 128>}, {transform_indices = @transform_1, window_bounds = array<i64: 32, 1024>}, {transform_indices = @transform_2, window_bounds = array<i64: 1024, 128>}]} {
    %get3A = arith.constant 0 : index
    %get3A_0 = arith.constant 0 : index
    %get3A_1 = arith.constant 0 : index
    %get3A_2 = vector.load %arg1[%get3A, %get3A_0, %get3A_1] : memref<2x1024x128xf32, #tpu.memory_space<vmem>>, vector<1x1024x128xf32>
    %get3A_3 = vector.shape_cast %get3A_2 : vector<1x1024x128xf32> to vector<1024x128xf32>
    %get3A_4 = arith.constant 1 : index
    %get3A_5 = arith.constant 0 : index
    %get3A_6 = arith.constant 0 : index
    %get3A_7 = vector.load %arg1[%get3A_4, %get3A_5, %get3A_6] : memref<2x1024x128xf32, #tpu.memory_space<vmem>>, vector<1x1024x128xf32>
    %get3A_8 = vector.shape_cast %get3A_7 : vector<1x1024x128xf32> to vector<1024x128xf32>
    %add3A = arith.addf %get3A_3, %get3A_8 : vector<1024x128xf32>
    %get3A_9 = arith.constant 0 : index
    %get3A_10 = arith.constant 0 : index
    %get3A_11 = vector.load %arg2[%get3A_9, %get3A_10] : memref<32x1024xf32, #tpu.memory_space<vmem>>, vector<32x1024xf32>
    %reduce_sum3A = arith.constant dense<0.000000e+00> : vector<1024xf32>
    %reduce_sum3A_12 = vector.multi_reduction <add>, %get3A_11, %reduce_sum3A [0] : vector<32x1024xf32> to vector<1024xf32>
    %broadcast_in_dim3A = vector.shape_cast %reduce_sum3A_12 : vector<1024xf32> to vector<1024x1xf32>
    %max3A = arith.constant 1.000000e+00 : f32
    %max3A_13 = vector.broadcast %max3A : f32 to vector<1024x1xf32>
    %max3A_14 = arith.maximumf %broadcast_in_dim3A, %max3A_13 : vector<1024x1xf32>
    %rsqrt3A = math.rsqrt %max3A_14 : vector<1024x1xf32>
    %mul3A = vector.broadcast %rsqrt3A : vector<1024x1xf32> to vector<1024x128xf32>
    %mul3A_15 = arith.mulf %add3A, %mul3A : vector<1024x128xf32>
    %reduce_max3A = arith.constant dense<0xFF800000> : vector<1024xf32>
    %reduce_max3A_16 = vector.multi_reduction <maximumf>, %mul3A_15, %reduce_max3A [1] : vector<1024x128xf32> to vector<1024xf32>
    %broadcast_in_dim3A_17 = vector.shape_cast %reduce_max3A_16 : vector<1024xf32> to vector<1024x1xf32>
    %sub3A = vector.broadcast %broadcast_in_dim3A_17 : vector<1024x1xf32> to vector<1024x128xf32>
    %sub3A_18 = arith.subf %mul3A_15, %sub3A : vector<1024x128xf32>
    %exp3A = math.exp %sub3A_18 : vector<1024x128xf32>
    %reduce_sum3A_19 = arith.constant dense<0.000000e+00> : vector<1024xf32>
    %reduce_sum3A_20 = vector.multi_reduction <add>, %exp3A, %reduce_sum3A_19 [1] : vector<1024x128xf32> to vector<1024xf32>
    %broadcast_in_dim3A_21 = vector.shape_cast %reduce_sum3A_20 : vector<1024xf32> to vector<1024x1xf32>
    %log3A = math.log %broadcast_in_dim3A_21 : vector<1024x1xf32>
    %add3A_22 = arith.addf %log3A, %broadcast_in_dim3A_17 : vector<1024x1xf32>
    %sub3A_23 = vector.broadcast %add3A_22 : vector<1024x1xf32> to vector<1024x128xf32>
    %sub3A_24 = arith.subf %mul3A_15, %sub3A_23 : vector<1024x128xf32>
    %swap3A = arith.constant 0 : index
    %swap3A_25 = arith.constant 0 : index
    %swap3A_26 = vector.load %arg3[%swap3A, %swap3A_25] : memref<1024x128xf32, #tpu.memory_space<vmem>>, vector<1024x128xf32>
    tpu.vector_store %arg3[%swap3A, %swap3A_25], %sub3A_24 {strides = array<i32>} : memref<1024x128xf32, #tpu.memory_space<vmem>>, vector<1024x128xf32>,
    return
  }
  func.func @transform_0(%arg0: i32) -> (i32, i32, i32) {
    %c0_i32 = arith.constant 0 : i32
    %c0_i32_0 = arith.constant 0 : i32
    %c0_i32_1 = arith.constant 0 : i32
    return %c0_i32, %arg0, %c0_i32_0 : i32, i32, i32
  }
  func.func @transform_1(%arg0: i32) -> (i32, i32) {
    %c0_i32 = arith.constant 0 : i32
    %c0_i32_0 = arith.constant 0 : i32
    return %c0_i32, %arg0 : i32, i32
  }
  func.func @transform_2(%arg0: i32) -> (i32, i32) {
    %c0_i32 = arith.constant 0 : i32
    %c0_i32_0 = arith.constant 0 : i32
    return %arg0, %c0_i32 : i32, i32
  }
}

</mosaic_0001>

<sc_bundles>
// kernel: kernel.10.cloned.1.call-start
scs
__scs_entry_jumppad:
0x0: {  	(pc) =	sbr.rel $0x88, $3  }
0x1: {  	(tag) =	ssettag $0x0;
	lr =	simm.s32 $0x1  }
0x2: {  	[smem:$0x3F9D] =	sst lr;
	_ =	strace $0xD0000000  }
0x3: {  	_ = 	snop  }
0x4: {  	_ = 	snop  }
0x5: {  	_ = 	snop  }
0x6: {  	_ = 	snop  }
0x7: {  	_ = 	snop  }
__scs_overlays_trampoline_lowered:
0x8: {  	[smem:$0x3FAC] =	sst s0  }
0x9: {  	[smem:$0x3FAD] =	sst s1  }
0xa: {  	[smem:$0x3FAE] =	sst s2  }
0xb: {  	[smem:$0x3FAF] =	sst s3  }
0xc: {  	[smem:$0x3FB0] =	sst s4  }
0xd: {  	[smem:$0x3FB1] =	sst s5  }
0xe: {  	[smem:$0x3FB2] =	sst s6  }
0xf: {  	[smem:$0x3FB3] =	sst s7  }
0x10: {  	[smem:$0x3FB4] =	sst s8  }
0x11: {  	[smem:$0x3FB5] =	sst s9;
	s0 =	simm.s32 @!p0 $0x0  }
0x12: {  	s1 =	sld [smem:$0x3F9B];
	s0 =	simm.s32 @p0 $0x1  }
0x13: {  	[smem:$0x3FB6] =	sst s0;
	s0 =	simm.s32 @!p1 $0x0  }
0x14: {  	s2 =	sld [smem:$0x3F9A];
	s0 =	simm.s32 @p1 $0x1  }
0x15: {  	[smem:$0x3FB7] =	sst s0;
	s0 =	simm.s32 @!p2 $0x0  }
0x16: {  	s3 =	sld [smem:$0x3FDB];
	s0 =	simm.s32 @p2 $0x1  }
0x17: {  	s4 =	simm.s32 $0x1BF5;
	[smem:$0x3FB9] =	sst s0  }
0x18: {  	s0 =	sld [smem:$0x3F9C];
	_ =	swait.ge [sflag:s4], $0x0  }
0x19: {  	s7 =	sld [smem:$0x3F9D]  }
0x1a: {  	s8 =	sadd.s32 $0xFFFFE003, lr  }
0x1b: {  	s9 =	sadd.s32 $0xFFFFFEF7, lr;
	s5 =	simm.s32 $0xFFFFFFFF;
	p2 =	slt.u32 s8, $0xFFFFF086  }
0x1c: {  	p1 =	slt.u32 s9, $0xF7A;
	s5 =	simm.s32 @!p2 $0x0  }
0x1d: {  	s5 =	simm.s32 @p1 $0x1;
	p0 =	seq.s32 s7, s2  }
0x1e: {  	s7 =	smul.u32 @!p0 $0xF7A, s2;
	p2 =	seq.s32 @!p0 s5, $0x0  }
0x1f: {  	s9 =	smul.u32 $0xF7A, s1;
	s8 =	simm.s32 @!p0 $0x1BF5;
	p2 =	por !p2, p0  }
0x20: {  	[sflag:s8] =	ssyncset.s32 @!p0 $0xFFFFF086;
	s6 =	sadd.s32 @!p0 s3, s7;
	s7 =	simm.s32 @!p0 $0x108  }
0x21: {  	s3 =	sadd.s32 s3, s9;
	s6 =	sadd.s32 @!p0 $0x88, s6;
	s7 =	simm.s32 @p2 $0x1082  }
0x22: {  	[simem:s7], [sflag:s8] =	dma.local @!p0 [hbm:s6], $0xF7A  }
0x23: {  	s9 =	sor.u32 $0xD0000000, s2;
	s6 =	simm.s32 $0x108;
	_ =	swait.ge @!p0 [sflag:s8], $0x0  }
0x24: {  	s3 =	sadd.s32 $0x88, s3;
	s6 =	simm.s32 @!p1 $0x1082;
	[sflag:s4] =	ssyncset.s32 $0xFFFFF086  }
0x25: {  	[simem:s6], [sflag:s4] =	dma.local [hbm:s3], $0xF7A  }
0x26: {  	[smem:$0x3F9D] =	sst s1;
	(tag) =	ssettag s2;
	_ =	strace s9  }
0x27: {  	s1 =	sld [smem:$0x3FAD]  }
0x28: {  	s2 =	sld [smem:$0x3FAE]  }
0x29: {  	s4 =	sld [smem:$0x3FB0]  }
0x2a: {  	p0 =	seq.s32 s5, $0x0;
	s5 =	sld [smem:$0x3FB1]  }
0x2b: {  	s6 =	sld [smem:$0x3FB2]  }
0x2c: {  	s7 =	sld [smem:$0x3FB3]  }
0x2d: {  	s3 =	simm.s32 $0x108;
	s8 =	sld [smem:$0x3FB4]  }
0x2e: {  	s3 =	simm.s32 @!p0 $0x1082;
	s9 =	sld [smem:$0x3FB5]  }
0x2f: {  	lr =	sadd.s32 s0, s3;
	s0 =	sld [smem:$0x3FAC]  }
0x30: {  	s3 =	sld [smem:$0x3FAF]  }
0x31: {  	[smem:$0x3FB8] =	sst s10  }
0x32: {  	s10 =	sld [smem:$0x3FB6];
	_ =	sdelay $0x3  }
0x33: {  	p0 =	seq.s32 s10, $0x1;
	s10 =	sld [smem:$0x3FB8];
	_ =	sdelay $0x3  }
0x34: {  	[smem:$0x3FB8] =	sst s10  }
0x35: {  	s10 =	sld [smem:$0x3FB7];
	_ =	sdelay $0x3  }
0x36: {  	p1 =	seq.s32 s10, $0x1;
	s10 =	sld [smem:$0x3FB8];
	_ =	sdelay $0x3  }
0x37: {  	[smem:$0x3FB8] =	sst s10  }
0x38: {  	s10 =	sld [smem:$0x3FB9]  }
0x39: {  	_ = 	snop;
	(pc) =	sbr.ind lr, $3  }
0x3a: {  	_ = 	snop  }
0x3b: {  	_ = 	snop  }
0x3c: {  	p2 =	seq.s32 s10, $0x1;
	s10 =	sld [smem:$0x3FB8]  }
0x3d: {  	_ =	shalt  }
0x3e: {  	_ =	shalt  }
0x3f: {  	_ =	shalt  }
0x40: {  	_ =	shalt  }
0x41: {  	_ =	shalt  }
0x42: {  	_ =	shalt  }
0x43: {  	_ =	shalt  }
0x44: {  	_ =	shalt  }
0x45: {  	_ =	shalt  }
0x46: {  	_ =	shalt  }
0x47: {  	_ =	shalt  }
0x48: {  	_ =	shalt  }
0x49: {  	_ =	shalt  }
0x4a: {  	_ =	shalt  }
0x4b: {  	_ =	shalt  }
0x4c: {  	_ =	shalt  }
0x4d: {  	_ =	shalt  }
0x4e: {  	_ =	shalt  }
0x4f: {  	_ =	shalt  }
0x50: {  	_ =	shalt  }
0x51: {  	_ =	shalt  }
0x52: {  	_ =	shalt  }
0x53: {  	_ =	shalt  }
0x54: {  	_ =	shalt  }
0x55: {  	_ =	shalt  }
0x56: {  	_ =	shalt  }
0x57: {  	_ =	shalt  }
0x58: {  	_ =	shalt  }
0x59: {  	_ =	shalt  }
0x5a: {  	_ =	shalt  }
0x5b: {  	_ =	shalt  }
0x5c: {  	_ =	shalt  }
0x5d: {  	_ =	shalt  }
0x5e: {  	_ =	shalt  }
0x5f: {  	_ =	shalt  }
0x60: {  	_ =	shalt  }
0x61: {  	_ =	shalt  }
0x62: {  	_ =	shalt  }
0x63: {  	_ =	shalt  }
0x64: {  	_ =	shalt  }
0x65: {  	_ =	shalt  }
0x66: {  	_ =	shalt  }
0x67: {  	_ =	shalt  }
0x68: {  	_ =	shalt  }
0x69: {  	_ =	shalt  }
0x6a: {  	_ =	shalt  }
0x6b: {  	_ =	shalt  }
0x6c: {  	_ =	shalt  }
0x6d: {  	_ =	shalt  }
0x6e: {  	_ =	shalt  }
0x6f: {  	_ =	shalt  }
0x70: {  	_ =	shalt  }
0x71: {  	_ =	shalt  }
0x72: {  	_ =	shalt  }
0x73: {  	_ =	shalt  }
0x74: {  	_ =	shalt  }
0x75: {  	_ =	shalt  }
0x76: {  	_ =	shalt  }
0x77: {  	_ =	shalt  }
0x78: {  	_ =	shalt  }
0x79: {  	_ =	shalt  }
0x7a: {  	_ =	shalt  }
0x7b: {  	_ =	shalt  }
0x7c: {  	_ =	shalt  }
0x7d: {  	_ =	shalt  }
0x7e: {  	_ =	shalt  }
0x7f: {  	_ =	shalt  }
0x80: {  	_ =	shalt  }
0x81: {  	_ =	shalt  }
0x82: {  	_ =	shalt  }
0x83: {  	_ =	shalt  }
0x84: {  	_ =	shalt  }
0x85: {  	_ =	shalt  }
0x86: {  	_ =	shalt  }
0x87: {  	_ =	shalt  }
.Lfunc_end0:
.L_simem_size_0:
called_computation.1_lowered:
.L_overlay_start_0:
0x88: {  	s2 =	sld [smem:$0x3FD9]  }
0x89: {  	s3 =	sld [smem:$0x3FFE];
	_ =	sdelay $0x1  }
0x8a: {  	s1 =	srdreg.scid  }
0x8b: {  	s0 =	sand.u32 $0x1, s1  }
0x8c: {  	s16 =	sshll.u32 s0, $0xA;
	s2 =	sadd.s32 s3, s2  }
0x8d: {  	s2 =	sadd.s32 s2, s16  }
0x8e: {  	[smem:$0x3FC4] =	sst s2  }
0x8f: {  	_ = 	snop  }
0x90: {  	(tm) =	ssettm $0x1  }
0x91: {  	s17 =	sld [smem:$0x3FFB];
	_ =	sdelay $0x3  }
0x92: {  	_ =	strace s17  }
0x93: {  	s2 =	sld [smem:$0x3FFC];
	_ =	sdelay $0x3  }
0x94: {  	_ =	strace s2  }
0x95: {  	s2 =	sld [smem:$0x3FFD];
	_ =	sdelay $0x3  }
0x96: {  	_ =	strace s2  }
0x97: {  	_ =	strace $0x8FFFFFFF  }
0x98: {  	s18 =	sld [smem:$0x3FDB];
	_ =	sdelay $0x1  }
0x99: {  	s19 =	simm.s32 $_scs_section_size  }
0x9a: {  	s4 =	simm.s32 $_size__tile_overlayer_lowered;
	s5 =	simm.s32 $_tile_overlayer_lowered  }
0x9b: {  	s22 =	simm.s32 $0x1BFF;
	s21 =	sshll.u32 s5, $0x1;
	s2 =	sadd.s32 s19, s18  }
0x9c: {  	s6 =	simm.s32 $0x0;
	s20 =	sshll.u32 s4, $0x1;
	s4 =	sadd.s32 s21, s2  }
0x9d: {  	[timem:s6], [sflag:s22] =	dma.local [hbm:s4], s20  }
0x9e: {  	_ =	swait.ge [sflag:s22], s20  }
0x9f: {  	s3 =	ssub.s32 $0x0, s20;
	[sflag:s22] =	ssyncset.done $0x0  }
0xa0: {  	[sflag:s22] =	ssyncadd.s32 s3;
	_ =	sdelay $0x1  }
0xa1: {  	s23 =	simm.s32 $0x1B8B  }
0xa2: {  	_ =	swait.ge [sflag:s23], $0x1  }
0xa3: {  	[sflag:s23] =	ssyncset.done $0x0  }
0xa4: {  	s25 =	simm.s32 $0x1B8E;
	s24 =	sld [smem:$0x3FFE];
	[sflag:s23] =	ssyncadd.s32 $0xFFFFFFFF  }
0xa5: {  	s26 =	simm.s32 $execute0_lowered;
	[smem:$0x3FD2] =	sst s25  }
0xa6: {  	s4 =	sshll.u32 s26, $0x1;
	_ =	strace $0x80000049;
	[dreg:$0x1] =	wrdreg $0xFFFFFFFF  }
0xa7: {  	s28 =	simm.s32 $_size_execute0_lowered;
	s2 =	sadd.s32 s2, s4;
	[dreg:$0x0] =	wrdreg $0x0  }
0xa8: {  	s4 =	sshll.u32 s28, $0x1;
	[dreg:$0x2] =	wrdreg s2  }
0xa9: {  	[dreg:$0x3] =	wrdreg s4  }
0xaa: {  	[dreg:$0x4] =	wrdreg $0xC0  }
0xab: {  	_ =	task [dreg:s6], $0x5FFFF  }
0xac: {  	[dreg:$0x1] =	wrdreg $0xFFFFFFFF  }
0xad: {  	[dreg:$0x0] =	wrdreg $0x60  }
0xae: {  	[dreg:$0x2] =	wrdreg s24  }
0xaf: {  	[dreg:$0x3] =	wrdreg $0x93000  }
0xb0: {  	[dreg:$0x4] =	wrdreg $0x9  }
0xb1: {  	_ =	task.clear_ibuf [dreg:s6], $0x5FFFF;
	_ =	strace $0x90000049  }
0xb2: {  	s29 =	simm.s32 $0x9;
	_ =	strace $0x8000004B  }
0xb3: {  	_ =	swait.ge [sflag:s29], $0x1  }
0xb4: {  	[sflag:s29] =	ssyncadd.s32 $0xFFFFFFFF  }
0xb5: {  	_ =	strace $0x9000004B  }
0xb6: {  	_ =	sfence  }
0xb7: {  	s30 =	sld [smem:$0x0];
	_ =	sdelay $0x2  }
0xb8: {  	s31 =	sshll.u32 s1, $0xD;
	s1 =	sshrl.u32 s1, $0x2  }
0xb9: {  	s3 =	sand.u32 $0x4000, s31;
	s1 =	sadd.s32 s1, s30  }
0xba: {  	s0 =	sor.u32 s3, s0;
	s1 =	sshll.u32 s1, $0x11  }
0xbb: {  	s0 =	sor.u32 s1, s0  }
0xbc: {  	s0 =	sadd.s32 $0x8F2B, s0  }
0xbd: {  	[sflag:s0] =	ssyncadd.remote.s32 $0x1  }
0xbe: {  	_ =	sfence.sel $0xFFFF  }
0xbf: {  	[dreg:$0x0] =	wrdreg $0xFFFFFFFF;
	(pc) =	sbr.abs _section_cstart, $3  }
0xc0: {  	[dreg:$0x1] =	wrdreg $0xFFFFFFFF  }
0xc1: {  	_ =	task.clear_ibuf [dreg:s6], $0x2FFFF;
	_ =	strace $0x9FFFFFFF  }
0xc2: {  	(tm) =	ssettm $0x7FFFFFFF  }
0xc3: {  	_ =	shalt  }
tec
execute0_lowered:
.L_overlay_start_1:
0x0: {  	(tag) =	ssettag $0x1  }
0x1: {  	s0 =	rddreg [dreg:$0x0]  }
0x2: {  	s1 =	rddreg [dreg:$0x1];
	s2 =	srdreg.scid  }
0x3: {  	s3 =	simm.s32 $0x0;
	s11 =	stileid.u32;
	s19 =	simm.s32 $0x80  }
0x4: {  	s20 =	simm.s32 $0x9200;
	s21 =	simm.s32 $0x9280;
	s22 =	simm.s32 $0x5000  }
0x5: {  	s28 =	simm.s32 $0x40;
	s29 =	simm.s32 $0x9000;
	s30 =	simm.s32 $0x9080  }
0x6: {  	s31 =	simm.s32 $0x3000;
	s2 =	sand.u32 $0x1, s2;
	s8 =	smul.u32 $0x50000, s11  }
0x7: {  	[smem:$0x7FF] =	sst s3;
	s4 =	sshll.u32 s11, $0x1;
	s18 =	smul.u32 $0x2800, s11  }
0x8: {  	s6 =	sadd.s32 $0xC200, s0;
	s7 =	smul.u32 $0x28000, s2;
	s9 =	sor.u32 s2, s4  }
0x9: {  	s11 =	simm.s32 $0x7000;
	_ =	strace $0x8000004A;
	s5 =	smul.u32 $0x50, s9  }
0xa: {  	s2 =	ssub.s32 $0x2, s2;
	s8 =	sshrl.u32 s8, $0x2;
	s9 =	smul.u32 $0x500, s9  }
0xb: {  	s4 =	sadd.s32 $0x20200, s0;
	s10 =	sshrl.u32 s2, $0x1;
	s14 =	sadd.s32 s8, s1  }
0xc: {  	s2 =	ssub.s32 s2, s10;
	s16 =	sadd.s32 s6, s9;
	[dreg:$0x3] =	wrdreg s14  }
0xd: {  	s0 =	sadd.s32 s7, s0;
	s2 =	smax.u32 s2, $0x1;
	[dreg:$0x4] =	wrdreg s16  }
0xe: {  	s10 =	simm.s32 $0x9180;
	s23 =	sadd.s32 $0x4000, s14;
	[dreg:$0x6] =	wrdreg s2  }
0xf: {  	s7 =	sadd.s32 $0xA00, s5;
	s24 =	sadd.s32 $0x8000, s14;
	[dreg:$0x7] =	wrdreg s23  }
0x10: {  	s0 =	sadd.s32 $0x48200, s0;
	s25 =	sadd.s32 $0xC000, s14;
	[dreg:$0x8] =	wrdreg s24  }
0x11: {  	s26 =	sadd.s32 $0x10000, s14;
	s9 =	simm.s32 $0x9100;
	[dreg:$0x9] =	wrdreg s25  }
.Ltmp0:
0x12: {  	s15 =	sshll.u32 s7, $0x4;
	[dreg:$0xa] =	wrdreg s26;
	(pc) =	sbr.rel .LBB2_1-.Ltmp0, $4  }
0x13: {  	s16 =	simm.s32 $0x1000;
	s23 =	simm.s32 $0x400;
	s0 =	sadd.s32 s18, s0  }
0x14: {  	s25 =	simm.s32 $0xC00;
	s26 =	simm.s32 $0x1;
	s18 =	simm.s32 $0x4  }
0x15: {  	s2 =	simm.s32 $0x2;
	s17 =	sadd.s32 s6, s15;
	[dreg:$0xb] =	wrdreg s0  }
0x16: {  	v0 =	vimm.f32 $0.0e+00;
	s0 =	simm.s32 $0x3;
	[dreg:$0x5] =	wrdreg s17;
	s17 =	simm.s32 $0x5  }
.LBB2_10:
0x17: {  	s8 =	stileid.u32;
	[bflag:$0x0] =	sbarrier.arrive $0xFFFF  }
0x18: {  	s8 =	sshll.u32 s8, $0x6;
	s14 =	rddreg [dreg:$0x3]  }
0x19: {  	s13 =	rddreg [dreg:$0xb];
	s8 =	sor.u32 $0x1C05, s8;
	s12 =	sshrl.u32 s14, $0x3  }
0x1a: {  	[hbm:s13], [sflag:s8] =	dma.local [spmem:s12], $0x2800  }
0x1b: {  	_ =	swait.ge [sflag:s17], $0x2800  }
0x1c: {  	s3 =	sadd.s32 $0x1, s3;
	s24 =	rddreg [dreg:$0x6]  }
0x1d: {  	p0 =	sne.s32 s3, s24  }
.Ltmp1:
0x1e: {  	_ = 	snop;
	(pc) =	sbr.rel @!p0 .LBB2_11-.Ltmp1, $3  }
0x1f: {  	_ =	sdelay $0x1  }
0x20: {  	[sflag:s17] =	ssyncset.done $0x0  }
0x21: {  	[sflag:s17] =	ssyncadd.s32 $0xFFFFD800  }
.LBB2_1:
0x22: {  	s12 =	simm.s32 $0x0;
	s13 =	simm.s32 $0x200  }
.LBB2_2:
0x23: {  	p0 =	sne.s32 s13, $0xFE00;
	[tilespmem:s12+$0x1070] =	vst v0  }
0x24: {  	[tilespmem:s12+$0x1000] =	vst v0  }
0x25: {  	[tilespmem:s12+$0x1010] =	vst v0  }
.Ltmp2:
0x26: {  	[tilespmem:s12+$0x1020] =	vst v0;
	(pc) =	sbr.rel @p0 .LBB2_2-.Ltmp2, $4  }
0x27: {  	[tilespmem:s12+$0x1030] =	vst v0  }
0x28: {  	[tilespmem:s12+$0x1040] =	vst v0  }
0x29: {  	[tilespmem:s12+$0x1050] =	vst v0  }
0x2a: {  	[tilespmem:s12+$0x1060] =	vst v0;
	s12 =	sshra.s32 s13, $0x2;
	s13 =	sadd.s32 $0x200, s13  }
0x2b: {  	[tilespmem:s12+$0x1070] =	vst v0  }
0x2c: {  	[tilespmem:s12+$0x1000] =	vst v0  }
0x2d: {  	[tilespmem:s12+$0x1010] =	vst v0  }
0x2e: {  	[tilespmem:s12+$0x1020] =	vst v0  }
0x2f: {  	[tilespmem:s12+$0x1030] =	vst v0  }
0x30: {  	[tilespmem:s12+$0x1040] =	vst v0  }
0x31: {  	[tilespmem:s12+$0x1050] =	vst v0  }
0x32: {  	[tilespmem:s12+$0x1060] =	vst v0  }
0x33: {  	[spmem:s14] =	stream.linear.scatter [tilespmem:s16], [sflag:$0x5], $0x4000, $0x38;
	[tilespmem:$0x1D300] =	vst v63  }
0x34: {  	_ =	swait.ge [sflag:s17], $0x4000  }
0x35: {  	[sflag:s17] =	ssyncset.done $0x0  }
0x36: {  	s8 =	rddreg [dreg:$0x7];
	[sflag:s17] =	ssyncadd.s32 $0xFFFFC000  }
0x37: {  	[spmem:s8] =	stream.linear.scatter [tilespmem:s16], [sflag:$0x5], $0x4000, $0x38;
	[tilespmem:$0x1D300] =	vst v63  }
0x38: {  	_ =	swait.ge [sflag:s17], $0x4000  }
0x39: {  	[sflag:s17] =	ssyncset.done $0x0  }
0x3a: {  	s12 =	rddreg [dreg:$0x8];
	[sflag:s17] =	ssyncadd.s32 $0xFFFFC000  }
0x3b: {  	[spmem:s12] =	stream.linear.scatter [tilespmem:s16], [sflag:$0x5], $0x4000, $0x38;
	[tilespmem:$0x1D300] =	vst v63  }
0x3c: {  	_ =	swait.ge [sflag:s17], $0x4000  }
0x3d: {  	[sflag:s17] =	ssyncset.done $0x0  }
0x3e: {  	s13 =	rddreg [dreg:$0x9];
	[sflag:s17] =	ssyncadd.s32 $0xFFFFC000  }
0x3f: {  	[spmem:s13] =	stream.linear.scatter [tilespmem:s16], [sflag:$0x5], $0x4000, $0x38;
	[tilespmem:$0x1D300] =	vst v63  }
0x40: {  	_ =	swait.ge [sflag:s17], $0x4000  }
0x41: {  	[sflag:s17] =	ssyncset.done $0x0  }
0x42: {  	s14 =	rddreg [dreg:$0xa];
	[sflag:s17] =	ssyncadd.s32 $0xFFFFC000  }
0x43: {  	[spmem:s14] =	stream.linear.scatter [tilespmem:s16], [sflag:$0x5], $0x4000, $0x38;
	[tilespmem:$0x1D300] =	vst v63  }
0x44: {  	_ =	swait.ge [sflag:s17], $0x4000  }
0x45: {  	[sflag:s17] =	ssyncset.done $0x0  }
0x46: {  	[sflag:s17] =	ssyncadd.s32 $0xFFFFC000  }
0x47: {  	[bflag:$0x0] =	sbarrier.arrive $0xFFFF  }
0x48: {  	s12 =	simm.s32 $0x0;
	s15 =	rddreg [dreg:$0x4]  }
0x49: {  	[tilespmem:s12], [sflag:$0x5] =	stream.linear.gather [hbm4b:s15+s12], $0x400, $0x38;
	[tilespmem:$0x1D300] =	vst v63  }
0x4a: {  	_ =	swait.ge [sflag:s17], $0x400  }
0x4b: {  	[sflag:s17] =	ssyncset.done $0x0  }
0x4c: {  	s13 =	simm.s32 $0x800;
	s24 =	rddreg [dreg:$0x5];
	[sflag:s17] =	ssyncadd.s32 $0xFFFFFC00  }
0x4d: {  	[tilespmem:s13], [sflag:$0x5] =	stream.linear.gather [hbm4b:s24+s12], $0x400, $0x38;
	[tilespmem:$0x1D300] =	vst v63  }
0x4e: {  	_ =	swait.ge [sflag:s17], $0x400  }
0x4f: {  	[sflag:s17] =	ssyncset.done $0x0  }
0x50: {  	[sflag:s17] =	ssyncadd.s32 $0xFFFFFC00  }
0x51: {  	v1 =	vld [tilespmem:$0x0]  }
0x52: {  	v2 =	vld [tilespmem:$0x10]  }
0x53: {  	v3 =	vld [tilespmem:$0x20]  }
0x54: {  	v4 =	vld [tilespmem:$0x30]  }
0x55: {  	v5 =	vld [tilespmem:$0x40]  }
0x56: {  	[tilespmem:$0x9200] =	vst v1;
	v1 =	vld [tilespmem:$0x50]  }
0x57: {  	[tilespmem:$0x9210] =	vst v2;
	v2 =	vld [tilespmem:$0x60]  }
0x58: {  	[tilespmem:$0x9220] =	vst v3;
	v3 =	vld [tilespmem:$0x70]  }
0x59: {  	[tilespmem:$0x9230] =	vst v4  }
0x5a: {  	[tilespmem:$0x9240] =	vst v5  }
0x5b: {  	[tilespmem:$0x9250] =	vst v1  }
0x5c: {  	[tilespmem:$0x9260] =	vst v2  }
0x5d: {  	[tilespmem:$0x9270] =	vst v3  }
0x5e: {  	[tilespmem:s16], [sflag:$0x1] =	stream.indirect.gather [hbm4b:s4+s19], $0x80, s20, s19, $0xb8;
	[tilespmem:$0x1D300] =	vst v63  }
0x5f: {  	v1 =	vld [tilespmem:$0x80]  }
0x60: {  	v2 =	vld [tilespmem:$0x90]  }
0x61: {  	v3 =	vld [tilespmem:$0xA0]  }
0x62: {  	v62 =	vld [tilespmem:$0xB0]  }
0x63: {  	v63 =	vld [tilespmem:$0xC0]  }
0x64: {  	[tilespmem:$0x9280] =	vst v1;
	v1 =	vld [tilespmem:$0xD0]  }
0x65: {  	[tilespmem:$0x9290] =	vst v2;
	v2 =	vld [tilespmem:$0xE0]  }
0x66: {  	[tilespmem:$0x92A0] =	vst v3;
	v3 =	vld [tilespmem:$0xF0]  }
0x67: {  	[tilespmem:$0x92B0] =	vst v62  }
0x68: {  	[tilespmem:$0x92C0] =	vst v63  }
0x69: {  	[tilespmem:$0x92D0] =	vst v1  }
0x6a: {  	[tilespmem:$0x92E0] =	vst v2  }
0x6b: {  	s13 =	simm.s32 $0x0;
	[tilespmem:$0x92F0] =	vst v3  }
0x6c: {  	[tilespmem:s22], [sflag:$0x2] =	stream.indirect.gather [hbm4b:s4+s19], $0x80, s21, s19, $0xb8;
	[tilespmem:$0x1D300] =	vst v63  }
.LBB2_4:
0x6d: {  	s14 =	sshll.u32 s13, $0x4  }
0x6e: {  	s15 =	sor.u32 $0x8, s14  }
0x6f: {  	s24 =	sadd.s32 s5, s15  }
0x70: {  	s24 =	sshll.u32 s24, $0x4  }
0x71: {  	s24 =	sadd.s32 s6, s24  }
0x72: {  	[tilespmem:s23], [sflag:$0x5] =	stream.linear.gather [hbm4b:s24+s12], $0x400, $0x38;
	[tilespmem:$0x1D300] =	vst v63  }
0x73: {  	s15 =	sadd.s32 s7, s15;
	_ =	swait.ge [sflag:s17], $0x400  }
0x74: {  	s15 =	sshll.u32 s15, $0x4;
	[sflag:s17] =	ssyncset.done $0x0  }
0x75: {  	s15 =	sadd.s32 s6, s15;
	[sflag:s17] =	ssyncadd.s32 $0xFFFFFC00  }
0x76: {  	[tilespmem:s25], [sflag:$0x5] =	stream.linear.gather [hbm4b:s15+s12], $0x400, $0x38;
	[tilespmem:$0x1D300] =	vst v63  }
0x77: {  	_ =	swait.ge [sflag:s17], $0x400  }
0x78: {  	[sflag:s17] =	ssyncset.done $0x0  }
0x79: {  	[sflag:s17] =	ssyncadd.s32 $0xFFFFFC00  }
0x7a: {  	_ =	swait.ge [sflag:s26], $0x4000  }
0x7b: {  	[sflag:s26] =	ssyncset.done $0x0  }
0x7c: {  	s24 =	simm.s32 $0x0;
	[sflag:s26] =	ssyncadd.s32 $0xFFFFC000  }
0x7d: {  	v1 =	vld [tilespmem:s24+$0x800];
	_ =	sdelay $0x4  }
0x7e: {  	[tilespmem:$0x9000] =	vst v1  }
0x7f: {  	v1 =	vld [tilespmem:s24+$0x840];
	_ =	sdelay $0x4  }
0x80: {  	[tilespmem:$0x9080] =	vst v1  }
0x81: {  	v1 =	vld [tilespmem:s24+$0x810];
	_ =	sdelay $0x4  }
0x82: {  	[tilespmem:$0x9010] =	vst v1  }
0x83: {  	v1 =	vld [tilespmem:s24+$0x850];
	_ =	sdelay $0x4  }
0x84: {  	[tilespmem:$0x9090] =	vst v1  }
0x85: {  	v1 =	vld [tilespmem:s24+$0x820];
	_ =	sdelay $0x4  }
0x86: {  	[tilespmem:$0x9020] =	vst v1  }
0x87: {  	v1 =	vld [tilespmem:s24+$0x860];
	_ =	sdelay $0x4  }
0x88: {  	[tilespmem:$0x90A0] =	vst v1  }
0x89: {  	v1 =	vld [tilespmem:s24+$0x830];
	_ =	sdelay $0x4  }
0x8a: {  	[tilespmem:$0x9030] =	vst v1  }
0x8b: {  	v1 =	vld [tilespmem:s24+$0x870];
	_ =	sdelay $0x4  }
0x8c: {  	[tilespmem:$0x90B0] =	vst v1  }
0x8d: {  	[spmem:s1] =	stream.indirect.scatter.add.f32 [tilespmem:s16], [sflag:$0x3], $0x80, s29, s28, $0xb8;
	[tilespmem:$0x1D300] =	vst v63  }
0x8e: {  	_ = 	snop  }
0x8f: {  	[spmem:s1] =	stream.indirect.scatter.add.f32 [tilespmem:s31], [sflag:$0x4], $0x80, s30, s28, $0xb8;
	[tilespmem:$0x1D300] =	vst v63  }
0x90: {  	_ =	swait.ge [sflag:s0], $0x2000  }
0x91: {  	[sflag:s0] =	ssyncset.done $0x0  }
0x92: {  	[sflag:s0] =	ssyncadd.s32 $0xFFFFE000  }
0x93: {  	_ =	swait.ge [sflag:s18], $0x2000  }
0x94: {  	[sflag:s18] =	ssyncset.done $0x0  }
0x95: {  	[sflag:s18] =	ssyncadd.s32 $0xFFFFE000  }
0x96: {  	v1 =	vld [tilespmem:s24+$0x100];
	_ =	sdelay $0x4  }
0x97: {  	[tilespmem:$0x9200] =	vst v1  }
0x98: {  	v1 =	vld [tilespmem:s24+$0x110];
	_ =	sdelay $0x4  }
0x99: {  	[tilespmem:$0x9210] =	vst v1  }
0x9a: {  	v1 =	vld [tilespmem:s24+$0x120];
	_ =	sdelay $0x4  }
0x9b: {  	[tilespmem:$0x9220] =	vst v1  }
0x9c: {  	v1 =	vld [tilespmem:s24+$0x130];
	_ =	sdelay $0x4  }
0x9d: {  	[tilespmem:$0x9230] =	vst v1  }
0x9e: {  	v1 =	vld [tilespmem:s24+$0x140];
	_ =	sdelay $0x4  }
0x9f: {  	[tilespmem:$0x9240] =	vst v1  }
0xa0: {  	v1 =	vld [tilespmem:s24+$0x150];
	_ =	sdelay $0x4  }
0xa1: {  	[tilespmem:$0x9250] =	vst v1  }
0xa2: {  	v1 =	vld [tilespmem:s24+$0x160];
	_ =	sdelay $0x4  }
0xa3: {  	[tilespmem:$0x9260] =	vst v1  }
0xa4: {  	v1 =	vld [tilespmem:s24+$0x170];
	_ =	sdelay $0x4  }
0xa5: {  	[tilespmem:$0x9270] =	vst v1  }
0xa6: {  	[tilespmem:s16], [sflag:$0x1] =	stream.indirect.gather [hbm4b:s4+s19], $0x80, s20, s19, $0xb8;
	[tilespmem:$0x1D300] =	vst v63  }
0xa7: {  	_ =	swait.ge [sflag:s2], $0x4000  }
0xa8: {  	[sflag:s2] =	ssyncset.done $0x0  }
0xa9: {  	[sflag:s2] =	ssyncadd.s32 $0xFFFFC000  }
0xaa: {  	v1 =	vld [tilespmem:s24+$0x880];
	_ =	sdelay $0x4  }
0xab: {  	[tilespmem:$0x9100] =	vst v1  }
0xac: {  	v1 =	vld [tilespmem:s24+$0x8C0];
	_ =	sdelay $0x4  }
0xad: {  	[tilespmem:$0x9180] =	vst v1  }
0xae: {  	v1 =	vld [tilespmem:s24+$0x890];
	_ =	sdelay $0x4  }
0xaf: {  	[tilespmem:$0x9110] =	vst v1  }
0xb0: {  	v1 =	vld [tilespmem:s24+$0x8D0];
	_ =	sdelay $0x4  }
0xb1: {  	[tilespmem:$0x9190] =	vst v1  }
0xb2: {  	v1 =	vld [tilespmem:s24+$0x8A0];
	_ =	sdelay $0x4  }
0xb3: {  	[tilespmem:$0x9120] =	vst v1  }
0xb4: {  	v1 =	vld [tilespmem:s24+$0x8E0];
	_ =	sdelay $0x4  }
0xb5: {  	[tilespmem:$0x91A0] =	vst v1  }
0xb6: {  	v1 =	vld [tilespmem:s24+$0x8B0];
	_ =	sdelay $0x4  }
0xb7: {  	[tilespmem:$0x9130] =	vst v1  }
0xb8: {  	v1 =	vld [tilespmem:s24+$0x8F0];
	_ =	sdelay $0x4  }
0xb9: {  	[tilespmem:$0x91B0] =	vst v1  }
0xba: {  	[spmem:s1] =	stream.indirect.scatter.add.f32 [tilespmem:s22], [sflag:$0x3], $0x80, s9, s28, $0xb8;
	[tilespmem:$0x1D300] =	vst v63  }
0xbb: {  	_ = 	snop  }
0xbc: {  	[spmem:s1] =	stream.indirect.scatter.add.f32 [tilespmem:s11], [sflag:$0x4], $0x80, s10, s28, $0xb8;
	[tilespmem:$0x1D300] =	vst v63  }
0xbd: {  	_ =	swait.ge [sflag:s0], $0x2000  }
0xbe: {  	[sflag:s0] =	ssyncset.done $0x0  }
0xbf: {  	[sflag:s0] =	ssyncadd.s32 $0xFFFFE000  }
0xc0: {  	_ =	swait.ge [sflag:s18], $0x2000  }
0xc1: {  	[sflag:s18] =	ssyncset.done $0x0  }
0xc2: {  	[sflag:s18] =	ssyncadd.s32 $0xFFFFE000  }
0xc3: {  	v1 =	vld [tilespmem:s24+$0x180];
	_ =	sdelay $0x4  }
0xc4: {  	[tilespmem:$0x9280] =	vst v1  }
0xc5: {  	v1 =	vld [tilespmem:s24+$0x190];
	_ =	sdelay $0x4  }
0xc6: {  	[tilespmem:$0x9290] =	vst v1  }
0xc7: {  	v1 =	vld [tilespmem:s24+$0x1A0];
	_ =	sdelay $0x4  }
0xc8: {  	[tilespmem:$0x92A0] =	vst v1  }
0xc9: {  	v1 =	vld [tilespmem:s24+$0x1B0];
	_ =	sdelay $0x4  }
0xca: {  	[tilespmem:$0x92B0] =	vst v1  }
0xcb: {  	v1 =	vld [tilespmem:s24+$0x1C0];
	_ =	sdelay $0x4  }
0xcc: {  	[tilespmem:$0x92C0] =	vst v1  }
0xcd: {  	v1 =	vld [tilespmem:s24+$0x1D0];
	_ =	sdelay $0x4  }
0xce: {  	[tilespmem:$0x92D0] =	vst v1  }
0xcf: {  	v1 =	vld [tilespmem:s24+$0x1E0];
	_ =	sdelay $0x4  }
0xd0: {  	[tilespmem:$0x92E0] =	vst v1  }
0xd1: {  	v1 =	vld [tilespmem:s24+$0x1F0];
	_ =	sdelay $0x4  }
0xd2: {  	s15 =	simm.s32 $0x400;
	[tilespmem:$0x92F0] =	vst v1  }
.LBB2_5:
0xd3: {  	[tilespmem:s22], [sflag:$0x2] =	stream.indirect.gather [hbm4b:s4+s19], $0x80, s21, s19, $0xb8;
	[tilespmem:$0x1D300] =	vst v63  }
0xd4: {  	s24 =	smov.u32 s15  }
0xd5: {  	p0 =	sne.s32 s15, $0x800;
	s15 =	sadd.s32 $0x400, s15;
	_ =	swait.ge [sflag:s26], $0x4000  }
0xd6: {  	[sflag:s26] =	ssyncset.done $0x0  }
0xd7: {  	s24 =	sshra.s32 s24, $0x2;
	[sflag:s26] =	ssyncadd.s32 $0xFFFFC000  }
0xd8: {  	v1 =	vld [tilespmem:s24+$0x800];
	_ =	sdelay $0x4  }
0xd9: {  	[tilespmem:$0x9000] =	vst v1  }
0xda: {  	v1 =	vld [tilespmem:s24+$0x840];
	_ =	sdelay $0x4  }
0xdb: {  	[tilespmem:$0x9080] =	vst v1  }
0xdc: {  	v1 =	vld [tilespmem:s24+$0x810];
	_ =	sdelay $0x4  }
0xdd: {  	[tilespmem:$0x9010] =	vst v1  }
0xde: {  	v1 =	vld [tilespmem:s24+$0x850];
	_ =	sdelay $0x4  }
0xdf: {  	[tilespmem:$0x9090] =	vst v1  }
0xe0: {  	v1 =	vld [tilespmem:s24+$0x820];
	_ =	sdelay $0x4  }
0xe1: {  	[tilespmem:$0x9020] =	vst v1  }
0xe2: {  	v1 =	vld [tilespmem:s24+$0x860];
	_ =	sdelay $0x4  }
0xe3: {  	[tilespmem:$0x90A0] =	vst v1  }
0xe4: {  	v1 =	vld [tilespmem:s24+$0x830];
	_ =	sdelay $0x4  }
0xe5: {  	[tilespmem:$0x9030] =	vst v1  }
0xe6: {  	v1 =	vld [tilespmem:s24+$0x870];
	_ =	sdelay $0x4  }
0xe7: {  	[tilespmem:$0x90B0] =	vst v1  }
0xe8: {  	[spmem:s1] =	stream.indirect.scatter.add.f32 [tilespmem:s16], [sflag:$0x3], $0x80, s29, s28, $0xb8;
	[tilespmem:$0x1D300] =	vst v63  }
0xe9: {  	_ = 	snop  }
0xea: {  	[spmem:s1] =	stream.indirect.scatter.add.f32 [tilespmem:s31], [sflag:$0x4], $0x80, s30, s28, $0xb8;
	[tilespmem:$0x1D300] =	vst v63  }
0xeb: {  	_ =	swait.ge [sflag:s0], $0x2000  }
0xec: {  	[sflag:s0] =	ssyncset.done $0x0  }
0xed: {  	[sflag:s0] =	ssyncadd.s32 $0xFFFFE000  }
0xee: {  	_ =	swait.ge [sflag:s18], $0x2000  }
0xef: {  	[sflag:s18] =	ssyncset.done $0x0  }
0xf0: {  	[sflag:s18] =	ssyncadd.s32 $0xFFFFE000  }
0xf1: {  	v1 =	vld [tilespmem:s24+$0x100];
	_ =	sdelay $0x4  }
0xf2: {  	[tilespmem:$0x9200] =	vst v1  }
0xf3: {  	v1 =	vld [tilespmem:s24+$0x110];
	_ =	sdelay $0x4  }
0xf4: {  	[tilespmem:$0x9210] =	vst v1  }
0xf5: {  	v1 =	vld [tilespmem:s24+$0x120];
	_ =	sdelay $0x4  }
0xf6: {  	[tilespmem:$0x9220] =	vst v1  }
0xf7: {  	v1 =	vld [tilespmem:s24+$0x130];
	_ =	sdelay $0x4  }
0xf8: {  	[tilespmem:$0x9230] =	vst v1  }
0xf9: {  	v1 =	vld [tilespmem:s24+$0x140];
	_ =	sdelay $0x4  }
0xfa: {  	[tilespmem:$0x9240] =	vst v1  }
0xfb: {  	v1 =	vld [tilespmem:s24+$0x150];
	_ =	sdelay $0x4  }
0xfc: {  	[tilespmem:$0x9250] =	vst v1  }
0xfd: {  	v1 =	vld [tilespmem:s24+$0x160];
	_ =	sdelay $0x4  }
0xfe: {  	[tilespmem:$0x9260] =	vst v1  }
0xff: {  	v1 =	vld [tilespmem:s24+$0x170];
	_ =	sdelay $0x4  }
0x100: {  	[tilespmem:$0x9270] =	vst v1  }
0x101: {  	[tilespmem:s16], [sflag:$0x1] =	stream.indirect.gather [hbm4b:s4+s19], $0x80, s20, s19, $0xb8;
	[tilespmem:$0x1D300] =	vst v63  }
0x102: {  	_ =	swait.ge [sflag:s2], $0x4000  }
0x103: {  	[sflag:s2] =	ssyncset.done $0x0  }
0x104: {  	[sflag:s2] =	ssyncadd.s32 $0xFFFFC000  }
0x105: {  	v1 =	vld [tilespmem:s24+$0x880];
	_ =	sdelay $0x4  }
0x106: {  	[tilespmem:$0x9100] =	vst v1  }
0x107: {  	v1 =	vld [tilespmem:s24+$0x8C0];
	_ =	sdelay $0x4  }
0x108: {  	[tilespmem:$0x9180] =	vst v1  }
0x109: {  	v1 =	vld [tilespmem:s24+$0x890];
	_ =	sdelay $0x4  }
0x10a: {  	[tilespmem:$0x9110] =	vst v1  }
0x10b: {  	v1 =	vld [tilespmem:s24+$0x8D0];
	_ =	sdelay $0x4  }
0x10c: {  	[tilespmem:$0x9190] =	vst v1  }
0x10d: {  	v1 =	vld [tilespmem:s24+$0x8A0];
	_ =	sdelay $0x4  }
0x10e: {  	[tilespmem:$0x9120] =	vst v1  }
0x10f: {  	v1 =	vld [tilespmem:s24+$0x8E0];
	_ =	sdelay $0x4  }
0x110: {  	[tilespmem:$0x91A0] =	vst v1  }
0x111: {  	v1 =	vld [tilespmem:s24+$0x8B0];
	_ =	sdelay $0x4  }
0x112: {  	[tilespmem:$0x9130] =	vst v1  }
0x113: {  	v1 =	vld [tilespmem:s24+$0x8F0];
	_ =	sdelay $0x4  }
0x114: {  	[tilespmem:$0x91B0] =	vst v1  }
0x115: {  	[spmem:s1] =	stream.indirect.scatter.add.f32 [tilespmem:s22], [sflag:$0x3], $0x80, s9, s28, $0xb8;
	[tilespmem:$0x1D300] =	vst v63  }
0x116: {  	_ = 	snop  }
0x117: {  	[spmem:s1] =	stream.indirect.scatter.add.f32 [tilespmem:s11], [sflag:$0x4], $0x80, s10, s28, $0xb8;
	[tilespmem:$0x1D300] =	vst v63  }
0x118: {  	_ =	swait.ge [sflag:s0], $0x2000  }
0x119: {  	[sflag:s0] =	ssyncset.done $0x0  }
0x11a: {  	[sflag:s0] =	ssyncadd.s32 $0xFFFFE000  }
0x11b: {  	_ =	swait.ge [sflag:s18], $0x2000  }
0x11c: {  	[sflag:s18] =	ssyncset.done $0x0  }
0x11d: {  	[sflag:s18] =	ssyncadd.s32 $0xFFFFE000  }
0x11e: {  	v1 =	vld [tilespmem:s24+$0x180];
	_ =	sdelay $0x4  }
0x11f: {  	[tilespmem:$0x9280] =	vst v1  }
0x120: {  	v1 =	vld [tilespmem:s24+$0x190];
	_ =	sdelay $0x4  }
0x121: {  	[tilespmem:$0x9290] =	vst v1  }
0x122: {  	v1 =	vld [tilespmem:s24+$0x1A0];
	_ =	sdelay $0x4  }
0x123: {  	[tilespmem:$0x92A0] =	vst v1  }
0x124: {  	v1 =	vld [tilespmem:s24+$0x1B0];
	_ =	sdelay $0x4  }
0x125: {  	[tilespmem:$0x92B0] =	vst v1  }
0x126: {  	v1 =	vld [tilespmem:s24+$0x1C0];
	_ =	sdelay $0x4  }
0x127: {  	[tilespmem:$0x92C0] =	vst v1  }
0x128: {  	v1 =	vld [tilespmem:s24+$0x1D0];
	_ =	sdelay $0x4  }
0x129: {  	[tilespmem:$0x92D0] =	vst v1  }
0x12a: {  	v1 =	vld [tilespmem:s24+$0x1E0];
	_ =	sdelay $0x4  }
0x12b: {  	[tilespmem:$0x92E0] =	vst v1  }
0x12c: {  	v1 =	vld [tilespmem:s24+$0x1F0]  }
.Ltmp3:
0x12d: {  	(pc) =	sbr.rel @p0 .LBB2_5-.Ltmp3, $2  }
0x12e: {  	_ =	sdelay $0x2  }
0x12f: {  	[tilespmem:$0x92F0] =	vst v1  }
0x130: {  	[tilespmem:s22], [sflag:$0x2] =	stream.indirect.gather [hbm4b:s4+s19], $0x80, s21, s19, $0xb8;
	[tilespmem:$0x1D300] =	vst v63  }
0x131: {  	_ =	swait.ge [sflag:s26], $0x4000  }
0x132: {  	[sflag:s26] =	ssyncset.done $0x0  }
0x133: {  	[sflag:s26] =	ssyncadd.s32 $0xFFFFC000  }
0x134: {  	v1 =	vld [tilespmem:$0xB00]  }
0x135: {  	v2 =	vld [tilespmem:$0xB40]  }
0x136: {  	v3 =	vld [tilespmem:$0xB10]  }
0x137: {  	v4 =	vld [tilespmem:$0xB50]  }
0x138: {  	v5 =	vld [tilespmem:$0xB20]  }
0x139: {  	[tilespmem:$0x9000] =	vst v1;
	v1 =	vld [tilespmem:$0xB60]  }
0x13a: {  	[tilespmem:$0x9080] =	vst v2;
	v2 =	vld [tilespmem:$0xB30]  }
0x13b: {  	[tilespmem:$0x9010] =	vst v3;
	v3 =	vld [tilespmem:$0xB70]  }
0x13c: {  	[tilespmem:$0x9090] =	vst v4  }
0x13d: {  	[tilespmem:$0x9020] =	vst v5  }
0x13e: {  	[tilespmem:$0x90A0] =	vst v1  }
0x13f: {  	[tilespmem:$0x9030] =	vst v2  }
0x140: {  	[tilespmem:$0x90B0] =	vst v3  }
0x141: {  	[spmem:s1] =	stream.indirect.scatter.add.f32 [tilespmem:s16], [sflag:$0x3], $0x80, s29, s28, $0xb8;
	[tilespmem:$0x1D300] =	vst v63  }
0x142: {  	_ = 	snop  }
0x143: {  	[spmem:s1] =	stream.indirect.scatter.add.f32 [tilespmem:s31], [sflag:$0x4], $0x80, s30, s28, $0xb8;
	[tilespmem:$0x1D300] =	vst v63  }
0x144: {  	_ =	swait.ge [sflag:s0], $0x2000  }
0x145: {  	[sflag:s0] =	ssyncset.done $0x0  }
0x146: {  	[sflag:s0] =	ssyncadd.s32 $0xFFFFE000  }
0x147: {  	_ =	swait.ge [sflag:s18], $0x2000  }
0x148: {  	[sflag:s18] =	ssyncset.done $0x0  }
0x149: {  	[sflag:s18] =	ssyncadd.s32 $0xFFFFE000  }
0x14a: {  	v1 =	vld [tilespmem:$0x400]  }
0x14b: {  	v2 =	vld [tilespmem:$0x410]  }
0x14c: {  	v3 =	vld [tilespmem:$0x420]  }
0x14d: {  	v58 =	vld [tilespmem:$0x430]  }
0x14e: {  	v59 =	vld [tilespmem:$0x440]  }
0x14f: {  	[tilespmem:$0x9200] =	vst v1;
	v1 =	vld [tilespmem:$0x450]  }
0x150: {  	[tilespmem:$0x9210] =	vst v2;
	v2 =	vld [tilespmem:$0x460]  }
0x151: {  	[tilespmem:$0x9220] =	vst v3;
	v3 =	vld [tilespmem:$0x470]  }
0x152: {  	[tilespmem:$0x9230] =	vst v58  }
0x153: {  	[tilespmem:$0x9240] =	vst v59  }
0x154: {  	[tilespmem:$0x9250] =	vst v1  }
0x155: {  	[tilespmem:$0x9260] =	vst v2  }
0x156: {  	[tilespmem:$0x9270] =	vst v3  }
0x157: {  	[tilespmem:s16], [sflag:$0x1] =	stream.indirect.gather [hbm4b:s4+s19], $0x80, s20, s19, $0xb8;
	[tilespmem:$0x1D300] =	vst v63  }
0x158: {  	_ =	swait.ge [sflag:s2], $0x4000  }
0x159: {  	[sflag:s2] =	ssyncset.done $0x0  }
0x15a: {  	[sflag:s2] =	ssyncadd.s32 $0xFFFFC000  }
0x15b: {  	v1 =	vld [tilespmem:$0xB80]  }
0x15c: {  	v2 =	vld [tilespmem:$0xBC0]  }
0x15d: {  	v3 =	vld [tilespmem:$0xB90]  }
0x15e: {  	v60 =	vld [tilespmem:$0xBD0]  }
0x15f: {  	v61 =	vld [tilespmem:$0xBA0]  }
0x160: {  	[tilespmem:$0x9100] =	vst v1;
	v1 =	vld [tilespmem:$0xBE0]  }
0x161: {  	[tilespmem:$0x9180] =	vst v2;
	v2 =	vld [tilespmem:$0xBB0]  }
0x162: {  	[tilespmem:$0x9110] =	vst v3;
	v3 =	vld [tilespmem:$0xBF0]  }
0x163: {  	[tilespmem:$0x9190] =	vst v60  }
0x164: {  	[tilespmem:$0x9120] =	vst v61  }
0x165: {  	[tilespmem:$0x91A0] =	vst v1  }
0x166: {  	[tilespmem:$0x9130] =	vst v2  }
0x167: {  	[tilespmem:$0x91B0] =	vst v3  }
0x168: {  	[spmem:s1] =	stream.indirect.scatter.add.f32 [tilespmem:s22], [sflag:$0x3], $0x80, s9, s28, $0xb8;
	[tilespmem:$0x1D300] =	vst v63  }
0x169: {  	_ = 	snop  }
0x16a: {  	[spmem:s1] =	stream.indirect.scatter.add.f32 [tilespmem:s11], [sflag:$0x4], $0x80, s10, s28, $0xb8;
	[tilespmem:$0x1D300] =	vst v63  }
0x16b: {  	_ =	swait.ge [sflag:s0], $0x2000  }
0x16c: {  	[sflag:s0] =	ssyncset.done $0x0  }
0x16d: {  	[sflag:s0] =	ssyncadd.s32 $0xFFFFE000  }
0x16e: {  	_ =	swait.ge [sflag:s18], $0x2000  }
0x16f: {  	[sflag:s18] =	ssyncset.done $0x0  }
0x170: {  	[sflag:s18] =	ssyncadd.s32 $0xFFFFE000  }
0x171: {  	v1 =	vld [tilespmem:$0x480]  }
0x172: {  	v2 =	vld [tilespmem:$0x490]  }
0x173: {  	v3 =	vld [tilespmem:$0x4A0]  }
0x174: {  	v62 =	vld [tilespmem:$0x4B0]  }
0x175: {  	v63 =	vld [tilespmem:$0x4C0]  }
0x176: {  	[tilespmem:$0x9280] =	vst v1;
	v1 =	vld [tilespmem:$0x4D0]  }
0x177: {  	[tilespmem:$0x9290] =	vst v2;
	v2 =	vld [tilespmem:$0x4E0]  }
0x178: {  	[tilespmem:$0x92A0] =	vst v3;
	v3 =	vld [tilespmem:$0x4F0]  }
0x179: {  	[tilespmem:$0x92B0] =	vst v62  }
0x17a: {  	p0 =	seq.s32 s13, $0x4;
	[tilespmem:$0x92C0] =	vst v63  }
0x17b: {  	s14 =	sadd.s32 @!p0 $0x10, s14;
	[tilespmem:$0x92D0] =	vst v1  }
0x17c: {  	s15 =	sadd.s32 @!p0 s5, s14;
	[tilespmem:$0x92E0] =	vst v2  }
0x17d: {  	s15 =	sshll.u32 @!p0 s15, $0x4;
	[tilespmem:$0x92F0] =	vst v3  }
0x17e: {  	[tilespmem:s22], [sflag:$0x2] =	stream.indirect.gather [hbm4b:s4+s19], $0x80, s21, s19, $0xb8;
	[tilespmem:$0x1D300] =	vst v63  }
0x17f: {  	s24 =	simm.s32 @!p0 $0x0;
	s15 =	sadd.s32 @!p0 s6, s15  }
0x180: {  	[tilespmem:s24], [sflag:$0x5] =	stream.linear.gather @!p0 [hbm4b:s15+s24], $0x400, $0x38;
	[tilespmem:$0x1D300] =	vst v63  }
0x181: {  	s15 =	simm.s32 @!p0 $0x5  }
0x182: {  	s14 =	sadd.s32 @!p0 s7, s14;
	_ =	swait.ge @!p0 [sflag:s15], $0x400  }
0x183: {  	s14 =	sshll.u32 @!p0 s14, $0x4;
	[sflag:s15] =	ssyncset.done @!p0 $0x0  }
0x184: {  	s8 =	simm.s32 @!p0 $0x800;
	s14 =	sadd.s32 @!p0 s6, s14;
	[sflag:s15] =	ssyncadd.s32 @!p0 $0xFFFFFC00  }
0x185: {  	[tilespmem:s8], [sflag:$0x5] =	stream.linear.gather @!p0 [hbm4b:s14+s24], $0x400, $0x38;
	[tilespmem:$0x1D300] =	vst v63  }
0x186: {  	_ =	swait.ge @!p0 [sflag:s15], $0x400  }
0x187: {  	[sflag:s15] =	ssyncset.done @!p0 $0x0  }
0x188: {  	[sflag:s15] =	ssyncadd.s32 @!p0 $0xFFFFFC00  }
0x189: {  	_ =	swait.ge [sflag:s26], $0x4000  }
0x18a: {  	[sflag:s26] =	ssyncset.done $0x0  }
0x18b: {  	s24 =	simm.s32 $0x0;
	[sflag:s26] =	ssyncadd.s32 $0xFFFFC000  }
0x18c: {  	v1 =	vld [tilespmem:s24+$0xC00];
	_ =	sdelay $0x4  }
0x18d: {  	[tilespmem:$0x9000] =	vst v1  }
0x18e: {  	v1 =	vld [tilespmem:s24+$0xC40];
	_ =	sdelay $0x4  }
0x18f: {  	[tilespmem:$0x9080] =	vst v1  }
0x190: {  	v1 =	vld [tilespmem:s24+$0xC10];
	_ =	sdelay $0x4  }
0x191: {  	[tilespmem:$0x9010] =	vst v1  }
0x192: {  	v1 =	vld [tilespmem:s24+$0xC50];
	_ =	sdelay $0x4  }
0x193: {  	[tilespmem:$0x9090] =	vst v1  }
0x194: {  	v1 =	vld [tilespmem:s24+$0xC20];
	_ =	sdelay $0x4  }
0x195: {  	[tilespmem:$0x9020] =	vst v1  }
0x196: {  	v1 =	vld [tilespmem:s24+$0xC60];
	_ =	sdelay $0x4  }
0x197: {  	[tilespmem:$0x90A0] =	vst v1  }
0x198: {  	v1 =	vld [tilespmem:s24+$0xC30];
	_ =	sdelay $0x4  }
0x199: {  	[tilespmem:$0x9030] =	vst v1  }
0x19a: {  	v1 =	vld [tilespmem:s24+$0xC70];
	_ =	sdelay $0x4  }
0x19b: {  	[tilespmem:$0x90B0] =	vst v1  }
0x19c: {  	[spmem:s1] =	stream.indirect.scatter.add.f32 [tilespmem:s16], [sflag:$0x3], $0x80, s29, s28, $0xb8;
	[tilespmem:$0x1D300] =	vst v63  }
0x19d: {  	_ = 	snop  }
0x19e: {  	[spmem:s1] =	stream.indirect.scatter.add.f32 [tilespmem:s31], [sflag:$0x4], $0x80, s30, s28, $0xb8;
	[tilespmem:$0x1D300] =	vst v63  }
0x19f: {  	_ =	swait.ge [sflag:s0], $0x2000  }
0x1a0: {  	[sflag:s0] =	ssyncset.done $0x0  }
0x1a1: {  	[sflag:s0] =	ssyncadd.s32 $0xFFFFE000  }
0x1a2: {  	_ =	swait.ge [sflag:s18], $0x2000  }
0x1a3: {  	[sflag:s18] =	ssyncset.done $0x0  }
0x1a4: {  	[sflag:s18] =	ssyncadd.s32 $0xFFFFE000  }
0x1a5: {  	v1 =	vld [tilespmem:s24+$0x500];
	_ =	sdelay $0x4  }
0x1a6: {  	[tilespmem:$0x9200] =	vst v1  }
0x1a7: {  	v1 =	vld [tilespmem:s24+$0x510];
	_ =	sdelay $0x4  }
0x1a8: {  	[tilespmem:$0x9210] =	vst v1  }
0x1a9: {  	v1 =	vld [tilespmem:s24+$0x520];
	_ =	sdelay $0x4  }
0x1aa: {  	[tilespmem:$0x9220] =	vst v1  }
0x1ab: {  	v1 =	vld [tilespmem:s24+$0x530];
	_ =	sdelay $0x4  }
0x1ac: {  	[tilespmem:$0x9230] =	vst v1  }
0x1ad: {  	v1 =	vld [tilespmem:s24+$0x540];
	_ =	sdelay $0x4  }
0x1ae: {  	[tilespmem:$0x9240] =	vst v1  }
0x1af: {  	v1 =	vld [tilespmem:s24+$0x550];
	_ =	sdelay $0x4  }
0x1b0: {  	[tilespmem:$0x9250] =	vst v1  }
0x1b1: {  	v1 =	vld [tilespmem:s24+$0x560];
	_ =	sdelay $0x4  }
0x1b2: {  	[tilespmem:$0x9260] =	vst v1  }
0x1b3: {  	v1 =	vld [tilespmem:s24+$0x570];
	_ =	sdelay $0x4  }
0x1b4: {  	[tilespmem:$0x9270] =	vst v1  }
0x1b5: {  	[tilespmem:s16], [sflag:$0x1] =	stream.indirect.gather [hbm4b:s4+s19], $0x80, s20, s19, $0xb8;
	[tilespmem:$0x1D300] =	vst v63  }
0x1b6: {  	_ =	swait.ge [sflag:s2], $0x4000  }
0x1b7: {  	[sflag:s2] =	ssyncset.done $0x0  }
0x1b8: {  	[sflag:s2] =	ssyncadd.s32 $0xFFFFC000  }
0x1b9: {  	v1 =	vld [tilespmem:s24+$0xC80];
	_ =	sdelay $0x4  }
0x1ba: {  	[tilespmem:$0x9100] =	vst v1  }
0x1bb: {  	v1 =	vld [tilespmem:s24+$0xCC0];
	_ =	sdelay $0x4  }
0x1bc: {  	[tilespmem:$0x9180] =	vst v1  }
0x1bd: {  	v1 =	vld [tilespmem:s24+$0xC90];
	_ =	sdelay $0x4  }
0x1be: {  	[tilespmem:$0x9110] =	vst v1  }
0x1bf: {  	v1 =	vld [tilespmem:s24+$0xCD0];
	_ =	sdelay $0x4  }
0x1c0: {  	[tilespmem:$0x9190] =	vst v1  }
0x1c1: {  	v1 =	vld [tilespmem:s24+$0xCA0];
	_ =	sdelay $0x4  }
0x1c2: {  	[tilespmem:$0x9120] =	vst v1  }
0x1c3: {  	v1 =	vld [tilespmem:s24+$0xCE0];
	_ =	sdelay $0x4  }
0x1c4: {  	[tilespmem:$0x91A0] =	vst v1  }
0x1c5: {  	v1 =	vld [tilespmem:s24+$0xCB0];
	_ =	sdelay $0x4  }
0x1c6: {  	[tilespmem:$0x9130] =	vst v1  }
0x1c7: {  	v1 =	vld [tilespmem:s24+$0xCF0];
	_ =	sdelay $0x4  }
0x1c8: {  	[tilespmem:$0x91B0] =	vst v1  }
0x1c9: {  	[spmem:s1] =	stream.indirect.scatter.add.f32 [tilespmem:s22], [sflag:$0x3], $0x80, s9, s28, $0xb8;
	[tilespmem:$0x1D300] =	vst v63  }
0x1ca: {  	_ = 	snop  }
0x1cb: {  	[spmem:s1] =	stream.indirect.scatter.add.f32 [tilespmem:s11], [sflag:$0x4], $0x80, s10, s28, $0xb8;
	[tilespmem:$0x1D300] =	vst v63  }
0x1cc: {  	_ =	swait.ge [sflag:s0], $0x2000  }
0x1cd: {  	[sflag:s0] =	ssyncset.done $0x0  }
0x1ce: {  	[sflag:s0] =	ssyncadd.s32 $0xFFFFE000  }
0x1cf: {  	_ =	swait.ge [sflag:s18], $0x2000  }
0x1d0: {  	[sflag:s18] =	ssyncset.done $0x0  }
0x1d1: {  	[sflag:s18] =	ssyncadd.s32 $0xFFFFE000  }
0x1d2: {  	v1 =	vld [tilespmem:s24+$0x580];
	_ =	sdelay $0x4  }
0x1d3: {  	[tilespmem:$0x9280] =	vst v1  }
0x1d4: {  	v1 =	vld [tilespmem:s24+$0x590];
	_ =	sdelay $0x4  }
0x1d5: {  	[tilespmem:$0x9290] =	vst v1  }
0x1d6: {  	v1 =	vld [tilespmem:s24+$0x5A0];
	_ =	sdelay $0x4  }
0x1d7: {  	[tilespmem:$0x92A0] =	vst v1  }
0x1d8: {  	v1 =	vld [tilespmem:s24+$0x5B0];
	_ =	sdelay $0x4  }
0x1d9: {  	[tilespmem:$0x92B0] =	vst v1  }
0x1da: {  	v1 =	vld [tilespmem:s24+$0x5C0];
	_ =	sdelay $0x4  }
0x1db: {  	[tilespmem:$0x92C0] =	vst v1  }
0x1dc: {  	v1 =	vld [tilespmem:s24+$0x5D0];
	_ =	sdelay $0x4  }
0x1dd: {  	[tilespmem:$0x92D0] =	vst v1  }
0x1de: {  	v1 =	vld [tilespmem:s24+$0x5E0];
	_ =	sdelay $0x4  }
0x1df: {  	[tilespmem:$0x92E0] =	vst v1  }
0x1e0: {  	v1 =	vld [tilespmem:s24+$0x5F0];
	_ =	sdelay $0x4  }
0x1e1: {  	s14 =	simm.s32 $0x400;
	[tilespmem:$0x92F0] =	vst v1  }
.LBB2_7:
0x1e2: {  	[tilespmem:s22], [sflag:$0x2] =	stream.indirect.gather [hbm4b:s4+s19], $0x80, s21, s19, $0xb8;
	[tilespmem:$0x1D300] =	vst v63  }
0x1e3: {  	s8 =	smov.u32 s14  }
0x1e4: {  	p1 =	sne.s32 s14, $0x800;
	s14 =	sadd.s32 $0x400, s14;
	_ =	swait.ge [sflag:s26], $0x4000  }
0x1e5: {  	[sflag:s26] =	ssyncset.done $0x0  }
0x1e6: {  	s15 =	sshra.s32 s8, $0x2;
	[sflag:s26] =	ssyncadd.s32 $0xFFFFC000  }
0x1e7: {  	v1 =	vld [tilespmem:s15+$0xC00];
	_ =	sdelay $0x4  }
0x1e8: {  	[tilespmem:$0x9000] =	vst v1  }
0x1e9: {  	v1 =	vld [tilespmem:s15+$0xC40];
	_ =	sdelay $0x4  }
0x1ea: {  	[tilespmem:$0x9080] =	vst v1  }
0x1eb: {  	v1 =	vld [tilespmem:s15+$0xC10];
	_ =	sdelay $0x4  }
0x1ec: {  	[tilespmem:$0x9010] =	vst v1  }
0x1ed: {  	v1 =	vld [tilespmem:s15+$0xC50];
	_ =	sdelay $0x4  }
0x1ee: {  	[tilespmem:$0x9090] =	vst v1  }
0x1ef: {  	v1 =	vld [tilespmem:s15+$0xC20];
	_ =	sdelay $0x4  }
0x1f0: {  	[tilespmem:$0x9020] =	vst v1  }
0x1f1: {  	v1 =	vld [tilespmem:s15+$0xC60];
	_ =	sdelay $0x4  }
0x1f2: {  	[tilespmem:$0x90A0] =	vst v1  }
0x1f3: {  	v1 =	vld [tilespmem:s15+$0xC30];
	_ =	sdelay $0x4  }
0x1f4: {  	[tilespmem:$0x9030] =	vst v1  }
0x1f5: {  	v1 =	vld [tilespmem:s15+$0xC70];
	_ =	sdelay $0x4  }
0x1f6: {  	[tilespmem:$0x90B0] =	vst v1  }
0x1f7: {  	[spmem:s1] =	stream.indirect.scatter.add.f32 [tilespmem:s16], [sflag:$0x3], $0x80, s29, s28, $0xb8;
	[tilespmem:$0x1D300] =	vst v63  }
0x1f8: {  	_ = 	snop  }
0x1f9: {  	[spmem:s1] =	stream.indirect.scatter.add.f32 [tilespmem:s31], [sflag:$0x4], $0x80, s30, s28, $0xb8;
	[tilespmem:$0x1D300] =	vst v63  }
0x1fa: {  	_ =	swait.ge [sflag:s0], $0x2000  }
0x1fb: {  	[sflag:s0] =	ssyncset.done $0x0  }
0x1fc: {  	[sflag:s0] =	ssyncadd.s32 $0xFFFFE000  }
0x1fd: {  	_ =	swait.ge [sflag:s18], $0x2000  }
0x1fe: {  	[sflag:s18] =	ssyncset.done $0x0  }
0x1ff: {  	[sflag:s18] =	ssyncadd.s32 $0xFFFFE000  }
0x200: {  	v1 =	vld [tilespmem:s15+$0x500];
	_ =	sdelay $0x4  }
0x201: {  	[tilespmem:$0x9200] =	vst v1  }
0x202: {  	v1 =	vld [tilespmem:s15+$0x510];
	_ =	sdelay $0x4  }
0x203: {  	[tilespmem:$0x9210] =	vst v1  }
0x204: {  	v1 =	vld [tilespmem:s15+$0x520];
	_ =	sdelay $0x4  }
0x205: {  	[tilespmem:$0x9220] =	vst v1  }
0x206: {  	v1 =	vld [tilespmem:s15+$0x530];
	_ =	sdelay $0x4  }
0x207: {  	[tilespmem:$0x9230] =	vst v1  }
0x208: {  	v1 =	vld [tilespmem:s15+$0x540];
	_ =	sdelay $0x4  }
0x209: {  	[tilespmem:$0x9240] =	vst v1  }
0x20a: {  	v1 =	vld [tilespmem:s15+$0x550];
	_ =	sdelay $0x4  }
0x20b: {  	[tilespmem:$0x9250] =	vst v1  }
0x20c: {  	v1 =	vld [tilespmem:s15+$0x560];
	_ =	sdelay $0x4  }
0x20d: {  	[tilespmem:$0x9260] =	vst v1  }
0x20e: {  	v1 =	vld [tilespmem:s15+$0x570];
	_ =	sdelay $0x4  }
0x20f: {  	[tilespmem:$0x9270] =	vst v1  }
0x210: {  	[tilespmem:s16], [sflag:$0x1] =	stream.indirect.gather [hbm4b:s4+s19], $0x80, s20, s19, $0xb8;
	[tilespmem:$0x1D300] =	vst v63  }
0x211: {  	_ =	swait.ge [sflag:s2], $0x4000  }
0x212: {  	[sflag:s2] =	ssyncset.done $0x0  }
0x213: {  	[sflag:s2] =	ssyncadd.s32 $0xFFFFC000  }
0x214: {  	v1 =	vld [tilespmem:s15+$0xC80];
	_ =	sdelay $0x4  }
0x215: {  	[tilespmem:$0x9100] =	vst v1  }
0x216: {  	v1 =	vld [tilespmem:s15+$0xCC0];
	_ =	sdelay $0x4  }
0x217: {  	[tilespmem:$0x9180] =	vst v1  }
0x218: {  	v1 =	vld [tilespmem:s15+$0xC90];
	_ =	sdelay $0x4  }
0x219: {  	[tilespmem:$0x9110] =	vst v1  }
0x21a: {  	v1 =	vld [tilespmem:s15+$0xCD0];
	_ =	sdelay $0x4  }
0x21b: {  	[tilespmem:$0x9190] =	vst v1  }
0x21c: {  	v1 =	vld [tilespmem:s15+$0xCA0];
	_ =	sdelay $0x4  }
0x21d: {  	[tilespmem:$0x9120] =	vst v1  }
0x21e: {  	v1 =	vld [tilespmem:s15+$0xCE0];
	_ =	sdelay $0x4  }
0x21f: {  	[tilespmem:$0x91A0] =	vst v1  }
0x220: {  	v1 =	vld [tilespmem:s15+$0xCB0];
	_ =	sdelay $0x4  }
0x221: {  	[tilespmem:$0x9130] =	vst v1  }
0x222: {  	v1 =	vld [tilespmem:s15+$0xCF0];
	_ =	sdelay $0x4  }
0x223: {  	[tilespmem:$0x91B0] =	vst v1  }
0x224: {  	[spmem:s1] =	stream.indirect.scatter.add.f32 [tilespmem:s22], [sflag:$0x3], $0x80, s9, s28, $0xb8;
	[tilespmem:$0x1D300] =	vst v63  }
0x225: {  	_ = 	snop  }
0x226: {  	[spmem:s1] =	stream.indirect.scatter.add.f32 [tilespmem:s11], [sflag:$0x4], $0x80, s10, s28, $0xb8;
	[tilespmem:$0x1D300] =	vst v63  }
0x227: {  	_ =	swait.ge [sflag:s0], $0x2000  }
0x228: {  	[sflag:s0] =	ssyncset.done $0x0  }
0x229: {  	[sflag:s0] =	ssyncadd.s32 $0xFFFFE000  }
0x22a: {  	_ =	swait.ge [sflag:s18], $0x2000  }
0x22b: {  	[sflag:s18] =	ssyncset.done $0x0  }
0x22c: {  	[sflag:s18] =	ssyncadd.s32 $0xFFFFE000  }
0x22d: {  	v1 =	vld [tilespmem:s15+$0x580];
	_ =	sdelay $0x4  }
0x22e: {  	[tilespmem:$0x9280] =	vst v1  }
0x22f: {  	v1 =	vld [tilespmem:s15+$0x590];
	_ =	sdelay $0x4  }
0x230: {  	[tilespmem:$0x9290] =	vst v1  }
0x231: {  	v1 =	vld [tilespmem:s15+$0x5A0];
	_ =	sdelay $0x4  }
0x232: {  	[tilespmem:$0x92A0] =	vst v1  }
0x233: {  	v1 =	vld [tilespmem:s15+$0x5B0];
	_ =	sdelay $0x4  }
0x234: {  	[tilespmem:$0x92B0] =	vst v1  }
0x235: {  	v1 =	vld [tilespmem:s15+$0x5C0];
	_ =	sdelay $0x4  }
0x236: {  	[tilespmem:$0x92C0] =	vst v1  }
0x237: {  	v1 =	vld [tilespmem:s15+$0x5D0];
	_ =	sdelay $0x4  }
0x238: {  	[tilespmem:$0x92D0] =	vst v1  }
0x239: {  	v1 =	vld [tilespmem:s15+$0x5E0];
	_ =	sdelay $0x4  }
0x23a: {  	[tilespmem:$0x92E0] =	vst v1  }
0x23b: {  	v1 =	vld [tilespmem:s15+$0x5F0]  }
.Ltmp4:
0x23c: {  	(pc) =	sbr.rel @p1 .LBB2_7-.Ltmp4, $2  }
0x23d: {  	_ =	sdelay $0x2  }
0x23e: {  	[tilespmem:$0x92F0] =	vst v1  }
0x23f: {  	[tilespmem:s22], [sflag:$0x2] =	stream.indirect.gather [hbm4b:s4+s19], $0x80, s21, s19, $0xb8;
	[tilespmem:$0x1D300] =	vst v63  }
0x240: {  	_ =	swait.ge [sflag:s26], $0x4000  }
0x241: {  	[sflag:s26] =	ssyncset.done $0x0  }
0x242: {  	[sflag:s26] =	ssyncadd.s32 $0xFFFFC000  }
0x243: {  	v1 =	vld [tilespmem:$0xF00]  }
0x244: {  	v2 =	vld [tilespmem:$0xF40]  }
0x245: {  	v3 =	vld [tilespmem:$0xF10]  }
0x246: {  	v4 =	vld [tilespmem:$0xF50]  }
0x247: {  	v5 =	vld [tilespmem:$0xF20]  }
0x248: {  	[tilespmem:$0x9000] =	vst v1;
	v1 =	vld [tilespmem:$0xF60]  }
0x249: {  	[tilespmem:$0x9080] =	vst v2;
	v2 =	vld [tilespmem:$0xF30]  }
0x24a: {  	[tilespmem:$0x9010] =	vst v3;
	v3 =	vld [tilespmem:$0xF70]  }
0x24b: {  	[tilespmem:$0x9090] =	vst v4  }
0x24c: {  	[tilespmem:$0x9020] =	vst v5  }
0x24d: {  	[tilespmem:$0x90A0] =	vst v1  }
0x24e: {  	[tilespmem:$0x9030] =	vst v2  }
0x24f: {  	[tilespmem:$0x90B0] =	vst v3  }
0x250: {  	[spmem:s1] =	stream.indirect.scatter.add.f32 [tilespmem:s16], [sflag:$0x3], $0x80, s29, s28, $0xb8;
	[tilespmem:$0x1D300] =	vst v63  }
0x251: {  	_ = 	snop  }
0x252: {  	[spmem:s1] =	stream.indirect.scatter.add.f32 [tilespmem:s31], [sflag:$0x4], $0x80, s30, s28, $0xb8;
	[tilespmem:$0x1D300] =	vst v63  }
0x253: {  	_ =	swait.ge [sflag:s0], $0x2000  }
0x254: {  	[sflag:s0] =	ssyncset.done $0x0  }
0x255: {  	[sflag:s0] =	ssyncadd.s32 $0xFFFFE000  }
0x256: {  	_ =	swait.ge [sflag:s18], $0x2000  }
0x257: {  	[sflag:s18] =	ssyncset.done $0x0  }
0x258: {  	[sflag:s18] =	ssyncadd.s32 $0xFFFFE000  }
0x259: {  	v1 =	vld @!p0 [tilespmem:$0x0]  }
0x25a: {  	v2 =	vld @!p0 [tilespmem:$0x10]  }
0x25b: {  	v3 =	vld @!p0 [tilespmem:$0x20]  }
0x25c: {  	v4 =	vld @!p0 [tilespmem:$0x30]  }
0x25d: {  	v5 =	vld @!p0 [tilespmem:$0x40]  }
0x25e: {  	[tilespmem:$0x9200] =	vst @!p0 v1;
	v1 =	vld @!p0 [tilespmem:$0x50]  }
0x25f: {  	[tilespmem:$0x9210] =	vst @!p0 v2;
	v2 =	vld @!p0 [tilespmem:$0x60]  }
0x260: {  	[tilespmem:$0x9220] =	vst @!p0 v3;
	v3 =	vld @!p0 [tilespmem:$0x70]  }
0x261: {  	[tilespmem:$0x9230] =	vst @!p0 v4  }
0x262: {  	[tilespmem:$0x9240] =	vst @!p0 v5  }
0x263: {  	[tilespmem:$0x9250] =	vst @!p0 v1  }
0x264: {  	[tilespmem:$0x9260] =	vst @!p0 v2  }
0x265: {  	s8 =	simm.s32 @!p0 $0x80;
	s14 =	simm.s32 @!p0 $0x9200;
	s15 =	simm.s32 @!p0 $0x1000;
	[tilespmem:$0x9270] =	vst @!p0 v3  }
0x266: {  	[tilespmem:s15], [sflag:$0x1] =	stream.indirect.gather @!p0 [hbm4b:s4+s8], $0x80, s14, s8, $0xb8;
	[tilespmem:$0x1D300] =	vst v63  }
0x267: {  	_ =	swait.ge [sflag:s2], $0x4000  }
0x268: {  	[sflag:s2] =	ssyncset.done $0x0  }
0x269: {  	[sflag:s2] =	ssyncadd.s32 $0xFFFFC000  }
0x26a: {  	v1 =	vld [tilespmem:$0xF80]  }
0x26b: {  	v2 =	vld [tilespmem:$0xFC0]  }
0x26c: {  	v3 =	vld [tilespmem:$0xF90]  }
0x26d: {  	v62 =	vld [tilespmem:$0xFD0]  }
0x26e: {  	v63 =	vld [tilespmem:$0xFA0]  }
0x26f: {  	[tilespmem:$0x9100] =	vst v1;
	v1 =	vld [tilespmem:$0xFE0]  }
0x270: {  	[tilespmem:$0x9180] =	vst v2;
	v2 =	vld [tilespmem:$0xFB0]  }
0x271: {  	[tilespmem:$0x9110] =	vst v3;
	v3 =	vld [tilespmem:$0xFF0]  }
0x272: {  	[tilespmem:$0x9190] =	vst v62  }
0x273: {  	[tilespmem:$0x9120] =	vst v63  }
0x274: {  	[tilespmem:$0x91A0] =	vst v1  }
0x275: {  	[tilespmem:$0x9130] =	vst v2  }
0x276: {  	[tilespmem:$0x91B0] =	vst v3  }
0x277: {  	[spmem:s1] =	stream.indirect.scatter.add.f32 [tilespmem:s22], [sflag:$0x3], $0x80, s9, s28, $0xb8;
	[tilespmem:$0x1D300] =	vst v63  }
0x278: {  	_ = 	snop  }
0x279: {  	[spmem:s1] =	stream.indirect.scatter.add.f32 [tilespmem:s11], [sflag:$0x4], $0x80, s10, s28, $0xb8;
	[tilespmem:$0x1D300] =	vst v63  }
0x27a: {  	_ =	swait.ge [sflag:s0], $0x2000  }
.Ltmp5:
0x27b: {  	[sflag:s0] =	ssyncset.done $0x0;
	(pc) =	sbr.rel @p0 .LBB2_10-.Ltmp5, $4  }
0x27c: {  	[sflag:s0] =	ssyncadd.s32 $0xFFFFE000  }
0x27d: {  	_ =	swait.ge [sflag:s18], $0x2000  }
0x27e: {  	[sflag:s18] =	ssyncset.done $0x0  }
0x27f: {  	[sflag:s18] =	ssyncadd.s32 $0xFFFFE000  }
0x280: {  	v1 =	vld [tilespmem:$0x80]  }
0x281: {  	v2 =	vld [tilespmem:$0x90]  }
0x282: {  	v3 =	vld [tilespmem:$0xA0]  }
0x283: {  	v4 =	vld [tilespmem:$0xB0]  }
0x284: {  	v5 =	vld [tilespmem:$0xC0]  }
0x285: {  	[tilespmem:$0x9280] =	vst v1;
	v1 =	vld [tilespmem:$0xD0]  }
0x286: {  	[tilespmem:$0x9290] =	vst v2;
	v2 =	vld [tilespmem:$0xE0]  }
0x287: {  	[tilespmem:$0x92A0] =	vst v3;
	v3 =	vld [tilespmem:$0xF0]  }
0x288: {  	[tilespmem:$0x92B0] =	vst v4  }
.Ltmp6:
0x289: {  	[tilespmem:$0x92C0] =	vst v5;
	(pc) =	sbr.rel .LBB2_4-.Ltmp6, $4  }
0x28a: {  	[tilespmem:$0x92D0] =	vst v1  }
0x28b: {  	[tilespmem:$0x92E0] =	vst v2  }
0x28c: {  	s13 =	sadd.s32 $0x1, s13;
	[tilespmem:$0x92F0] =	vst v3  }
0x28d: {  	[tilespmem:s22], [sflag:$0x2] =	stream.indirect.gather [hbm4b:s4+s19], $0x80, s21, s19, $0xb8;
	[tilespmem:$0x1D300] =	vst v63  }
.LBB2_11:
0x28e: {  	_ =	sfence.sel $0x180000  }
0x28f: {  	[bflag:$0x0] =	sbarrier.arrive $0xFFFF  }
0x290: {  	_ =	strace $0x9000004A  }
0x291: {  	s0 =	stileid.u32;
	[bflag:$0x2] =	sbarrier.arrive $0xFFFF  }
0x292: {  	p0 =	sne.s32 s0, $0x0;
	s0 =	rddreg [dreg:$0x2]  }
0x293: {  	s0 =	sadd.s32 @!p0 $0x100000, s0  }
0x294: {  	[sflag:s0] =	ssyncadd.tile.s32 @!p0 $0x1;
	_ =	shalt  }
.Lfunc_end2:
_tile_overlayer_lowered:
.L_overlay_start_2:
0x295: {  	(tag) =	ssettag $0x2  }
0x296: {  	s0 =	rddreg [dreg:$0x0];
	s2 =	stileid.u32  }
0x297: {  	s1 =	rddreg [dreg:$0x1];
	p0 =	sne.s32 s2, $0x0  }
0x298: {  	s3 =	rddreg [dreg:$0x2];
	[bflag:$0x3] =	sbarrier.arrive $0xFFFF;
	s2 =	simm.s32 @!p0 $0x1C05  }
0x299: {  	[timem:s3], [sflag:s2] =	dma.local @!p0 [hbm:s0], s1  }
0x29a: {  	s0 =	simm.s32 @!p0 $0x5  }
0x29b: {  	_ =	swait.ge @!p0 [sflag:s0], s1  }
0x29c: {  	s1 =	ssub.s32 @!p0 $0x0, s1;
	[sflag:s0] =	ssyncset.done @!p0 $0x0  }
0x29d: {  	[sflag:s0] =	ssyncadd.s32 @!p0 s1  }
0x29e: {  	[bflag:$0x3] =	sbarrier.arrive $0xFFFF  }
0x29f: {  	_ =	shalt  }

// kernel: kernel.7.cloned.1.call-start
scs
__scs_entry_jumppad:
0x0: {  	(pc) =	sbr.rel $0x88, $3  }
0x1: {  	(tag) =	ssettag $0x0;
	lr =	simm.s32 $0x1  }
0x2: {  	[smem:$0x3F9D] =	sst lr;
	_ =	strace $0xD0000000  }
0x3: {  	_ = 	snop  }
0x4: {  	_ = 	snop  }
0x5: {  	_ = 	snop  }
0x6: {  	_ = 	snop  }
0x7: {  	_ = 	snop  }
__scs_overlays_trampoline_lowered:
0x8: {  	[smem:$0x3FAC] =	sst s0  }
0x9: {  	[smem:$0x3FAD] =	sst s1  }
0xa: {  	[smem:$0x3FAE] =	sst s2  }
0xb: {  	[smem:$0x3FAF] =	sst s3  }
0xc: {  	[smem:$0x3FB0] =	sst s4  }
0xd: {  	[smem:$0x3FB1] =	sst s5  }
0xe: {  	[smem:$0x3FB2] =	sst s6  }
0xf: {  	[smem:$0x3FB3] =	sst s7  }
0x10: {  	[smem:$0x3FB4] =	sst s8  }
0x11: {  	[smem:$0x3FB5] =	sst s9;
	s0 =	simm.s32 @!p0 $0x0  }
0x12: {  	s1 =	sld [smem:$0x3F9B];
	s0 =	simm.s32 @p0 $0x1  }
0x13: {  	[smem:$0x3FB6] =	sst s0;
	s0 =	simm.s32 @!p1 $0x0  }
0x14: {  	s2 =	sld [smem:$0x3F9A];
	s0 =	simm.s32 @p1 $0x1  }
0x15: {  	[smem:$0x3FB7] =	sst s0;
	s0 =	simm.s32 @!p2 $0x0  }
0x16: {  	s3 =	sld [smem:$0x3FDB];
	s0 =	simm.s32 @p2 $0x1  }
0x17: {  	s4 =	simm.s32 $0x1BF5;
	[smem:$0x3FB9] =	sst s0  }
0x18: {  	s0 =	sld [smem:$0x3F9C];
	_ =	swait.ge [sflag:s4], $0x0  }
0x19: {  	s7 =	sld [smem:$0x3F9D]  }
0x1a: {  	s8 =	sadd.s32 $0xFFFFE003, lr  }
0x1b: {  	s9 =	sadd.s32 $0xFFFFFEF7, lr;
	s5 =	simm.s32 $0xFFFFFFFF;
	p2 =	slt.u32 s8, $0xFFFFF086  }
0x1c: {  	p1 =	slt.u32 s9, $0xF7A;
	s5 =	simm.s32 @!p2 $0x0  }
0x1d: {  	s5 =	simm.s32 @p1 $0x1;
	p0 =	seq.s32 s7, s2  }
0x1e: {  	s7 =	smul.u32 @!p0 $0xF7A, s2;
	p2 =	seq.s32 @!p0 s5, $0x0  }
0x1f: {  	s9 =	smul.u32 $0xF7A, s1;
	s8 =	simm.s32 @!p0 $0x1BF5;
	p2 =	por !p2, p0  }
0x20: {  	[sflag:s8] =	ssyncset.s32 @!p0 $0xFFFFF086;
	s6 =	sadd.s32 @!p0 s3, s7;
	s7 =	simm.s32 @!p0 $0x108  }
0x21: {  	s3 =	sadd.s32 s3, s9;
	s6 =	sadd.s32 @!p0 $0x88, s6;
	s7 =	simm.s32 @p2 $0x1082  }
0x22: {  	[simem:s7], [sflag:s8] =	dma.local @!p0 [hbm:s6], $0xF7A  }
0x23: {  	s9 =	sor.u32 $0xD0000000, s2;
	s6 =	simm.s32 $0x108;
	_ =	swait.ge @!p0 [sflag:s8], $0x0  }
0x24: {  	s3 =	sadd.s32 $0x88, s3;
	s6 =	simm.s32 @!p1 $0x1082;
	[sflag:s4] =	ssyncset.s32 $0xFFFFF086  }
0x25: {  	[simem:s6], [sflag:s4] =	dma.local [hbm:s3], $0xF7A  }
0x26: {  	[smem:$0x3F9D] =	sst s1;
	(tag) =	ssettag s2;
	_ =	strace s9  }
0x27: {  	s1 =	sld [smem:$0x3FAD]  }
0x28: {  	s2 =	sld [smem:$0x3FAE]  }
0x29: {  	s4 =	sld [smem:$0x3FB0]  }
0x2a: {  	p0 =	seq.s32 s5, $0x0;
	s5 =	sld [smem:$0x3FB1]  }
0x2b: {  	s6 =	sld [smem:$0x3FB2]  }
0x2c: {  	s7 =	sld [smem:$0x3FB3]  }
0x2d: {  	s3 =	simm.s32 $0x108;
	s8 =	sld [smem:$0x3FB4]  }
0x2e: {  	s3 =	simm.s32 @!p0 $0x1082;
	s9 =	sld [smem:$0x3FB5]  }
0x2f: {  	lr =	sadd.s32 s0, s3;
	s0 =	sld [smem:$0x3FAC]  }
0x30: {  	s3 =	sld [smem:$0x3FAF]  }
0x31: {  	[smem:$0x3FB8] =	sst s10  }
0x32: {  	s10 =	sld [smem:$0x3FB6];
	_ =	sdelay $0x3  }
0x33: {  	p0 =	seq.s32 s10, $0x1;
	s10 =	sld [smem:$0x3FB8];
	_ =	sdelay $0x3  }
0x34: {  	[smem:$0x3FB8] =	sst s10  }
0x35: {  	s10 =	sld [smem:$0x3FB7];
	_ =	sdelay $0x3  }
0x36: {  	p1 =	seq.s32 s10, $0x1;
	s10 =	sld [smem:$0x3FB8];
	_ =	sdelay $0x3  }
0x37: {  	[smem:$0x3FB8] =	sst s10  }
0x38: {  	s10 =	sld [smem:$0x3FB9]  }
0x39: {  	_ = 	snop;
	(pc) =	sbr.ind lr, $3  }
0x3a: {  	_ = 	snop  }
0x3b: {  	_ = 	snop  }
0x3c: {  	p2 =	seq.s32 s10, $0x1;
	s10 =	sld [smem:$0x3FB8]  }
0x3d: {  	_ =	shalt  }
0x3e: {  	_ =	shalt  }
0x3f: {  	_ =	shalt  }
0x40: {  	_ =	shalt  }
0x41: {  	_ =	shalt  }
0x42: {  	_ =	shalt  }
0x43: {  	_ =	shalt  }
0x44: {  	_ =	shalt  }
0x45: {  	_ =	shalt  }
0x46: {  	_ =	shalt  }
0x47: {  	_ =	shalt  }
0x48: {  	_ =	shalt  }
0x49: {  	_ =	shalt  }
0x4a: {  	_ =	shalt  }
0x4b: {  	_ =	shalt  }
0x4c: {  	_ =	shalt  }
0x4d: {  	_ =	shalt  }
0x4e: {  	_ =	shalt  }
0x4f: {  	_ =	shalt  }
0x50: {  	_ =	shalt  }
0x51: {  	_ =	shalt  }
0x52: {  	_ =	shalt  }
0x53: {  	_ =	shalt  }
0x54: {  	_ =	shalt  }
0x55: {  	_ =	shalt  }
0x56: {  	_ =	shalt  }
0x57: {  	_ =	shalt  }
0x58: {  	_ =	shalt  }
0x59: {  	_ =	shalt  }
0x5a: {  	_ =	shalt  }
0x5b: {  	_ =	shalt  }
0x5c: {  	_ =	shalt  }
0x5d: {  	_ =	shalt  }
0x5e: {  	_ =	shalt  }
0x5f: {  	_ =	shalt  }
0x60: {  	_ =	shalt  }
0x61: {  	_ =	shalt  }
0x62: {  	_ =	shalt  }
0x63: {  	_ =	shalt  }
0x64: {  	_ =	shalt  }
0x65: {  	_ =	shalt  }
0x66: {  	_ =	shalt  }
0x67: {  	_ =	shalt  }
0x68: {  	_ =	shalt  }
0x69: {  	_ =	shalt  }
0x6a: {  	_ =	shalt  }
0x6b: {  	_ =	shalt  }
0x6c: {  	_ =	shalt  }
0x6d: {  	_ =	shalt  }
0x6e: {  	_ =	shalt  }
0x6f: {  	_ =	shalt  }
0x70: {  	_ =	shalt  }
0x71: {  	_ =	shalt  }
0x72: {  	_ =	shalt  }
0x73: {  	_ =	shalt  }
0x74: {  	_ =	shalt  }
0x75: {  	_ =	shalt  }
0x76: {  	_ =	shalt  }
0x77: {  	_ =	shalt  }
0x78: {  	_ =	shalt  }
0x79: {  	_ =	shalt  }
0x7a: {  	_ =	shalt  }
0x7b: {  	_ =	shalt  }
0x7c: {  	_ =	shalt  }
0x7d: {  	_ =	shalt  }
0x7e: {  	_ =	shalt  }
0x7f: {  	_ =	shalt  }
0x80: {  	_ =	shalt  }
0x81: {  	_ =	shalt  }
0x82: {  	_ =	shalt  }
0x83: {  	_ =	shalt  }
0x84: {  	_ =	shalt  }
0x85: {  	_ =	shalt  }
0x86: {  	_ =	shalt  }
0x87: {  	_ =	shalt  }
.Lfunc_end0:
.L_simem_size_0:
called_computation_lowered:
.L_overlay_start_0:
0x88: {  	s2 =	sld [smem:$0x3FD9]  }
0x89: {  	s3 =	sld [smem:$0x3FFE];
	_ =	sdelay $0x1  }
0x8a: {  	s1 =	srdreg.scid  }
0x8b: {  	s0 =	sand.u32 $0x1, s1  }
0x8c: {  	s17 =	sshll.u32 s0, $0xA;
	s2 =	sadd.s32 s3, s2  }
0x8d: {  	s2 =	sadd.s32 s2, s17  }
0x8e: {  	[smem:$0x3FC4] =	sst s2  }
0x8f: {  	_ = 	snop  }
0x90: {  	s2 =	sld [smem:$0x3FD0];
	(tm) =	ssettm $0x1  }
0x91: {  	s18 =	sld [smem:$0x3FFB];
	_ =	sdelay $0x3  }
0x92: {  	_ =	strace s18  }
0x93: {  	s3 =	sld [smem:$0x3FFC];
	_ =	sdelay $0x3  }
0x94: {  	_ =	strace s3  }
0x95: {  	s3 =	sld [smem:$0x3FFD];
	_ =	sdelay $0x3  }
0x96: {  	_ =	strace s3  }
0x97: {  	_ =	strace $0x8FFFFFFF  }
0x98: {  	s19 =	sld [smem:$0x3FDB];
	_ =	sdelay $0x1  }
0x99: {  	s4 =	simm.s32 $_scs_section_size  }
0x9a: {  	s5 =	simm.s32 $_size__tile_overlayer_lowered;
	s6 =	simm.s32 $_tile_overlayer_lowered  }
0x9b: {  	s22 =	simm.s32 $0x1BFF;
	s21 =	sshll.u32 s6, $0x1;
	s3 =	sadd.s32 s4, s19  }
0x9c: {  	s7 =	simm.s32 $0x0;
	s20 =	sshll.u32 s5, $0x1;
	s5 =	sadd.s32 s21, s3  }
0x9d: {  	[timem:s7], [sflag:s22] =	dma.local [hbm:s5], s20  }
0x9e: {  	_ =	swait.ge [sflag:s22], s20  }
0x9f: {  	s4 =	ssub.s32 $0x0, s20;
	[sflag:s22] =	ssyncset.done $0x0  }
0xa0: {  	[sflag:s22] =	ssyncadd.s32 s4;
	_ =	sdelay $0x1  }
0xa1: {  	s23 =	simm.s32 $0x1B8B  }
0xa2: {  	_ =	swait.ge [sflag:s23], $0x1  }
0xa3: {  	[sflag:s23] =	ssyncset.done $0x0  }
0xa4: {  	s25 =	simm.s32 $0x1B8E;
	s24 =	sld [smem:$0x3FFE];
	[sflag:s23] =	ssyncadd.s32 $0xFFFFFFFF  }
0xa5: {  	s26 =	simm.s32 $execute0_lowered;
	[smem:$0x3FD2] =	sst s25  }
0xa6: {  	s5 =	sshll.u32 s26, $0x1;
	_ =	strace $0x80000046;
	[dreg:$0x1] =	wrdreg $0xFFFFFFFF  }
0xa7: {  	s28 =	simm.s32 $_size_execute0_lowered;
	s3 =	sadd.s32 s3, s5;
	[dreg:$0x0] =	wrdreg $0x0  }
0xa8: {  	s5 =	sshll.u32 s28, $0x1;
	[dreg:$0x2] =	wrdreg s3  }
0xa9: {  	[dreg:$0x3] =	wrdreg s5  }
0xaa: {  	[dreg:$0x4] =	wrdreg $0xC0  }
0xab: {  	_ =	task [dreg:s7], $0x5FFFF  }
0xac: {  	[dreg:$0x1] =	wrdreg $0xFFFFFFFF  }
0xad: {  	[dreg:$0x0] =	wrdreg $0x60  }
0xae: {  	[dreg:$0x2] =	wrdreg s2  }
0xaf: {  	[dreg:$0x3] =	wrdreg s24  }
0xb0: {  	[dreg:$0x4] =	wrdreg $0x9  }
0xb1: {  	_ =	task.clear_ibuf [dreg:s7], $0x5FFFF;
	_ =	strace $0x90000046  }
0xb2: {  	s29 =	simm.s32 $0x9;
	_ =	strace $0x80000048  }
0xb3: {  	_ =	swait.ge [sflag:s29], $0x1  }
0xb4: {  	[sflag:s29] =	ssyncadd.s32 $0xFFFFFFFF  }
0xb5: {  	_ =	strace $0x90000048  }
0xb6: {  	_ =	sfence  }
0xb7: {  	s30 =	sld [smem:$0x0];
	_ =	sdelay $0x2  }
0xb8: {  	s31 =	sshll.u32 s1, $0xD;
	s1 =	sshrl.u32 s1, $0x2  }
0xb9: {  	s3 =	sand.u32 $0x4000, s31;
	s1 =	sadd.s32 s1, s30  }
0xba: {  	s0 =	sor.u32 s3, s0;
	s1 =	sshll.u32 s1, $0x11  }
0xbb: {  	s0 =	sor.u32 s1, s0  }
0xbc: {  	s0 =	sadd.s32 $0x8F2B, s0  }
0xbd: {  	[sflag:s0] =	ssyncadd.remote.s32 $0x1  }
0xbe: {  	_ =	sfence.sel $0xFFFF  }
0xbf: {  	[dreg:$0x0] =	wrdreg $0xFFFFFFFF;
	(pc) =	sbr.abs _section_cstart, $3  }
0xc0: {  	[dreg:$0x1] =	wrdreg $0xFFFFFFFF  }
0xc1: {  	_ =	task.clear_ibuf [dreg:s7], $0x2FFFF;
	_ =	strace $0x9FFFFFFF  }
0xc2: {  	(tm) =	ssettm $0x7FFFFFFF  }
0xc3: {  	_ =	shalt  }
tec
execute0_lowered:
.L_overlay_start_1:
0x0: {  	(tag) =	ssettag $0x1  }
0x1: {  	s2 =	rddreg [dreg:$0x0]  }
0x2: {  	s5 =	rddreg [dreg:$0x1];
	s3 =	srdreg.scid  }
0x3: {  	s1 =	stileid.u32;
	s0 =	rddreg [dreg:$0x2];
	s10 =	simm.s32 $0x80  }
0x4: {  	s11 =	simm.s32 $0x0;
	s4 =	sand.u32 $0x1, s3;
	s6 =	sshll.u32 s1, $0x1  }
0x5: {  	s3 =	simm.s32 $0x0;
	s7 =	sshrl.u32 s1, $0x2;
	s6 =	sor.u32 s4, s6  }
0x6: {  	[smem:$0x7FF] =	sst s3;
	s7 =	smul.u32 $0x14000, s7;
	s8 =	sshll.u32 s6, $0x7  }
0x7: {  	s31 =	ssub.s32 $0x2, s4;
	s4 =	sadd.s32 $0x1C00, s5;
	s8 =	sand.u32 $0x380, s8  }
0x8: {  	s6 =	smul.u32 $0x2800, s6;
	s9 =	sshrl.u32 s31, $0x1;
	s7 =	sor.u32 s7, s8  }
0x9: {  	_ =	strace $0x80000047;
	s8 =	ssub.s32 s31, s9;
	s7 =	sshrl.u32 s7, $0x3  }
0xa: {  	s9 =	simm.s32 $0x1;
	s7 =	sadd.s32 s7, s5;
	s5 =	sadd.s32 $0x50000, s6  }
0xb: {  	v0 =	vimm.f32 $1.000000000e+00;
	s6 =	sadd.s32 $0x2200, s7;
	s7 =	smax.u32 s8, $0x1;
	s8 =	simm.s32 $0x400  }
.LBB2_1:
0xc: {  	[tilespmem:s8], [sflag:$0x1] =	stream.linear.gather [hbm4b:s4+s3], $0x2800, $0x38;
	[tilespmem:$0x2C00] =	vst v63  }
0xd: {  	_ =	swait.ge [sflag:s9], $0x2800  }
0xe: {  	[sflag:s9] =	ssyncset.done $0x0  }
0xf: {  	s12 =	simm.s32 $0x0;
	[sflag:s9] =	ssyncadd.s32 $0xFFFFD800  }
.LBB2_2:
0x10: {  	s13 =	sshll.u32 s12, $0xA  }
0x11: {  	s13 =	sadd.s32 s13, s5  }
0x12: {  	s13 =	sshrl.u32 s13, $0x3  }
0x13: {  	s14 =	simm.s32 $0x0;
	s13 =	sadd.s32 s2, s13  }
0x14: {  	[tilespmem:s14], [sflag:$0x1] =	stream.linear.gather [hbm4b:s13+s14], $0x400, $0x38;
	[tilespmem:$0x2C00] =	vst v63  }
0x15: {  	_ =	swait.ge [sflag:s9], $0x400  }
0x16: {  	[sflag:s9] =	ssyncset.done $0x0  }
0x17: {  	s14 =	simm.s32 $0x0;
	s13 =	simm.s32 $0x40;
	[sflag:s9] =	ssyncadd.s32 $0xFFFFFC00  }
.LBB2_3:
0x18: {  	p0 =	sne.s32 s13, $0xFC0;
	v1 =	vld [tilespmem:s14+$0x0];
	_ =	sdelay $0x3  }
.Ltmp0:
0x19: {  	(pc) =	sbr.rel @p0 .LBB2_3-.Ltmp0, $2  }
0x1a: {  	_ =	sdelay $0x2  }
0x1b: {  	s14 =	sshra.s32 s13, $0x2;
	s13 =	sadd.s32 $0x40, s13;
	[tilespmem:v1+s8+$0x0] =	vst.idx.add.f32.msk $0xffff, v0  }
0x1c: {  	v1 =	vld [tilespmem:s14+$0x0];
	_ =	sdelay $0x1  }
0x1d: {  	s12 =	sadd.s32 $0x1, s12  }
0x1e: {  	p0 =	sne.s32 s12, $0xA  }
.Ltmp1:
0x1f: {  	_ = 	snop;
	(pc) =	sbr.rel @p0 .LBB2_2-.Ltmp1, $2  }
0x20: {  	_ =	sdelay $0x2  }
0x21: {  	[tilespmem:v1+s8+$0x0] =	vst.idx.add.f32.msk $0xffff, v0  }
0x22: {  	s11 =	sadd.s32 $0x1, s11  }
0x23: {  	p0 =	sne.s32 s11, s7  }
.Ltmp2:
0x24: {  	_ = 	snop;
	(pc) =	sbr.rel @p0 .LBB2_1-.Ltmp2, $4  }
0x25: {  	[hbm4b:s6+s10] =	stream.strided.scatter [tilespmem:s8], [sflag:$0x1], $0x2800, s8, s10, $0x38;
	[tilespmem:$0x2C00] =	vst v63  }
0x26: {  	_ =	swait.ge [sflag:s9], $0x2800  }
0x27: {  	[sflag:s9] =	ssyncset.done $0x0  }
0x28: {  	[sflag:s9] =	ssyncadd.s32 $0xFFFFD800  }
0x29: {  	_ =	sfence.sel $0x180000  }
0x2a: {  	[bflag:$0x0] =	sbarrier.arrive $0xFFFF  }
0x2b: {  	p0 =	sne.s32 s1, $0x0;
	_ =	strace $0x90000047  }
0x2c: {  	s0 =	sadd.s32 @!p0 $0x100000, s0;
	[bflag:$0x2] =	sbarrier.arrive $0xFFFF  }
0x2d: {  	[sflag:s0] =	ssyncadd.tile.s32 @!p0 $0x1;
	_ =	shalt  }
.Lfunc_end2:
_tile_overlayer_lowered:
.L_overlay_start_2:
0x2e: {  	(tag) =	ssettag $0x2  }
0x2f: {  	s0 =	rddreg [dreg:$0x0];
	s2 =	stileid.u32  }
0x30: {  	s1 =	rddreg [dreg:$0x1];
	p0 =	sne.s32 s2, $0x0  }
0x31: {  	s3 =	rddreg [dreg:$0x2];
	[bflag:$0x3] =	sbarrier.arrive $0xFFFF;
	s2 =	simm.s32 @!p0 $0x1C01  }
0x32: {  	[timem:s3], [sflag:s2] =	dma.local @!p0 [hbm:s0], s1  }
0x33: {  	s0 =	simm.s32 @!p0 $0x1  }
0x34: {  	_ =	swait.ge @!p0 [sflag:s0], s1  }
0x35: {  	s1 =	ssub.s32 @!p0 $0x0, s1;
	[sflag:s0] =	ssyncset.done @!p0 $0x0  }
0x36: {  	[sflag:s0] =	ssyncadd.s32 @!p0 s1  }
0x37: {  	[bflag:$0x3] =	sbarrier.arrive $0xFFFF  }
0x38: {  	_ =	shalt  }

</sc_bundles>
